<compile_context>
chip_gen: v7x
topology: tpu7x:2x2x1
jax: 0.10.2.dev20260603
libtpu: 0.0.44.dev20260713+nightly
codegen_flags: <defaults>
</compile_context>

<pallas_src>
import functools
import math

import jax
import jax.numpy as jnp
from jax import lax
from jax.experimental import pallas as pl
from jax.experimental.pallas import tpu as pltpu
from jax.experimental.pallas import tpu_sc as plsc

N, E, B, L, DIN, D = 10000, 320000, 256, 1000, 78, 128
NPAD = 10240
NC, NS = 2, 16
CH = 64
EPAD = 327680
NCHUNK = EPAD // CH
NITER = NCHUNK // (NC * NS)
GS = 32
BR = 1024
TN = 128
LD = L * D


def _seg_partials(h, src2d, dst2d, zeros):
    mesh = plsc.VectorSubcoreMesh(core_axis_name="c", subcore_axis_name="s")
    NBUF = 4

    @functools.partial(
        pl.kernel,
        out_type=jax.ShapeDtypeStruct((NC * NPAD, D), jnp.float32),
        mesh=mesh,
        scratch_types=[
            pltpu.VMEM((GS, CH), jnp.int32),
            pltpu.VMEM((GS, CH), jnp.int32),
        ] + [pltpu.VMEM((CH, D), jnp.float32) for _ in range(NBUF)] + [
            pltpu.VMEM_SHARED((NPAD, D), jnp.float32),
        ] + [pltpu.SemaphoreType.DMA for _ in range(NBUF)],
    )
    def k(h_hbm, src_hbm, dst_hbm, zeros_hbm, out_hbm,
          sidx, didx, *rest):
        rows = rest[:NBUF]
        accum = rest[NBUF]
        sems = rest[NBUF + 1:]
        c = lax.axis_index("c")
        s = lax.axis_index("s")
        rps = NPAD // NS
        pltpu.sync_copy(zeros_hbm.at[pl.ds(s * rps, rps)],
                        accum.at[pl.ds(s * rps, rps)])
        cb = (c * NS + s) * NITER
        plsc.subcore_barrier()

        def group(g, carry):
            pltpu.sync_copy(src_hbm.at[pl.ds(cb + g * GS, GS)], sidx)
            pltpu.sync_copy(dst_hbm.at[pl.ds(cb + g * GS, GS)], didx)
            for j in range(NBUF):
                pltpu.async_copy(h_hbm.at[sidx.at[j]], rows[j], sems[j])

            def body(t, carry2):
                for j in range(NBUF):
                    i = NBUF * t + j
                    pltpu.make_async_copy(
                        h_hbm.at[sidx.at[i]], rows[j], sems[j]).wait()
                    pltpu.sync_copy(rows[j], accum.at[didx.at[i]], add=True)

                    @pl.when(i + NBUF < GS)
                    def _():
                        pltpu.async_copy(
                            h_hbm.at[sidx.at[i + NBUF]], rows[j], sems[j])
                return carry2

            lax.fori_loop(0, GS // NBUF, body, 0)
            return carry

        lax.fori_loop(0, NITER // GS, group, 0)
        plsc.subcore_barrier()
        pltpu.sync_copy(accum.at[pl.ds(s * rps, rps)],
                        out_hbm.at[pl.ds(c * NPAD + s * rps, rps)])

    out = k(h, src2d, dst2d, zeros)
    return out.reshape(NC, NPAD, D)


def _conv_mlp(h, p0, p1, w1t, b1, w2t, b2):
    nb = NPAD // BR

    def body(h_ref, p0_ref, p1_ref, w1_ref, b1_ref, w2_ref, b2_ref, z_ref, st_ref):
        i = pl.program_id(0)

        @pl.when(i == 0)
        def _():
            st_ref[...] = jnp.zeros_like(st_ref)

        x = h_ref[...] + p0_ref[...] + p1_ref[...]
        z1 = jnp.maximum(
            jnp.dot(x, w1_ref[...], preferred_element_type=jnp.float32)
            + b1_ref[...], 0.0)
        z = jnp.maximum(
            jnp.dot(z1, w2_ref[...], preferred_element_type=jnp.float32)
            + b2_ref[...], 0.0)
        rid = i * BR + lax.broadcasted_iota(jnp.int32, (BR, 1), 0)
        z = jnp.where(rid < N, z, 0.0)
        z_ref[...] = z
        st_ref[0:1, :] += jnp.sum(z, axis=0, keepdims=True)
        st_ref[1:2, :] += jnp.sum(z * z, axis=0, keepdims=True)

    return pl.pallas_call(
        body,
        grid=(nb,),
        in_specs=[
            pl.BlockSpec((BR, D), lambda i: (i, 0)),
            pl.BlockSpec((BR, D), lambda i: (i, 0)),
            pl.BlockSpec((BR, D), lambda i: (i, 0)),
            pl.BlockSpec((D, D), lambda i: (0, 0)),
            pl.BlockSpec((1, D), lambda i: (0, 0)),
            pl.BlockSpec((D, D), lambda i: (0, 0)),
            pl.BlockSpec((1, D), lambda i: (0, 0)),
        ],
        out_specs=[
            pl.BlockSpec((BR, D), lambda i: (i, 0)),
            pl.BlockSpec((8, D), lambda i: (0, 0)),
        ],
        out_shape=[
            jax.ShapeDtypeStruct((NPAD, D), jnp.float32),
            jax.ShapeDtypeStruct((8, D), jnp.float32),
        ],
    )(h, p0, p1, w1t, b1, w2t, b2)


def _bn_apply(z, st, g, bb):
    nb = NPAD // BR

    def body(z_ref, st_ref, g_ref, b_ref, h_ref):
        mu = st_ref[0:1, :] / N
        var = st_ref[1:2, :] / N - mu * mu
        a = g_ref[...] * lax.rsqrt(var + 1e-5)
        c = b_ref[...] - mu * a
        h_ref[...] = z_ref[...] * a + c

    return pl.pallas_call(
        body,
        grid=(nb,),
        in_specs=[
            pl.BlockSpec((BR, D), lambda i: (i, 0)),
            pl.BlockSpec((8, D), lambda i: (0, 0)),
            pl.BlockSpec((1, D), lambda i: (0, 0)),
            pl.BlockSpec((1, D), lambda i: (0, 0)),
        ],
        out_specs=pl.BlockSpec((BR, D), lambda i: (i, 0)),
        out_shape=jax.ShapeDtypeStruct((NPAD, D), jnp.float32),
    )(z, st, g, bb)


def _ht(h, tablet):
    nb = NPAD // BR
    scale = 1.0 / math.sqrt(float(D))

    def body(h_ref, t_ref, o_ref):
        o_ref[...] = jnp.dot(h_ref[...], t_ref[...],
                             preferred_element_type=jnp.float32) * scale

    return pl.pallas_call(
        body,
        grid=(nb,),
        in_specs=[
            pl.BlockSpec((BR, D), lambda i: (i, 0)),
            pl.BlockSpec((D, 32), lambda i: (0, 0)),
        ],
        out_specs=pl.BlockSpec((BR, 32), lambda i: (i, 0)),
        out_shape=jax.ShapeDtypeStruct((NPAD, 32), jnp.float32),
    )(h, tablet)


def _attention(ht, batch_pad, target3, table_pad):

    def body(batch_ref, tgt_ref, table_ref, ht_ref, pooled_ref):
        b = pl.program_id(0)
        bat = batch_ref[...]
        off0 = jnp.sum((bat < b).astype(jnp.int32))
        off1 = jnp.sum((bat <= b).astype(jnp.int32))
        tgt_row = tgt_ref[0]
        oht = (lax.broadcasted_iota(jnp.int32, (32, L), 0) == tgt_row
               ).astype(jnp.float32)
        n = off1 - off0
        nfull = n // TN

        def block_at(start, tn):
            rows = ht_ref[pl.ds(start, tn), :]
            s = jnp.dot(rows, oht, preferred_element_type=jnp.float32)
            m = jnp.max(s, axis=1, keepdims=True)
            e = jnp.exp(s - m)
            rs = jnp.sum(e, axis=1, keepdims=True)
            rid = start + lax.broadcasted_iota(jnp.int32, (tn, 1), 0)
            w = jnp.where(rid < off1, 1.0 / rs, 0.0)
            return lax.dot_general(w, e, (((0,), (0,)), ((), ())),
                                   preferred_element_type=jnp.float32)

        colv = lax.fori_loop(
            0, nfull,
            lambda j, acc: acc + block_at(off0 + j * TN, TN),
            jnp.zeros((1, L), jnp.float32))
        tail = off0 + nfull * TN

        def mk(tn):
            return lambda acc: acc + block_at(tail, tn)

        colv = lax.switch((n % TN + 31) // 32,
                          [lambda acc: acc, mk(32), mk(64), mk(96), mk(128)],
                          colv)
        cs = lax.dot_general(colv, oht, (((1,), (1,)), ((), ())),
                             preferred_element_type=jnp.float32)
        pooled_ref[0] = jnp.dot(cs, table_ref[...],
                                preferred_element_type=jnp.float32)

    return pl.pallas_call(
        body,
        grid=(B,),
        in_specs=[
            pl.BlockSpec((NPAD // D, D), lambda b: (0, 0)),
            pl.BlockSpec((1, 1, L), lambda b: (b, 0, 0)),
            pl.BlockSpec((32, D), lambda b: (0, 0)),
            pl.BlockSpec((NPAD, 32), lambda b: (0, 0)),
        ],
        out_specs=pl.BlockSpec((1, 1, D), lambda b: (b, 0, 0)),
        out_shape=jax.ShapeDtypeStruct((B, 1, D), jnp.float32),
    )(batch_pad, target3, table_pad, ht)


def _xt_matmul(targett, table_pad, w, bias):
    kl = 8
    nk = L // kl

    def body(t_ref, table_ref, w_ref, b_ref, o_ref):
        k = pl.program_id(0)

        @pl.when(k == 0)
        def _():
            o_ref[...] = jnp.broadcast_to(b_ref[...], (B, D))

        acc = jnp.zeros((B, D), jnp.float32)
        for j in range(kl):
            qb = lax.dot_general(table_ref[...], w_ref[:, j * D:(j + 1) * D],
                                 (((1,), (1,)), ((), ())),
                                 preferred_element_type=jnp.float32)
            oht = (lax.broadcasted_iota(jnp.int32, (32, B), 0)
                   == t_ref[j:j + 1, :]).astype(jnp.float32)
            acc += lax.dot_general(oht, qb, (((0,), (0,)), ((), ())),
                                   preferred_element_type=jnp.float32)
        o_ref[...] += acc

    return pl.pallas_call(
        body,
        grid=(nk,),
        in_specs=[
            pl.BlockSpec((kl, B), lambda k: (k, 0)),
            pl.BlockSpec((32, D), lambda k: (0, 0)),
            pl.BlockSpec((D, kl * D), lambda k: (0, k)),
            pl.BlockSpec((1, D), lambda k: (0, 0)),
        ],
        out_specs=pl.BlockSpec((B, D), lambda k: (0, 0)),
        out_shape=jax.ShapeDtypeStruct((B, D), jnp.float32),
    )(targett, table_pad, w, bias)


def _head(pooled, xt, fxd_t, fxd_b, fc1_t, fc1_b, fc2_t, fc2_b, outw_p, outb):
    def body(p_ref, xt_ref, w0_ref, b0_ref, w1_ref, b1_ref, w2_ref, b2_ref,
             w3_ref, b3_ref, o_ref):
        xg = jnp.maximum(
            jnp.dot(p_ref[...], w0_ref[...], preferred_element_type=jnp.float32)
            + b0_ref[...], 0.0)
        xc = jnp.concatenate([xg, xt_ref[...]], axis=1)
        h1 = jnp.maximum(
            jnp.dot(xc, w1_ref[...], preferred_element_type=jnp.float32)
            + b1_ref[...], 0.0)
        h2 = jnp.maximum(
            jnp.dot(h1, w2_ref[...], preferred_element_type=jnp.float32)
            + b2_ref[...], 0.0)
        o_ref[...] = (jnp.dot(h2, w3_ref[...], preferred_element_type=jnp.float32)
                      + b3_ref[...])

    return pl.pallas_call(
        body,
        out_shape=jax.ShapeDtypeStruct((B, D), jnp.float32),
    )(pooled, xt, fxd_t, fxd_b, fc1_t, fc1_b, fc2_t, fc2_b, outw_p, outb)


def kernel(x, edge_index, batch, target, params):
    pad_dst = N + jnp.arange(EPAD - E, dtype=jnp.int32) % (NPAD - N)
    pad_src = jnp.arange(EPAD - E, dtype=jnp.int32) % N
    src2d = jnp.concatenate(
        [edge_index[0], pad_src]).reshape(NCHUNK, CH)
    dst2d = jnp.concatenate(
        [edge_index[1], pad_dst]).reshape(NCHUNK, CH)
    zeros = jnp.zeros((NPAD, D), jnp.float32)
    table_pad = jnp.pad(params['emb'], ((0, 32 - 26), (0, 0)))
    xt = _xt_matmul(target.T, table_pad, params['fc1xt_W'],
                    params['fc1xt_b'].reshape(1, D))
    h = jnp.pad(x, ((0, NPAD - N), (0, D - DIN)))
    for c in (1, 2, 3):
        w1 = params['conv%d_W1' % c]
        if c == 1:
            w1 = jnp.pad(w1, ((0, 0), (0, D - DIN)))
        parts = _seg_partials(h, src2d, dst2d, zeros)
        z, st = _conv_mlp(h, parts[0], parts[1], w1.T,
                          params['conv%d_b1' % c].reshape(1, D),
                          params['conv%d_W2' % c].T,
                          params['conv%d_b2' % c].reshape(1, D))
        h = _bn_apply(z, st, params['bn%d_g' % c].reshape(1, D),
                      params['bn%d_b' % c].reshape(1, D))

    batch_pad = jnp.concatenate(
        [batch, jnp.full((NPAD - N,), B, jnp.int32)]).reshape(NPAD // D, D)
    ht = _ht(h, table_pad.T)
    pooled = _attention(ht, batch_pad, target.reshape(B, 1, L), table_pad)
    pooled = pooled.reshape(B, D)

    outw_p = jnp.pad(params['out_W'].T, ((0, 0), (0, D - 1)))
    out = _head(pooled, xt,
                params['fc1xd_W'].T, params['fc1xd_b'].reshape(1, D),
                params['fc1_W'].T, params['fc1_b'].reshape(1, 1024),
                params['fc2_W'].T, params['fc2_b'].reshape(1, 256),
                outw_p, jnp.pad(params['out_b'].reshape(1, 1),
                                ((0, 0), (0, D - 1))))
    return out[:, :1]

# --- scband reference (transcript-rebuilt; emitter-appended) ---
"""Pipeline reference for scband-attn-ginprot-emb-35390530519809 (READ-ONLY COPY).

The authoritative reference and input builder live on the scoring server;
editing this copy changes nothing except your own understanding.
"""

import jax, jax.numpy as jnp
import numpy as np

N, E, B, L, DIN, D = 10000, 320000, 256, 1000, 78, 128


def _lin(x, W, b):
    return x @ W.T + b


def _bn(x, g, b):
    mu = jnp.mean(x, axis=0)
    var = jnp.var(x, axis=0)
    return (x - mu) / jnp.sqrt(var + 1e-5) * g + b


def _make_params(key):
    ks = jax.random.split(key, 40)
    s = 0.05
    p = {}
    i = [0]
    def nrm(shape):
        a = jax.random.normal(ks[i[0]], shape, dtype=jnp.float32) * s
        i[0] += 1
        return a
    for c in (1, 2, 3):
        din = DIN if c == 1 else D
        p['conv%d_W1' % c] = nrm((D, din)); p['conv%d_b1' % c] = nrm((D,))
        p['conv%d_W2' % c] = nrm((D, D)); p['conv%d_b2' % c] = nrm((D,))
        p['bn%d_g' % c] = jnp.ones((D,), jnp.float32)
        p['bn%d_b' % c] = jnp.zeros((D,), jnp.float32)
    p['emb'] = nrm((26, D))
    p['fc1xd_W'] = nrm((D, D)); p['fc1xd_b'] = nrm((D,))
    p['fc1xt_W'] = nrm((D, D * L)); p['fc1xt_b'] = nrm((D,))
    p['fc1_W'] = nrm((1024, 256)); p['fc1_b'] = nrm((1024,))
    p['fc2_W'] = nrm((256, 1024)); p['fc2_b'] = nrm((256,))
    p['out_W'] = nrm((1, 256)); p['out_b'] = nrm((1,))
    return p


def setup_inputs(seed: int = 0) -> dict:
    key = jax.random.key(seed)
    k1, k2, k3, k4, kp = jax.random.split(key, 5)
    x = jax.random.normal(k1, (N, DIN), dtype=jnp.float32)
    edge_index = jax.random.randint(k2, (2, E), 0, N, dtype=jnp.int32)
    batch = jnp.sort(jax.random.randint(k3, (N,), 0, B, dtype=jnp.int32))
    target = jax.random.randint(k4, (B, L), 0, 26, dtype=jnp.int32)
    params = _make_params(kp)
    return {"x": x, "edge_index": edge_index, "batch": batch, "target": target, "params": params}


def _forward(x, params, edge_index, batch, target):
    src, dst = edge_index[0], edge_index[1]
    h = x
    for c in (1, 2, 3):
        # GINConv (eps=0): MLP(x + sum_{j->i} x_j), scatter-add aggregation
        agg = jax.ops.segment_sum(h[src], dst, num_segments=N)
        z = h + agg
        z = jax.nn.relu(_lin(z, params['conv%d_W1' % c], params['conv%d_b1' % c]))
        z = _lin(z, params['conv%d_W2' % c], params['conv%d_b2' % c])
        z = jax.nn.relu(z)
        h = _bn(z, params['bn%d_g' % c], params['bn%d_b' % c])
    # protein embedding lookup (gather)
    emb = params['emb'][target]  # [B, L, D]
    # cross-attention: each node attends over its graph's protein embedding
    emb_n = emb[batch]  # [N, L, D]
    scores = jnp.einsum('nd,nkd->nk', h, emb_n) / jnp.sqrt(float(D))
    w = jax.nn.softmax(scores, axis=-1)
    out_r = jnp.einsum('nk,nkd->nd', w, emb_n)  # [N, D]
    # global_add_pool (segment-sum by graph id)
    pooled = jax.ops.segment_sum(out_r, batch, num_segments=B)
    xg = jax.nn.relu(_lin(pooled, params['fc1xd_W'], params['fc1xd_b']))
    xt = emb.reshape(B, L * D)
    xt = _lin(xt, params['fc1xt_W'], params['fc1xt_b'])
    xc = jnp.concatenate([xg, xt], axis=1)
    xc = jax.nn.relu(_lin(xc, params['fc1_W'], params['fc1_b']))
    xc = jax.nn.relu(_lin(xc, params['fc2_W'], params['fc2_b']))
    return _lin(xc, params['out_W'], params['out_b'])


def reference(x, edge_index, batch, target, params):
    return _forward(x, params, edge_index, batch, target)

if __name__ == "__main__":
    import jax
    _d = setup_inputs()
    print(jax.jit(kernel)(*tuple(_d.values())))

</pallas_src>

<mosaic_0001>
#map = affine_map<(d0, d1) -> (0, 0)>
module attributes {stable_mosaic.version = 14 : i64} {
  func.func @k(%arg0: i32, %arg1: i32, %arg2: memref<10240x128xf32, #tpu.memory_space<hbm>>, %arg3: memref<5120x64xi32, #tpu.memory_space<hbm>>, %arg4: memref<5120x64xi32, #tpu.memory_space<hbm>>, %arg5: memref<10240x128xf32, #tpu.memory_space<hbm>>, %arg6: memref<20480x128xf32, #tpu.memory_space<hbm>>, %arg7: memref<32x64xi32, #tpu.memory_space<vmem>>, %arg8: memref<32x64xi32, #tpu.memory_space<vmem>>, %arg9: memref<64x128xf32, #tpu.memory_space<vmem>>, %arg10: memref<64x128xf32, #tpu.memory_space<vmem>>, %arg11: memref<64x128xf32, #tpu.memory_space<vmem>>, %arg12: memref<64x128xf32, #tpu.memory_space<vmem>>, %arg13: memref<10240x128xf32, #tpu.memory_space<vmem_shared>>, %arg14: memref<!tpu.dma_semaphore, #tpu.memory_space<semaphore_mem>>, %arg15: memref<!tpu.dma_semaphore, #tpu.memory_space<semaphore_mem>>, %arg16: memref<!tpu.dma_semaphore, #tpu.memory_space<semaphore_mem>>, %arg17: memref<!tpu.dma_semaphore, #tpu.memory_space<semaphore_mem>>) attributes {dimension_semantics = [#tpu.dimension_semantics<core_parallel>, #tpu.dimension_semantics<subcore_parallel>], iteration_bounds = array<i64: 2, 16>, scalar_prefetch = 0 : i64, scratch_operands = 11 : i64, tpu.core_type = #tpu.core_type<sc_vector_subcore>, window_params = [{transform_indices = #map}, {transform_indices = #map}, {transform_indices = #map}, {transform_indices = #map}, {transform_indices = #map}]} {
    %mul3A = arith.constant 640 : i32
    %mul3A_0 = arith.muli %arg1, %mul3A : i32
    %mul3A_1 = arith.constant 640 : i32
    %mul3A_2 = arith.muli %arg1, %mul3A_1 : i32
    "tpu.region"() ({
      %run_scoped3A = tpu.sem_alloc : memref<!tpu.dma_semaphore, #tpu.memory_space<semaphore_mem>>
      %dma_start3A = arith.constant 0 : i32
      %dma_start3A_20 = tpu.memref_slice %arg13[%mul3A_2, %dma_start3A] : memref<10240x128xf32, #tpu.memory_space<vmem_shared>> -> memref<640x128xf32, #tpu.memory_space<vmem_shared>>
      %dma_start3A_21 = arith.constant 0 : i32
      %dma_start3A_22 = tpu.memref_slice %arg5[%mul3A_0, %dma_start3A_21] : memref<10240x128xf32, #tpu.memory_space<hbm>> -> memref<640x128xf32, #tpu.memory_space<hbm>>
      tpu.enqueue_dma source(%dma_start3A_22 : memref<640x128xf32, #tpu.memory_space<hbm>>) target(%dma_start3A_20 : memref<640x128xf32, #tpu.memory_space<vmem_shared>>) target_semaphore(%run_scoped3A : memref<!tpu.dma_semaphore, #tpu.memory_space<semaphore_mem>>)
      %dma_wait3A = arith.constant 0 : i32
      %dma_wait3A_23 = tpu.memref_slice %arg13[%mul3A_2, %dma_wait3A] : memref<10240x128xf32, #tpu.memory_space<vmem_shared>> -> memref<640x128xf32, #tpu.memory_space<vmem_shared>>
      %dma_wait3A_24 = arith.constant 0 : i32
      %dma_wait3A_25 = tpu.memref_slice %arg5[%mul3A_0, %dma_wait3A_24] : memref<10240x128xf32, #tpu.memory_space<hbm>> -> memref<640x128xf32, #tpu.memory_space<hbm>>
      tpu.wait_dma2 semaphore(%run_scoped3A : memref<!tpu.dma_semaphore, #tpu.memory_space<semaphore_mem>>) src(%dma_wait3A_25 : memref<640x128xf32, #tpu.memory_space<hbm>>) dst(%dma_wait3A_23 : memref<640x128xf32, #tpu.memory_space<vmem_shared>>)
      tpu.yield
    }) : () -> ()
    %mul3A_3 = arith.constant 16 : i32
    %mul3A_4 = arith.muli %arg0, %mul3A_3 : i32
    %add3A = arith.addi %mul3A_4, %arg1 : i32
    %mul3A_5 = arith.constant 160 : i32
    %mul3A_6 = arith.muli %add3A, %mul3A_5 : i32
    %barrier3A = arith.constant 0 : index
    tpu.barrier barrier_id(%barrier3A)
    %scan3A = arith.constant 0 : i32
    %scan3A_7 = arith.constant 0 : i32
    %scan3A_8 = arith.constant 5 : i32
    %scan3A_9 = arith.addi %scan3A_7, %scan3A_8 : i32
    %scan3A_10 = arith.constant 1 : i32
    scf.for %scan3A_20 = %scan3A_7 to %scan3A_9 step %scan3A_10  : i32 {
      %mul3A_21 = arith.constant 32 : i32
      %mul3A_22 = arith.muli %scan3A_20, %mul3A_21 : i32
      %add3A_23 = arith.addi %mul3A_6, %mul3A_22 : i32
      "tpu.region"() ({
        %run_scoped3A = tpu.sem_alloc : memref<!tpu.dma_semaphore, #tpu.memory_space<semaphore_mem>>
        %dma_start3A_60 = arith.constant 0 : i32
        %dma_start3A_61 = tpu.memref_slice %arg3[%add3A_23, %dma_start3A_60] : memref<5120x64xi32, #tpu.memory_space<hbm>> -> memref<32x64xi32, #tpu.memory_space<hbm>>
        %dma_start3A_62 = arith.constant 0 : i32
        %dma_start3A_63 = tpu.memref_slice %arg3[%add3A_23, %dma_start3A_62] : memref<5120x64xi32, #tpu.memory_space<hbm>> -> memref<32x64xi32, #tpu.memory_space<hbm>>
        tpu.enqueue_dma source(%dma_start3A_63 : memref<32x64xi32, #tpu.memory_space<hbm>>) target(%arg7 : memref<32x64xi32, #tpu.memory_space<vmem>>) target_semaphore(%run_scoped3A : memref<!tpu.dma_semaphore, #tpu.memory_space<semaphore_mem>>)
        %dma_wait3A = arith.constant 0 : i32
        %dma_wait3A_64 = tpu.memref_slice %arg3[%add3A_23, %dma_wait3A] : memref<5120x64xi32, #tpu.memory_space<hbm>> -> memref<32x64xi32, #tpu.memory_space<hbm>>
        %dma_wait3A_65 = arith.constant 0 : i32
        %dma_wait3A_66 = tpu.memref_slice %arg3[%add3A_23, %dma_wait3A_65] : memref<5120x64xi32, #tpu.memory_space<hbm>> -> memref<32x64xi32, #tpu.memory_space<hbm>>
        tpu.wait_dma2 semaphore(%run_scoped3A : memref<!tpu.dma_semaphore, #tpu.memory_space<semaphore_mem>>) src(%dma_wait3A_66 : memref<32x64xi32, #tpu.memory_space<hbm>>) dst(%arg7 : memref<32x64xi32, #tpu.memory_space<vmem>>)
        tpu.yield
      }) : () -> ()
      %mul3A_24 = arith.constant 32 : i32
      %mul3A_25 = arith.muli %scan3A_20, %mul3A_24 : i32
      %add3A_26 = arith.addi %mul3A_6, %mul3A_25 : i32
      "tpu.region"() ({
        %run_scoped3A = tpu.sem_alloc : memref<!tpu.dma_semaphore, #tpu.memory_space<semaphore_mem>>
        %dma_start3A_60 = arith.constant 0 : i32
        %dma_start3A_61 = tpu.memref_slice %arg4[%add3A_26, %dma_start3A_60] : memref<5120x64xi32, #tpu.memory_space<hbm>> -> memref<32x64xi32, #tpu.memory_space<hbm>>
        %dma_start3A_62 = arith.constant 0 : i32
        %dma_start3A_63 = tpu.memref_slice %arg4[%add3A_26, %dma_start3A_62] : memref<5120x64xi32, #tpu.memory_space<hbm>> -> memref<32x64xi32, #tpu.memory_space<hbm>>
        tpu.enqueue_dma source(%dma_start3A_63 : memref<32x64xi32, #tpu.memory_space<hbm>>) target(%arg8 : memref<32x64xi32, #tpu.memory_space<vmem>>) target_semaphore(%run_scoped3A : memref<!tpu.dma_semaphore, #tpu.memory_space<semaphore_mem>>)
        %dma_wait3A = arith.constant 0 : i32
        %dma_wait3A_64 = tpu.memref_slice %arg4[%add3A_26, %dma_wait3A] : memref<5120x64xi32, #tpu.memory_space<hbm>> -> memref<32x64xi32, #tpu.memory_space<hbm>>
        %dma_wait3A_65 = arith.constant 0 : i32
        %dma_wait3A_66 = tpu.memref_slice %arg4[%add3A_26, %dma_wait3A_65] : memref<5120x64xi32, #tpu.memory_space<hbm>> -> memref<32x64xi32, #tpu.memory_space<hbm>>
        tpu.wait_dma2 semaphore(%run_scoped3A : memref<!tpu.dma_semaphore, #tpu.memory_space<semaphore_mem>>) src(%dma_wait3A_66 : memref<32x64xi32, #tpu.memory_space<hbm>>) dst(%arg8 : memref<32x64xi32, #tpu.memory_space<vmem>>)
        tpu.yield
      }) : () -> ()
      %dma_start3A = arith.constant 0 : i32
      %dma_start3A_27 = arith.constant 0 : i32
      %dma_start3A_28 = tpu.memref_slice %arg7[%dma_start3A, %dma_start3A_27] : memref<32x64xi32, #tpu.memory_space<vmem>> -> memref<1x64xi32, #tpu.memory_space<vmem>>
      %dma_start3A_29 = tpu.memref_squeeze %dma_start3A_28 : memref<1x64xi32, #tpu.memory_space<vmem>> -> memref<64xi32, #tpu.memory_space<vmem>>
      %dma_start3A_30 = arith.constant 0 : i32
      %dma_start3A_31 = arith.constant 0 : i32
      %dma_start3A_32 = tpu.memref_slice %arg2[%dma_start3A_30, %dma_start3A_31] : memref<10240x128xf32, #tpu.memory_space<hbm>> -> memref<10240x128xf32, #tpu.memory_space<hbm>>
      tpu.enqueue_indirect_dma source(%dma_start3A_32 : memref<10240x128xf32, #tpu.memory_space<hbm>>) target(%arg9 : memref<64x128xf32, #tpu.memory_space<vmem>>) offsets(%dma_start3A_29 : memref<64xi32, #tpu.memory_space<vmem>>) semaphore(%arg14 : memref<!tpu.dma_semaphore, #tpu.memory_space<semaphore_mem>>)
      %dma_start3A_33 = arith.constant 1 : i32
      %dma_start3A_34 = arith.constant 0 : i32
      %dma_start3A_35 = tpu.memref_slice %arg7[%dma_start3A_33, %dma_start3A_34] : memref<32x64xi32, #tpu.memory_space<vmem>> -> memref<1x64xi32, #tpu.memory_space<vmem>>
      %dma_start3A_36 = tpu.memref_squeeze %dma_start3A_35 : memref<1x64xi32, #tpu.memory_space<vmem>> -> memref<64xi32, #tpu.memory_space<vmem>>
      %dma_start3A_37 = arith.constant 0 : i32
      %dma_start3A_38 = arith.constant 0 : i32
      %dma_start3A_39 = tpu.memref_slice %arg2[%dma_start3A_37, %dma_start3A_38] : memref<10240x128xf32, #tpu.memory_space<hbm>> -> memref<10240x128xf32, #tpu.memory_space<hbm>>
      tpu.enqueue_indirect_dma source(%dma_start3A_39 : memref<10240x128xf32, #tpu.memory_space<hbm>>) target(%arg10 : memref<64x128xf32, #tpu.memory_space<vmem>>) offsets(%dma_start3A_36 : memref<64xi32, #tpu.memory_space<vmem>>) semaphore(%arg15 : memref<!tpu.dma_semaphore, #tpu.memory_space<semaphore_mem>>)
      %dma_start3A_40 = arith.constant 2 : i32
      %dma_start3A_41 = arith.constant 0 : i32
      %dma_start3A_42 = tpu.memref_slice %arg7[%dma_start3A_40, %dma_start3A_41] : memref<32x64xi32, #tpu.memory_space<vmem>> -> memref<1x64xi32, #tpu.memory_space<vmem>>
      %dma_start3A_43 = tpu.memref_squeeze %dma_start3A_42 : memref<1x64xi32, #tpu.memory_space<vmem>> -> memref<64xi32, #tpu.memory_space<vmem>>
      %dma_start3A_44 = arith.constant 0 : i32
      %dma_start3A_45 = arith.constant 0 : i32
      %dma_start3A_46 = tpu.memref_slice %arg2[%dma_start3A_44, %dma_start3A_45] : memref<10240x128xf32, #tpu.memory_space<hbm>> -> memref<10240x128xf32, #tpu.memory_space<hbm>>
      tpu.enqueue_indirect_dma source(%dma_start3A_46 : memref<10240x128xf32, #tpu.memory_space<hbm>>) target(%arg11 : memref<64x128xf32, #tpu.memory_space<vmem>>) offsets(%dma_start3A_43 : memref<64xi32, #tpu.memory_space<vmem>>) semaphore(%arg16 : memref<!tpu.dma_semaphore, #tpu.memory_space<semaphore_mem>>)
      %dma_start3A_47 = arith.constant 3 : i32
      %dma_start3A_48 = arith.constant 0 : i32
      %dma_start3A_49 = tpu.memref_slice %arg7[%dma_start3A_47, %dma_start3A_48] : memref<32x64xi32, #tpu.memory_space<vmem>> -> memref<1x64xi32, #tpu.memory_space<vmem>>
      %dma_start3A_50 = tpu.memref_squeeze %dma_start3A_49 : memref<1x64xi32, #tpu.memory_space<vmem>> -> memref<64xi32, #tpu.memory_space<vmem>>
      %dma_start3A_51 = arith.constant 0 : i32
      %dma_start3A_52 = arith.constant 0 : i32
      %dma_start3A_53 = tpu.memref_slice %arg2[%dma_start3A_51, %dma_start3A_52] : memref<10240x128xf32, #tpu.memory_space<hbm>> -> memref<10240x128xf32, #tpu.memory_space<hbm>>
      tpu.enqueue_indirect_dma source(%dma_start3A_53 : memref<10240x128xf32, #tpu.memory_space<hbm>>) target(%arg12 : memref<64x128xf32, #tpu.memory_space<vmem>>) offsets(%dma_start3A_50 : memref<64xi32, #tpu.memory_space<vmem>>) semaphore(%arg17 : memref<!tpu.dma_semaphore, #tpu.memory_space<semaphore_mem>>)
      %scan3A_54 = arith.constant 0 : i32
      %scan3A_55 = arith.constant 0 : i32
      %scan3A_56 = arith.constant 8 : i32
      %scan3A_57 = arith.addi %scan3A_55, %scan3A_56 : i32
      %scan3A_58 = arith.constant 1 : i32
      scf.for %scan3A_60 = %scan3A_55 to %scan3A_57 step %scan3A_58  : i32 {
        %mul3A_61 = arith.constant 4 : i32
        %mul3A_62 = arith.muli %mul3A_61, %scan3A_60 : i32
        %add3A_63 = arith.constant 0 : i32
        %add3A_64 = arith.addi %mul3A_62, %add3A_63 : i32
        %dma_wait3A = arith.constant 0 : i32
        %dma_wait3A_65 = tpu.memref_slice %arg7[%add3A_64, %dma_wait3A] : memref<32x64xi32, #tpu.memory_space<vmem>> -> memref<1x64xi32, #tpu.memory_space<vmem>>
        %dma_wait3A_66 = tpu.memref_squeeze %dma_wait3A_65 : memref<1x64xi32, #tpu.memory_space<vmem>> -> memref<64xi32, #tpu.memory_space<vmem>>
        %dma_wait3A_67 = arith.constant 0 : i32
        %dma_wait3A_68 = arith.constant 0 : i32
        %dma_wait3A_69 = tpu.memref_slice %arg2[%dma_wait3A_67, %dma_wait3A_68] : memref<10240x128xf32, #tpu.memory_space<hbm>> -> memref<10240x128xf32, #tpu.memory_space<hbm>>
        tpu.wait_indirect_dma semaphore(%arg14 : memref<!tpu.dma_semaphore, #tpu.memory_space<semaphore_mem>>) src(%dma_wait3A_69 : memref<10240x128xf32, #tpu.memory_space<hbm>>) dst(%arg9 : memref<64x128xf32, #tpu.memory_space<vmem>>)
        "tpu.region"() ({
          %run_scoped3A = tpu.sem_alloc : memref<!tpu.dma_semaphore, #tpu.memory_space<semaphore_mem>>
          %dma_start3A_125 = arith.constant 0 : i32
          %dma_start3A_126 = tpu.memref_slice %arg8[%add3A_64, %dma_start3A_125] : memref<32x64xi32, #tpu.memory_space<vmem>> -> memref<1x64xi32, #tpu.memory_space<vmem>>
          %dma_start3A_127 = tpu.memref_squeeze %dma_start3A_126 : memref<1x64xi32, #tpu.memory_space<vmem>> -> memref<64xi32, #tpu.memory_space<vmem>>
          %dma_start3A_128 = arith.constant 0 : i32
          %dma_start3A_129 = arith.constant 0 : i32
          %dma_start3A_130 = tpu.memref_slice %arg13[%dma_start3A_128, %dma_start3A_129] : memref<10240x128xf32, #tpu.memory_space<vmem_shared>> -> memref<10240x128xf32, #tpu.memory_space<vmem_shared>>
          tpu.enqueue_indirect_dma source(%arg9 : memref<64x128xf32, #tpu.memory_space<vmem>>) target(%dma_start3A_130 : memref<10240x128xf32, #tpu.memory_space<vmem_shared>>) offsets(%dma_start3A_127 : memref<64xi32, #tpu.memory_space<vmem>>) semaphore(%run_scoped3A : memref<!tpu.dma_semaphore, #tpu.memory_space<semaphore_mem>>) {add = true}
          %dma_wait3A_131 = arith.constant 0 : i32
          %dma_wait3A_132 = tpu.memref_slice %arg8[%add3A_64, %dma_wait3A_131] : memref<32x64xi32, #tpu.memory_space<vmem>> -> memref<1x64xi32, #tpu.memory_space<vmem>>
          %dma_wait3A_133 = tpu.memref_squeeze %dma_wait3A_132 : memref<1x64xi32, #tpu.memory_space<vmem>> -> memref<64xi32, #tpu.memory_space<vmem>>
          %dma_wait3A_134 = arith.constant 0 : i32
          %dma_wait3A_135 = arith.constant 0 : i32
          %dma_wait3A_136 = tpu.memref_slice %arg13[%dma_wait3A_134, %dma_wait3A_135] : memref<10240x128xf32, #tpu.memory_space<vmem_shared>> -> memref<10240x128xf32, #tpu.memory_space<vmem_shared>>
          tpu.wait_indirect_dma semaphore(%run_scoped3A : memref<!tpu.dma_semaphore, #tpu.memory_space<semaphore_mem>>) src(%arg9 : memref<64x128xf32, #tpu.memory_space<vmem>>) dst(%dma_wait3A_136 : memref<10240x128xf32, #tpu.memory_space<vmem_shared>>)
          tpu.yield
        }) : () -> ()
        %add3A_70 = arith.constant 4 : i32
        %add3A_71 = arith.addi %add3A_64, %add3A_70 : i32
        %lt3A = arith.constant 32 : i32
        %lt3A_72 = arith.cmpi slt, %add3A_71, %lt3A : i32
        %convert_element_type3A = arith.extui %lt3A_72 : i1 to i32
        %cond3A = arith.constant 0 : i32
        %cond3A_73 = arith.cmpi ne, %convert_element_type3A, %cond3A : i32
        scf.if %cond3A_73 {
          %add3A_125 = arith.constant 4 : i32
          %add3A_126 = arith.addi %add3A_64, %add3A_125 : i32
          %dma_start3A_127 = arith.constant 0 : i32
          %dma_start3A_128 = tpu.memref_slice %arg7[%add3A_126, %dma_start3A_127] : memref<32x64xi32, #tpu.memory_space<vmem>> -> memref<1x64xi32, #tpu.memory_space<vmem>>
          %dma_start3A_129 = tpu.memref_squeeze %dma_start3A_128 : memref<1x64xi32, #tpu.memory_space<vmem>> -> memref<64xi32, #tpu.memory_space<vmem>>
          %dma_start3A_130 = arith.constant 0 : i32
          %dma_start3A_131 = arith.constant 0 : i32
          %dma_start3A_132 = tpu.memref_slice %arg2[%dma_start3A_130, %dma_start3A_131] : memref<10240x128xf32, #tpu.memory_space<hbm>> -> memref<10240x128xf32, #tpu.memory_space<hbm>>
          tpu.enqueue_indirect_dma source(%dma_start3A_132 : memref<10240x128xf32, #tpu.memory_space<hbm>>) target(%arg9 : memref<64x128xf32, #tpu.memory_space<vmem>>) offsets(%dma_start3A_129 : memref<64xi32, #tpu.memory_space<vmem>>) semaphore(%arg14 : memref<!tpu.dma_semaphore, #tpu.memory_space<semaphore_mem>>)
        } else {
        }
        %mul3A_74 = arith.constant 4 : i32
        %mul3A_75 = arith.muli %mul3A_74, %scan3A_60 : i32
        %add3A_76 = arith.constant 1 : i32
        %add3A_77 = arith.addi %mul3A_75, %add3A_76 : i32
        %dma_wait3A_78 = arith.constant 0 : i32
        %dma_wait3A_79 = tpu.memref_slice %arg7[%add3A_77, %dma_wait3A_78] : memref<32x64xi32, #tpu.memory_space<vmem>> -> memref<1x64xi32, #tpu.memory_space<vmem>>
        %dma_wait3A_80 = tpu.memref_squeeze %dma_wait3A_79 : memref<1x64xi32, #tpu.memory_space<vmem>> -> memref<64xi32, #tpu.memory_space<vmem>>
        %dma_wait3A_81 = arith.constant 0 : i32
        %dma_wait3A_82 = arith.constant 0 : i32
        %dma_wait3A_83 = tpu.memref_slice %arg2[%dma_wait3A_81, %dma_wait3A_82] : memref<10240x128xf32, #tpu.memory_space<hbm>> -> memref<10240x128xf32, #tpu.memory_space<hbm>>
        tpu.wait_indirect_dma semaphore(%arg15 : memref<!tpu.dma_semaphore, #tpu.memory_space<semaphore_mem>>) src(%dma_wait3A_83 : memref<10240x128xf32, #tpu.memory_space<hbm>>) dst(%arg10 : memref<64x128xf32, #tpu.memory_space<vmem>>)
        "tpu.region"() ({
          %run_scoped3A = tpu.sem_alloc : memref<!tpu.dma_semaphore, #tpu.memory_space<semaphore_mem>>
          %dma_start3A_125 = arith.constant 0 : i32
          %dma_start3A_126 = tpu.memref_slice %arg8[%add3A_77, %dma_start3A_125] : memref<32x64xi32, #tpu.memory_space<vmem>> -> memref<1x64xi32, #tpu.memory_space<vmem>>
          %dma_start3A_127 = tpu.memref_squeeze %dma_start3A_126 : memref<1x64xi32, #tpu.memory_space<vmem>> -> memref<64xi32, #tpu.memory_space<vmem>>
          %dma_start3A_128 = arith.constant 0 : i32
          %dma_start3A_129 = arith.constant 0 : i32
          %dma_start3A_130 = tpu.memref_slice %arg13[%dma_start3A_128, %dma_start3A_129] : memref<10240x128xf32, #tpu.memory_space<vmem_shared>> -> memref<10240x128xf32, #tpu.memory_space<vmem_shared>>
          tpu.enqueue_indirect_dma source(%arg10 : memref<64x128xf32, #tpu.memory_space<vmem>>) target(%dma_start3A_130 : memref<10240x128xf32, #tpu.memory_space<vmem_shared>>) offsets(%dma_start3A_127 : memref<64xi32, #tpu.memory_space<vmem>>) semaphore(%run_scoped3A : memref<!tpu.dma_semaphore, #tpu.memory_space<semaphore_mem>>) {add = true}
          %dma_wait3A_131 = arith.constant 0 : i32
          %dma_wait3A_132 = tpu.memref_slice %arg8[%add3A_77, %dma_wait3A_131] : memref<32x64xi32, #tpu.memory_space<vmem>> -> memref<1x64xi32, #tpu.memory_space<vmem>>
          %dma_wait3A_133 = tpu.memref_squeeze %dma_wait3A_132 : memref<1x64xi32, #tpu.memory_space<vmem>> -> memref<64xi32, #tpu.memory_space<vmem>>
          %dma_wait3A_134 = arith.constant 0 : i32
          %dma_wait3A_135 = arith.constant 0 : i32
          %dma_wait3A_136 = tpu.memref_slice %arg13[%dma_wait3A_134, %dma_wait3A_135] : memref<10240x128xf32, #tpu.memory_space<vmem_shared>> -> memref<10240x128xf32, #tpu.memory_space<vmem_shared>>
          tpu.wait_indirect_dma semaphore(%run_scoped3A : memref<!tpu.dma_semaphore, #tpu.memory_space<semaphore_mem>>) src(%arg10 : memref<64x128xf32, #tpu.memory_space<vmem>>) dst(%dma_wait3A_136 : memref<10240x128xf32, #tpu.memory_space<vmem_shared>>)
          tpu.yield
        }) : () -> ()
        %add3A_84 = arith.constant 4 : i32
        %add3A_85 = arith.addi %add3A_77, %add3A_84 : i32
        %lt3A_86 = arith.constant 32 : i32
        %lt3A_87 = arith.cmpi slt, %add3A_85, %lt3A_86 : i32
        %convert_element_type3A_88 = arith.extui %lt3A_87 : i1 to i32
        %cond3A_89 = arith.constant 0 : i32
        %cond3A_90 = arith.cmpi ne, %convert_element_type3A_88, %cond3A_89 : i32
        scf.if %cond3A_90 {
          %add3A_125 = arith.constant 4 : i32
          %add3A_126 = arith.addi %add3A_77, %add3A_125 : i32
          %dma_start3A_127 = arith.constant 0 : i32
          %dma_start3A_128 = tpu.memref_slice %arg7[%add3A_126, %dma_start3A_127] : memref<32x64xi32, #tpu.memory_space<vmem>> -> memref<1x64xi32, #tpu.memory_space<vmem>>
          %dma_start3A_129 = tpu.memref_squeeze %dma_start3A_128 : memref<1x64xi32, #tpu.memory_space<vmem>> -> memref<64xi32, #tpu.memory_space<vmem>>
          %dma_start3A_130 = arith.constant 0 : i32
          %dma_start3A_131 = arith.constant 0 : i32
          %dma_start3A_132 = tpu.memref_slice %arg2[%dma_start3A_130, %dma_start3A_131] : memref<10240x128xf32, #tpu.memory_space<hbm>> -> memref<10240x128xf32, #tpu.memory_space<hbm>>
          tpu.enqueue_indirect_dma source(%dma_start3A_132 : memref<10240x128xf32, #tpu.memory_space<hbm>>) target(%arg10 : memref<64x128xf32, #tpu.memory_space<vmem>>) offsets(%dma_start3A_129 : memref<64xi32, #tpu.memory_space<vmem>>) semaphore(%arg15 : memref<!tpu.dma_semaphore, #tpu.memory_space<semaphore_mem>>)
        } else {
        }
        %mul3A_91 = arith.constant 4 : i32
        %mul3A_92 = arith.muli %mul3A_91, %scan3A_60 : i32
        %add3A_93 = arith.constant 2 : i32
        %add3A_94 = arith.addi %mul3A_92, %add3A_93 : i32
        %dma_wait3A_95 = arith.constant 0 : i32
        %dma_wait3A_96 = tpu.memref_slice %arg7[%add3A_94, %dma_wait3A_95] : memref<32x64xi32, #tpu.memory_space<vmem>> -> memref<1x64xi32, #tpu.memory_space<vmem>>
        %dma_wait3A_97 = tpu.memref_squeeze %dma_wait3A_96 : memref<1x64xi32, #tpu.memory_space<vmem>> -> memref<64xi32, #tpu.memory_space<vmem>>
        %dma_wait3A_98 = arith.constant 0 : i32
        %dma_wait3A_99 = arith.constant 0 : i32
        %dma_wait3A_100 = tpu.memref_slice %arg2[%dma_wait3A_98, %dma_wait3A_99] : memref<10240x128xf32, #tpu.memory_space<hbm>> -> memref<10240x128xf32, #tpu.memory_space<hbm>>
        tpu.wait_indirect_dma semaphore(%arg16 : memref<!tpu.dma_semaphore, #tpu.memory_space<semaphore_mem>>) src(%dma_wait3A_100 : memref<10240x128xf32, #tpu.memory_space<hbm>>) dst(%arg11 : memref<64x128xf32, #tpu.memory_space<vmem>>)
        "tpu.region"() ({
          %run_scoped3A = tpu.sem_alloc : memref<!tpu.dma_semaphore, #tpu.memory_space<semaphore_mem>>
          %dma_start3A_125 = arith.constant 0 : i32
          %dma_start3A_126 = tpu.memref_slice %arg8[%add3A_94, %dma_start3A_125] : memref<32x64xi32, #tpu.memory_space<vmem>> -> memref<1x64xi32, #tpu.memory_space<vmem>>
          %dma_start3A_127 = tpu.memref_squeeze %dma_start3A_126 : memref<1x64xi32, #tpu.memory_space<vmem>> -> memref<64xi32, #tpu.memory_space<vmem>>
          %dma_start3A_128 = arith.constant 0 : i32
          %dma_start3A_129 = arith.constant 0 : i32
          %dma_start3A_130 = tpu.memref_slice %arg13[%dma_start3A_128, %dma_start3A_129] : memref<10240x128xf32, #tpu.memory_space<vmem_shared>> -> memref<10240x128xf32, #tpu.memory_space<vmem_shared>>
          tpu.enqueue_indirect_dma source(%arg11 : memref<64x128xf32, #tpu.memory_space<vmem>>) target(%dma_start3A_130 : memref<10240x128xf32, #tpu.memory_space<vmem_shared>>) offsets(%dma_start3A_127 : memref<64xi32, #tpu.memory_space<vmem>>) semaphore(%run_scoped3A : memref<!tpu.dma_semaphore, #tpu.memory_space<semaphore_mem>>) {add = true}
          %dma_wait3A_131 = arith.constant 0 : i32
          %dma_wait3A_132 = tpu.memref_slice %arg8[%add3A_94, %dma_wait3A_131] : memref<32x64xi32, #tpu.memory_space<vmem>> -> memref<1x64xi32, #tpu.memory_space<vmem>>
          %dma_wait3A_133 = tpu.memref_squeeze %dma_wait3A_132 : memref<1x64xi32, #tpu.memory_space<vmem>> -> memref<64xi32, #tpu.memory_space<vmem>>
          %dma_wait3A_134 = arith.constant 0 : i32
          %dma_wait3A_135 = arith.constant 0 : i32
          %dma_wait3A_136 = tpu.memref_slice %arg13[%dma_wait3A_134, %dma_wait3A_135] : memref<10240x128xf32, #tpu.memory_space<vmem_shared>> -> memref<10240x128xf32, #tpu.memory_space<vmem_shared>>
          tpu.wait_indirect_dma semaphore(%run_scoped3A : memref<!tpu.dma_semaphore, #tpu.memory_space<semaphore_mem>>) src(%arg11 : memref<64x128xf32, #tpu.memory_space<vmem>>) dst(%dma_wait3A_136 : memref<10240x128xf32, #tpu.memory_space<vmem_shared>>)
          tpu.yield
        }) : () -> ()
        %add3A_101 = arith.constant 4 : i32
        %add3A_102 = arith.addi %add3A_94, %add3A_101 : i32
        %lt3A_103 = arith.constant 32 : i32
        %lt3A_104 = arith.cmpi slt, %add3A_102, %lt3A_103 : i32
        %convert_element_type3A_105 = arith.extui %lt3A_104 : i1 to i32
        %cond3A_106 = arith.constant 0 : i32
        %cond3A_107 = arith.cmpi ne, %convert_element_type3A_105, %cond3A_106 : i32
        scf.if %cond3A_107 {
          %add3A_125 = arith.constant 4 : i32
          %add3A_126 = arith.addi %add3A_94, %add3A_125 : i32
          %dma_start3A_127 = arith.constant 0 : i32
          %dma_start3A_128 = tpu.memref_slice %arg7[%add3A_126, %dma_start3A_127] : memref<32x64xi32, #tpu.memory_space<vmem>> -> memref<1x64xi32, #tpu.memory_space<vmem>>
          %dma_start3A_129 = tpu.memref_squeeze %dma_start3A_128 : memref<1x64xi32, #tpu.memory_space<vmem>> -> memref<64xi32, #tpu.memory_space<vmem>>
          %dma_start3A_130 = arith.constant 0 : i32
          %dma_start3A_131 = arith.constant 0 : i32
          %dma_start3A_132 = tpu.memref_slice %arg2[%dma_start3A_130, %dma_start3A_131] : memref<10240x128xf32, #tpu.memory_space<hbm>> -> memref<10240x128xf32, #tpu.memory_space<hbm>>
          tpu.enqueue_indirect_dma source(%dma_start3A_132 : memref<10240x128xf32, #tpu.memory_space<hbm>>) target(%arg11 : memref<64x128xf32, #tpu.memory_space<vmem>>) offsets(%dma_start3A_129 : memref<64xi32, #tpu.memory_space<vmem>>) semaphore(%arg16 : memref<!tpu.dma_semaphore, #tpu.memory_space<semaphore_mem>>)
        } else {
        }
        %mul3A_108 = arith.constant 4 : i32
        %mul3A_109 = arith.muli %mul3A_108, %scan3A_60 : i32
        %add3A_110 = arith.constant 3 : i32
        %add3A_111 = arith.addi %mul3A_109, %add3A_110 : i32
        %dma_wait3A_112 = arith.constant 0 : i32
        %dma_wait3A_113 = tpu.memref_slice %arg7[%add3A_111, %dma_wait3A_112] : memref<32x64xi32, #tpu.memory_space<vmem>> -> memref<1x64xi32, #tpu.memory_space<vmem>>
        %dma_wait3A_114 = tpu.memref_squeeze %dma_wait3A_113 : memref<1x64xi32, #tpu.memory_space<vmem>> -> memref<64xi32, #tpu.memory_space<vmem>>
        %dma_wait3A_115 = arith.constant 0 : i32
        %dma_wait3A_116 = arith.constant 0 : i32
        %dma_wait3A_117 = tpu.memref_slice %arg2[%dma_wait3A_115, %dma_wait3A_116] : memref<10240x128xf32, #tpu.memory_space<hbm>> -> memref<10240x128xf32, #tpu.memory_space<hbm>>
        tpu.wait_indirect_dma semaphore(%arg17 : memref<!tpu.dma_semaphore, #tpu.memory_space<semaphore_mem>>) src(%dma_wait3A_117 : memref<10240x128xf32, #tpu.memory_space<hbm>>) dst(%arg12 : memref<64x128xf32, #tpu.memory_space<vmem>>)
        "tpu.region"() ({
          %run_scoped3A = tpu.sem_alloc : memref<!tpu.dma_semaphore, #tpu.memory_space<semaphore_mem>>
          %dma_start3A_125 = arith.constant 0 : i32
          %dma_start3A_126 = tpu.memref_slice %arg8[%add3A_111, %dma_start3A_125] : memref<32x64xi32, #tpu.memory_space<vmem>> -> memref<1x64xi32, #tpu.memory_space<vmem>>
          %dma_start3A_127 = tpu.memref_squeeze %dma_start3A_126 : memref<1x64xi32, #tpu.memory_space<vmem>> -> memref<64xi32, #tpu.memory_space<vmem>>
          %dma_start3A_128 = arith.constant 0 : i32
          %dma_start3A_129 = arith.constant 0 : i32
          %dma_start3A_130 = tpu.memref_slice %arg13[%dma_start3A_128, %dma_start3A_129] : memref<10240x128xf32, #tpu.memory_space<vmem_shared>> -> memref<10240x128xf32, #tpu.memory_space<vmem_shared>>
          tpu.enqueue_indirect_dma source(%arg12 : memref<64x128xf32, #tpu.memory_space<vmem>>) target(%dma_start3A_130 : memref<10240x128xf32, #tpu.memory_space<vmem_shared>>) offsets(%dma_start3A_127 : memref<64xi32, #tpu.memory_space<vmem>>) semaphore(%run_scoped3A : memref<!tpu.dma_semaphore, #tpu.memory_space<semaphore_mem>>) {add = true}
          %dma_wait3A_131 = arith.constant 0 : i32
          %dma_wait3A_132 = tpu.memref_slice %arg8[%add3A_111, %dma_wait3A_131] : memref<32x64xi32, #tpu.memory_space<vmem>> -> memref<1x64xi32, #tpu.memory_space<vmem>>
          %dma_wait3A_133 = tpu.memref_squeeze %dma_wait3A_132 : memref<1x64xi32, #tpu.memory_space<vmem>> -> memref<64xi32, #tpu.memory_space<vmem>>
          %dma_wait3A_134 = arith.constant 0 : i32
          %dma_wait3A_135 = arith.constant 0 : i32
          %dma_wait3A_136 = tpu.memref_slice %arg13[%dma_wait3A_134, %dma_wait3A_135] : memref<10240x128xf32, #tpu.memory_space<vmem_shared>> -> memref<10240x128xf32, #tpu.memory_space<vmem_shared>>
          tpu.wait_indirect_dma semaphore(%run_scoped3A : memref<!tpu.dma_semaphore, #tpu.memory_space<semaphore_mem>>) src(%arg12 : memref<64x128xf32, #tpu.memory_space<vmem>>) dst(%dma_wait3A_136 : memref<10240x128xf32, #tpu.memory_space<vmem_shared>>)
          tpu.yield
        }) : () -> ()
        %add3A_118 = arith.constant 4 : i32
        %add3A_119 = arith.addi %add3A_111, %add3A_118 : i32
        %lt3A_120 = arith.constant 32 : i32
        %lt3A_121 = arith.cmpi slt, %add3A_119, %lt3A_120 : i32
        %convert_element_type3A_122 = arith.extui %lt3A_121 : i1 to i32
        %cond3A_123 = arith.constant 0 : i32
        %cond3A_124 = arith.cmpi ne, %convert_element_type3A_122, %cond3A_123 : i32
        scf.if %cond3A_124 {
          %add3A_125 = arith.constant 4 : i32
          %add3A_126 = arith.addi %add3A_111, %add3A_125 : i32
          %dma_start3A_127 = arith.constant 0 : i32
          %dma_start3A_128 = tpu.memref_slice %arg7[%add3A_126, %dma_start3A_127] : memref<32x64xi32, #tpu.memory_space<vmem>> -> memref<1x64xi32, #tpu.memory_space<vmem>>
          %dma_start3A_129 = tpu.memref_squeeze %dma_start3A_128 : memref<1x64xi32, #tpu.memory_space<vmem>> -> memref<64xi32, #tpu.memory_space<vmem>>
          %dma_start3A_130 = arith.constant 0 : i32
          %dma_start3A_131 = arith.constant 0 : i32
          %dma_start3A_132 = tpu.memref_slice %arg2[%dma_start3A_130, %dma_start3A_131] : memref<10240x128xf32, #tpu.memory_space<hbm>> -> memref<10240x128xf32, #tpu.memory_space<hbm>>
          tpu.enqueue_indirect_dma source(%dma_start3A_132 : memref<10240x128xf32, #tpu.memory_space<hbm>>) target(%arg12 : memref<64x128xf32, #tpu.memory_space<vmem>>) offsets(%dma_start3A_129 : memref<64xi32, #tpu.memory_space<vmem>>) semaphore(%arg17 : memref<!tpu.dma_semaphore, #tpu.memory_space<semaphore_mem>>)
        } else {
        }
      }
      %scan3A_59 = arith.constant 8 : i32
    }
    %scan3A_11 = arith.constant 5 : i32
    %barrier3A_12 = arith.constant 0 : index
    tpu.barrier barrier_id(%barrier3A_12)
    %mul3A_13 = arith.constant 640 : i32
    %mul3A_14 = arith.muli %arg1, %mul3A_13 : i32
    %mul3A_15 = arith.constant 10240 : i32
    %mul3A_16 = arith.muli %arg0, %mul3A_15 : i32
    %mul3A_17 = arith.constant 640 : i32
    %mul3A_18 = arith.muli %arg1, %mul3A_17 : i32
    %add3A_19 = arith.addi %mul3A_16, %mul3A_18 : i32
    "tpu.region"() ({
      %run_scoped3A = tpu.sem_alloc : memref<!tpu.dma_semaphore, #tpu.memory_space<semaphore_mem>>
      %dma_start3A = arith.constant 0 : i32
      %dma_start3A_20 = tpu.memref_slice %arg6[%add3A_19, %dma_start3A] : memref<20480x128xf32, #tpu.memory_space<hbm>> -> memref<640x128xf32, #tpu.memory_space<hbm>>
      %dma_start3A_21 = arith.constant 0 : i32
      %dma_start3A_22 = tpu.memref_slice %arg13[%mul3A_14, %dma_start3A_21] : memref<10240x128xf32, #tpu.memory_space<vmem_shared>> -> memref<640x128xf32, #tpu.memory_space<vmem_shared>>
      tpu.enqueue_dma source(%dma_start3A_22 : memref<640x128xf32, #tpu.memory_space<vmem_shared>>) target(%dma_start3A_20 : memref<640x128xf32, #tpu.memory_space<hbm>>) target_semaphore(%run_scoped3A : memref<!tpu.dma_semaphore, #tpu.memory_space<semaphore_mem>>)
      %dma_wait3A = arith.constant 0 : i32
      %dma_wait3A_23 = tpu.memref_slice %arg6[%add3A_19, %dma_wait3A] : memref<20480x128xf32, #tpu.memory_space<hbm>> -> memref<640x128xf32, #tpu.memory_space<hbm>>
      %dma_wait3A_24 = arith.constant 0 : i32
      %dma_wait3A_25 = tpu.memref_slice %arg13[%mul3A_14, %dma_wait3A_24] : memref<10240x128xf32, #tpu.memory_space<vmem_shared>> -> memref<640x128xf32, #tpu.memory_space<vmem_shared>>
      tpu.wait_dma2 semaphore(%run_scoped3A : memref<!tpu.dma_semaphore, #tpu.memory_space<semaphore_mem>>) src(%dma_wait3A_25 : memref<640x128xf32, #tpu.memory_space<vmem_shared>>) dst(%dma_wait3A_23 : memref<640x128xf32, #tpu.memory_space<hbm>>)
      tpu.yield
    }) : () -> ()
    return
  }
}

#map = affine_map<(d0, d1) -> (0, 0)>
module attributes {stable_mosaic.version = 14 : i64} {
  func.func @k(%arg0: i32, %arg1: i32, %arg2: memref<10240x128xf32, #tpu.memory_space<hbm>>, %arg3: memref<5120x64xi32, #tpu.memory_space<hbm>>, %arg4: memref<5120x64xi32, #tpu.memory_space<hbm>>, %arg5: memref<10240x128xf32, #tpu.memory_space<hbm>>, %arg6: memref<20480x128xf32, #tpu.memory_space<hbm>>, %arg7: memref<32x64xi32, #tpu.memory_space<vmem>>, %arg8: memref<32x64xi32, #tpu.memory_space<vmem>>, %arg9: memref<64x128xf32, #tpu.memory_space<vmem>>, %arg10: memref<64x128xf32, #tpu.memory_space<vmem>>, %arg11: memref<64x128xf32, #tpu.memory_space<vmem>>, %arg12: memref<64x128xf32, #tpu.memory_space<vmem>>, %arg13: memref<10240x128xf32, #tpu.memory_space<vmem_shared>>, %arg14: memref<!tpu.dma_semaphore, #tpu.memory_space<semaphore_mem>>, %arg15: memref<!tpu.dma_semaphore, #tpu.memory_space<semaphore_mem>>, %arg16: memref<!tpu.dma_semaphore, #tpu.memory_space<semaphore_mem>>, %arg17: memref<!tpu.dma_semaphore, #tpu.memory_space<semaphore_mem>>) attributes {dimension_semantics = [#tpu.dimension_semantics<core_parallel>, #tpu.dimension_semantics<subcore_parallel>], iteration_bounds = array<i64: 2, 16>, scalar_prefetch = 0 : i64, scratch_operands = 11 : i64, tpu.core_type = #tpu.core_type<sc_vector_subcore>, window_params = [{transform_indices = #map}, {transform_indices = #map}, {transform_indices = #map}, {transform_indices = #map}, {transform_indices = #map}]} {
    %mul3A = arith.constant 640 : i32
    %mul3A_0 = arith.muli %arg1, %mul3A : i32
    %mul3A_1 = arith.constant 640 : i32
    %mul3A_2 = arith.muli %arg1, %mul3A_1 : i32
    "tpu.region"() ({
      %run_scoped3A = tpu.sem_alloc : memref<!tpu.dma_semaphore, #tpu.memory_space<semaphore_mem>>
      %dma_start3A = arith.constant 0 : i32
      %dma_start3A_20 = tpu.memref_slice %arg13[%mul3A_2, %dma_start3A] : memref<10240x128xf32, #tpu.memory_space<vmem_shared>> -> memref<640x128xf32, #tpu.memory_space<vmem_shared>>
      %dma_start3A_21 = arith.constant 0 : i32
      %dma_start3A_22 = tpu.memref_slice %arg5[%mul3A_0, %dma_start3A_21] : memref<10240x128xf32, #tpu.memory_space<hbm>> -> memref<640x128xf32, #tpu.memory_space<hbm>>
      tpu.enqueue_dma source(%dma_start3A_22 : memref<640x128xf32, #tpu.memory_space<hbm>>) target(%dma_start3A_20 : memref<640x128xf32, #tpu.memory_space<vmem_shared>>) target_semaphore(%run_scoped3A : memref<!tpu.dma_semaphore, #tpu.memory_space<semaphore_mem>>)
      %dma_wait3A = arith.constant 0 : i32
      %dma_wait3A_23 = tpu.memref_slice %arg13[%mul3A_2, %dma_wait3A] : memref<10240x128xf32, #tpu.memory_space<vmem_shared>> -> memref<640x128xf32, #tpu.memory_space<vmem_shared>>
      %dma_wait3A_24 = arith.constant 0 : i32
      %dma_wait3A_25 = tpu.memref_slice %arg5[%mul3A_0, %dma_wait3A_24] : memref<10240x128xf32, #tpu.memory_space<hbm>> -> memref<640x128xf32, #tpu.memory_space<hbm>>
      tpu.wait_dma2 semaphore(%run_scoped3A : memref<!tpu.dma_semaphore, #tpu.memory_space<semaphore_mem>>) src(%dma_wait3A_25 : memref<640x128xf32, #tpu.memory_space<hbm>>) dst(%dma_wait3A_23 : memref<640x128xf32, #tpu.memory_space<vmem_shared>>)
      tpu.yield
    }) : () -> ()
    %mul3A_3 = arith.constant 16 : i32
    %mul3A_4 = arith.muli %arg0, %mul3A_3 : i32
    %add3A = arith.addi %mul3A_4, %arg1 : i32
    %mul3A_5 = arith.constant 160 : i32
    %mul3A_6 = arith.muli %add3A, %mul3A_5 : i32
    %barrier3A = arith.constant 0 : index
    tpu.barrier barrier_id(%barrier3A)
    %scan3A = arith.constant 0 : i32
    %scan3A_7 = arith.constant 0 : i32
    %scan3A_8 = arith.constant 5 : i32
    %scan3A_9 = arith.addi %scan3A_7, %scan3A_8 : i32
    %scan3A_10 = arith.constant 1 : i32
    scf.for %scan3A_20 = %scan3A_7 to %scan3A_9 step %scan3A_10  : i32 {
      %mul3A_21 = arith.constant 32 : i32
      %mul3A_22 = arith.muli %scan3A_20, %mul3A_21 : i32
      %add3A_23 = arith.addi %mul3A_6, %mul3A_22 : i32
      "tpu.region"() ({
        %run_scoped3A = tpu.sem_alloc : memref<!tpu.dma_semaphore, #tpu.memory_space<semaphore_mem>>
        %dma_start3A_60 = arith.constant 0 : i32
        %dma_start3A_61 = tpu.memref_slice %arg3[%add3A_23, %dma_start3A_60] : memref<5120x64xi32, #tpu.memory_space<hbm>> -> memref<32x64xi32, #tpu.memory_space<hbm>>
        %dma_start3A_62 = arith.constant 0 : i32
        %dma_start3A_63 = tpu.memref_slice %arg3[%add3A_23, %dma_start3A_62] : memref<5120x64xi32, #tpu.memory_space<hbm>> -> memref<32x64xi32, #tpu.memory_space<hbm>>
        tpu.enqueue_dma source(%dma_start3A_63 : memref<32x64xi32, #tpu.memory_space<hbm>>) target(%arg7 : memref<32x64xi32, #tpu.memory_space<vmem>>) target_semaphore(%run_scoped3A : memref<!tpu.dma_semaphore, #tpu.memory_space<semaphore_mem>>)
        %dma_wait3A = arith.constant 0 : i32
        %dma_wait3A_64 = tpu.memref_slice %arg3[%add3A_23, %dma_wait3A] : memref<5120x64xi32, #tpu.memory_space<hbm>> -> memref<32x64xi32, #tpu.memory_space<hbm>>
        %dma_wait3A_65 = arith.constant 0 : i32
        %dma_wait3A_66 = tpu.memref_slice %arg3[%add3A_23, %dma_wait3A_65] : memref<5120x64xi32, #tpu.memory_space<hbm>> -> memref<32x64xi32, #tpu.memory_space<hbm>>
        tpu.wait_dma2 semaphore(%run_scoped3A : memref<!tpu.dma_semaphore, #tpu.memory_space<semaphore_mem>>) src(%dma_wait3A_66 : memref<32x64xi32, #tpu.memory_space<hbm>>) dst(%arg7 : memref<32x64xi32, #tpu.memory_space<vmem>>)
        tpu.yield
      }) : () -> ()
      %mul3A_24 = arith.constant 32 : i32
      %mul3A_25 = arith.muli %scan3A_20, %mul3A_24 : i32
      %add3A_26 = arith.addi %mul3A_6, %mul3A_25 : i32
      "tpu.region"() ({
        %run_scoped3A = tpu.sem_alloc : memref<!tpu.dma_semaphore, #tpu.memory_space<semaphore_mem>>
        %dma_start3A_60 = arith.constant 0 : i32
        %dma_start3A_61 = tpu.memref_slice %arg4[%add3A_26, %dma_start3A_60] : memref<5120x64xi32, #tpu.memory_space<hbm>> -> memref<32x64xi32, #tpu.memory_space<hbm>>
        %dma_start3A_62 = arith.constant 0 : i32
        %dma_start3A_63 = tpu.memref_slice %arg4[%add3A_26, %dma_start3A_62] : memref<5120x64xi32, #tpu.memory_space<hbm>> -> memref<32x64xi32, #tpu.memory_space<hbm>>
        tpu.enqueue_dma source(%dma_start3A_63 : memref<32x64xi32, #tpu.memory_space<hbm>>) target(%arg8 : memref<32x64xi32, #tpu.memory_space<vmem>>) target_semaphore(%run_scoped3A : memref<!tpu.dma_semaphore, #tpu.memory_space<semaphore_mem>>)
        %dma_wait3A = arith.constant 0 : i32
        %dma_wait3A_64 = tpu.memref_slice %arg4[%add3A_26, %dma_wait3A] : memref<5120x64xi32, #tpu.memory_space<hbm>> -> memref<32x64xi32, #tpu.memory_space<hbm>>
        %dma_wait3A_65 = arith.constant 0 : i32
        %dma_wait3A_66 = tpu.memref_slice %arg4[%add3A_26, %dma_wait3A_65] : memref<5120x64xi32, #tpu.memory_space<hbm>> -> memref<32x64xi32, #tpu.memory_space<hbm>>
        tpu.wait_dma2 semaphore(%run_scoped3A : memref<!tpu.dma_semaphore, #tpu.memory_space<semaphore_mem>>) src(%dma_wait3A_66 : memref<32x64xi32, #tpu.memory_space<hbm>>) dst(%arg8 : memref<32x64xi32, #tpu.memory_space<vmem>>)
        tpu.yield
      }) : () -> ()
      %dma_start3A = arith.constant 0 : i32
      %dma_start3A_27 = arith.constant 0 : i32
      %dma_start3A_28 = tpu.memref_slice %arg7[%dma_start3A, %dma_start3A_27] : memref<32x64xi32, #tpu.memory_space<vmem>> -> memref<1x64xi32, #tpu.memory_space<vmem>>
      %dma_start3A_29 = tpu.memref_squeeze %dma_start3A_28 : memref<1x64xi32, #tpu.memory_space<vmem>> -> memref<64xi32, #tpu.memory_space<vmem>>
      %dma_start3A_30 = arith.constant 0 : i32
      %dma_start3A_31 = arith.constant 0 : i32
      %dma_start3A_32 = tpu.memref_slice %arg2[%dma_start3A_30, %dma_start3A_31] : memref<10240x128xf32, #tpu.memory_space<hbm>> -> memref<10240x128xf32, #tpu.memory_space<hbm>>
      tpu.enqueue_indirect_dma source(%dma_start3A_32 : memref<10240x128xf32, #tpu.memory_space<hbm>>) target(%arg9 : memref<64x128xf32, #tpu.memory_space<vmem>>) offsets(%dma_start3A_29 : memref<64xi32, #tpu.memory_space<vmem>>) semaphore(%arg14 : memref<!tpu.dma_semaphore, #tpu.memory_space<semaphore_mem>>)
      %dma_start3A_33 = arith.constant 1 : i32
      %dma_start3A_34 = arith.constant 0 : i32
      %dma_start3A_35 = tpu.memref_slice %arg7[%dma_start3A_33, %dma_start3A_34] : memref<32x64xi32, #tpu.memory_space<vmem>> -> memref<1x64xi32, #tpu.memory_space<vmem>>
      %dma_start3A_36 = tpu.memref_squeeze %dma_start3A_35 : memref<1x64xi32, #tpu.memory_space<vmem>> -> memref<64xi32, #tpu.memory_space<vmem>>
      %dma_start3A_37 = arith.constant 0 : i32
      %dma_start3A_38 = arith.constant 0 : i32
      %dma_start3A_39 = tpu.memref_slice %arg2[%dma_start3A_37, %dma_start3A_38] : memref<10240x128xf32, #tpu.memory_space<hbm>> -> memref<10240x128xf32, #tpu.memory_space<hbm>>
      tpu.enqueue_indirect_dma source(%dma_start3A_39 : memref<10240x128xf32, #tpu.memory_space<hbm>>) target(%arg10 : memref<64x128xf32, #tpu.memory_space<vmem>>) offsets(%dma_start3A_36 : memref<64xi32, #tpu.memory_space<vmem>>) semaphore(%arg15 : memref<!tpu.dma_semaphore, #tpu.memory_space<semaphore_mem>>)
      %dma_start3A_40 = arith.constant 2 : i32
      %dma_start3A_41 = arith.constant 0 : i32
      %dma_start3A_42 = tpu.memref_slice %arg7[%dma_start3A_40, %dma_start3A_41] : memref<32x64xi32, #tpu.memory_space<vmem>> -> memref<1x64xi32, #tpu.memory_space<vmem>>
      %dma_start3A_43 = tpu.memref_squeeze %dma_start3A_42 : memref<1x64xi32, #tpu.memory_space<vmem>> -> memref<64xi32, #tpu.memory_space<vmem>>
      %dma_start3A_44 = arith.constant 0 : i32
      %dma_start3A_45 = arith.constant 0 : i32
      %dma_start3A_46 = tpu.memref_slice %arg2[%dma_start3A_44, %dma_start3A_45] : memref<10240x128xf32, #tpu.memory_space<hbm>> -> memref<10240x128xf32, #tpu.memory_space<hbm>>
      tpu.enqueue_indirect_dma source(%dma_start3A_46 : memref<10240x128xf32, #tpu.memory_space<hbm>>) target(%arg11 : memref<64x128xf32, #tpu.memory_space<vmem>>) offsets(%dma_start3A_43 : memref<64xi32, #tpu.memory_space<vmem>>) semaphore(%arg16 : memref<!tpu.dma_semaphore, #tpu.memory_space<semaphore_mem>>)
      %dma_start3A_47 = arith.constant 3 : i32
      %dma_start3A_48 = arith.constant 0 : i32
      %dma_start3A_49 = tpu.memref_slice %arg7[%dma_start3A_47, %dma_start3A_48] : memref<32x64xi32, #tpu.memory_space<vmem>> -> memref<1x64xi32, #tpu.memory_space<vmem>>
      %dma_start3A_50 = tpu.memref_squeeze %dma_start3A_49 : memref<1x64xi32, #tpu.memory_space<vmem>> -> memref<64xi32, #tpu.memory_space<vmem>>
      %dma_start3A_51 = arith.constant 0 : i32
      %dma_start3A_52 = arith.constant 0 : i32
      %dma_start3A_53 = tpu.memref_slice %arg2[%dma_start3A_51, %dma_start3A_52] : memref<10240x128xf32, #tpu.memory_space<hbm>> -> memref<10240x128xf32, #tpu.memory_space<hbm>>
      tpu.enqueue_indirect_dma source(%dma_start3A_53 : memref<10240x128xf32, #tpu.memory_space<hbm>>) target(%arg12 : memref<64x128xf32, #tpu.memory_space<vmem>>) offsets(%dma_start3A_50 : memref<64xi32, #tpu.memory_space<vmem>>) semaphore(%arg17 : memref<!tpu.dma_semaphore, #tpu.memory_space<semaphore_mem>>)
      %scan3A_54 = arith.constant 0 : i32
      %scan3A_55 = arith.constant 0 : i32
      %scan3A_56 = arith.constant 8 : i32
      %scan3A_57 = arith.addi %scan3A_55, %scan3A_56 : i32
      %scan3A_58 = arith.constant 1 : i32
      scf.for %scan3A_60 = %scan3A_55 to %scan3A_57 step %scan3A_58  : i32 {
        %mul3A_61 = arith.constant 4 : i32
        %mul3A_62 = arith.muli %mul3A_61, %scan3A_60 : i32
        %add3A_63 = arith.constant 0 : i32
        %add3A_64 = arith.addi %mul3A_62, %add3A_63 : i32
        %dma_wait3A = arith.constant 0 : i32
        %dma_wait3A_65 = tpu.memref_slice %arg7[%add3A_64, %dma_wait3A] : memref<32x64xi32, #tpu.memory_space<vmem>> -> memref<1x64xi32, #tpu.memory_space<vmem>>
        %dma_wait3A_66 = tpu.memref_squeeze %dma_wait3A_65 : memref<1x64xi32, #tpu.memory_space<vmem>> -> memref<64xi32, #tpu.memory_space<vmem>>
        %dma_wait3A_67 = arith.constant 0 : i32
        %dma_wait3A_68 = arith.constant 0 : i32
        %dma_wait3A_69 = tpu.memref_slice %arg2[%dma_wait3A_67, %dma_wait3A_68] : memref<10240x128xf32, #tpu.memory_space<hbm>> -> memref<10240x128xf32, #tpu.memory_space<hbm>>
        tpu.wait_indirect_dma semaphore(%arg14 : memref<!tpu.dma_semaphore, #tpu.memory_space<semaphore_mem>>) src(%dma_wait3A_69 : memref<10240x128xf32, #tpu.memory_space<hbm>>) dst(%arg9 : memref<64x128xf32, #tpu.memory_space<vmem>>)
        "tpu.region"() ({
          %run_scoped3A = tpu.sem_alloc : memref<!tpu.dma_semaphore, #tpu.memory_space<semaphore_mem>>
          %dma_start3A_125 = arith.constant 0 : i32
          %dma_start3A_126 = tpu.memref_slice %arg8[%add3A_64, %dma_start3A_125] : memref<32x64xi32, #tpu.memory_space<vmem>> -> memref<1x64xi32, #tpu.memory_space<vmem>>
          %dma_start3A_127 = tpu.memref_squeeze %dma_start3A_126 : memref<1x64xi32, #tpu.memory_space<vmem>> -> memref<64xi32, #tpu.memory_space<vmem>>
          %dma_start3A_128 = arith.constant 0 : i32
          %dma_start3A_129 = arith.constant 0 : i32
          %dma_start3A_130 = tpu.memref_slice %arg13[%dma_start3A_128, %dma_start3A_129] : memref<10240x128xf32, #tpu.memory_space<vmem_shared>> -> memref<10240x128xf32, #tpu.memory_space<vmem_shared>>
          tpu.enqueue_indirect_dma source(%arg9 : memref<64x128xf32, #tpu.memory_space<vmem>>) target(%dma_start3A_130 : memref<10240x128xf32, #tpu.memory_space<vmem_shared>>) offsets(%dma_start3A_127 : memref<64xi32, #tpu.memory_space<vmem>>) semaphore(%run_scoped3A : memref<!tpu.dma_semaphore, #tpu.memory_space<semaphore_mem>>) {add = true}
          %dma_wait3A_131 = arith.constant 0 : i32
          %dma_wait3A_132 = tpu.memref_slice %arg8[%add3A_64, %dma_wait3A_131] : memref<32x64xi32, #tpu.memory_space<vmem>> -> memref<1x64xi32, #tpu.memory_space<vmem>>
          %dma_wait3A_133 = tpu.memref_squeeze %dma_wait3A_132 : memref<1x64xi32, #tpu.memory_space<vmem>> -> memref<64xi32, #tpu.memory_space<vmem>>
          %dma_wait3A_134 = arith.constant 0 : i32
          %dma_wait3A_135 = arith.constant 0 : i32
          %dma_wait3A_136 = tpu.memref_slice %arg13[%dma_wait3A_134, %dma_wait3A_135] : memref<10240x128xf32, #tpu.memory_space<vmem_shared>> -> memref<10240x128xf32, #tpu.memory_space<vmem_shared>>
          tpu.wait_indirect_dma semaphore(%run_scoped3A : memref<!tpu.dma_semaphore, #tpu.memory_space<semaphore_mem>>) src(%arg9 : memref<64x128xf32, #tpu.memory_space<vmem>>) dst(%dma_wait3A_136 : memref<10240x128xf32, #tpu.memory_space<vmem_shared>>)
          tpu.yield
        }) : () -> ()
        %add3A_70 = arith.constant 4 : i32
        %add3A_71 = arith.addi %add3A_64, %add3A_70 : i32
        %lt3A = arith.constant 32 : i32
        %lt3A_72 = arith.cmpi slt, %add3A_71, %lt3A : i32
        %convert_element_type3A = arith.extui %lt3A_72 : i1 to i32
        %cond3A = arith.constant 0 : i32
        %cond3A_73 = arith.cmpi ne, %convert_element_type3A, %cond3A : i32
        scf.if %cond3A_73 {
          %add3A_125 = arith.constant 4 : i32
          %add3A_126 = arith.addi %add3A_64, %add3A_125 : i32
          %dma_start3A_127 = arith.constant 0 : i32
          %dma_start3A_128 = tpu.memref_slice %arg7[%add3A_126, %dma_start3A_127] : memref<32x64xi32, #tpu.memory_space<vmem>> -> memref<1x64xi32, #tpu.memory_space<vmem>>
          %dma_start3A_129 = tpu.memref_squeeze %dma_start3A_128 : memref<1x64xi32, #tpu.memory_space<vmem>> -> memref<64xi32, #tpu.memory_space<vmem>>
          %dma_start3A_130 = arith.constant 0 : i32
          %dma_start3A_131 = arith.constant 0 : i32
          %dma_start3A_132 = tpu.memref_slice %arg2[%dma_start3A_130, %dma_start3A_131] : memref<10240x128xf32, #tpu.memory_space<hbm>> -> memref<10240x128xf32, #tpu.memory_space<hbm>>
          tpu.enqueue_indirect_dma source(%dma_start3A_132 : memref<10240x128xf32, #tpu.memory_space<hbm>>) target(%arg9 : memref<64x128xf32, #tpu.memory_space<vmem>>) offsets(%dma_start3A_129 : memref<64xi32, #tpu.memory_space<vmem>>) semaphore(%arg14 : memref<!tpu.dma_semaphore, #tpu.memory_space<semaphore_mem>>)
        } else {
        }
        %mul3A_74 = arith.constant 4 : i32
        %mul3A_75 = arith.muli %mul3A_74, %scan3A_60 : i32
        %add3A_76 = arith.constant 1 : i32
        %add3A_77 = arith.addi %mul3A_75, %add3A_76 : i32
        %dma_wait3A_78 = arith.constant 0 : i32
        %dma_wait3A_79 = tpu.memref_slice %arg7[%add3A_77, %dma_wait3A_78] : memref<32x64xi32, #tpu.memory_space<vmem>> -> memref<1x64xi32, #tpu.memory_space<vmem>>
        %dma_wait3A_80 = tpu.memref_squeeze %dma_wait3A_79 : memref<1x64xi32, #tpu.memory_space<vmem>> -> memref<64xi32, #tpu.memory_space<vmem>>
        %dma_wait3A_81 = arith.constant 0 : i32
        %dma_wait3A_82 = arith.constant 0 : i32
        %dma_wait3A_83 = tpu.memref_slice %arg2[%dma_wait3A_81, %dma_wait3A_82] : memref<10240x128xf32, #tpu.memory_space<hbm>> -> memref<10240x128xf32, #tpu.memory_space<hbm>>
        tpu.wait_indirect_dma semaphore(%arg15 : memref<!tpu.dma_semaphore, #tpu.memory_space<semaphore_mem>>) src(%dma_wait3A_83 : memref<10240x128xf32, #tpu.memory_space<hbm>>) dst(%arg10 : memref<64x128xf32, #tpu.memory_space<vmem>>)
        "tpu.region"() ({
          %run_scoped3A = tpu.sem_alloc : memref<!tpu.dma_semaphore, #tpu.memory_space<semaphore_mem>>
          %dma_start3A_125 = arith.constant 0 : i32
          %dma_start3A_126 = tpu.memref_slice %arg8[%add3A_77, %dma_start3A_125] : memref<32x64xi32, #tpu.memory_space<vmem>> -> memref<1x64xi32, #tpu.memory_space<vmem>>
          %dma_start3A_127 = tpu.memref_squeeze %dma_start3A_126 : memref<1x64xi32, #tpu.memory_space<vmem>> -> memref<64xi32, #tpu.memory_space<vmem>>
          %dma_start3A_128 = arith.constant 0 : i32
          %dma_start3A_129 = arith.constant 0 : i32
          %dma_start3A_130 = tpu.memref_slice %arg13[%dma_start3A_128, %dma_start3A_129] : memref<10240x128xf32, #tpu.memory_space<vmem_shared>> -> memref<10240x128xf32, #tpu.memory_space<vmem_shared>>
          tpu.enqueue_indirect_dma source(%arg10 : memref<64x128xf32, #tpu.memory_space<vmem>>) target(%dma_start3A_130 : memref<10240x128xf32, #tpu.memory_space<vmem_shared>>) offsets(%dma_start3A_127 : memref<64xi32, #tpu.memory_space<vmem>>) semaphore(%run_scoped3A : memref<!tpu.dma_semaphore, #tpu.memory_space<semaphore_mem>>) {add = true}
          %dma_wait3A_131 = arith.constant 0 : i32
          %dma_wait3A_132 = tpu.memref_slice %arg8[%add3A_77, %dma_wait3A_131] : memref<32x64xi32, #tpu.memory_space<vmem>> -> memref<1x64xi32, #tpu.memory_space<vmem>>
          %dma_wait3A_133 = tpu.memref_squeeze %dma_wait3A_132 : memref<1x64xi32, #tpu.memory_space<vmem>> -> memref<64xi32, #tpu.memory_space<vmem>>
          %dma_wait3A_134 = arith.constant 0 : i32
          %dma_wait3A_135 = arith.constant 0 : i32
          %dma_wait3A_136 = tpu.memref_slice %arg13[%dma_wait3A_134, %dma_wait3A_135] : memref<10240x128xf32, #tpu.memory_space<vmem_shared>> -> memref<10240x128xf32, #tpu.memory_space<vmem_shared>>
          tpu.wait_indirect_dma semaphore(%run_scoped3A : memref<!tpu.dma_semaphore, #tpu.memory_space<semaphore_mem>>) src(%arg10 : memref<64x128xf32, #tpu.memory_space<vmem>>) dst(%dma_wait3A_136 : memref<10240x128xf32, #tpu.memory_space<vmem_shared>>)
          tpu.yield
        }) : () -> ()
        %add3A_84 = arith.constant 4 : i32
        %add3A_85 = arith.addi %add3A_77, %add3A_84 : i32
        %lt3A_86 = arith.constant 32 : i32
        %lt3A_87 = arith.cmpi slt, %add3A_85, %lt3A_86 : i32
        %convert_element_type3A_88 = arith.extui %lt3A_87 : i1 to i32
        %cond3A_89 = arith.constant 0 : i32
        %cond3A_90 = arith.cmpi ne, %convert_element_type3A_88, %cond3A_89 : i32
        scf.if %cond3A_90 {
          %add3A_125 = arith.constant 4 : i32
          %add3A_126 = arith.addi %add3A_77, %add3A_125 : i32
          %dma_start3A_127 = arith.constant 0 : i32
          %dma_start3A_128 = tpu.memref_slice %arg7[%add3A_126, %dma_start3A_127] : memref<32x64xi32, #tpu.memory_space<vmem>> -> memref<1x64xi32, #tpu.memory_space<vmem>>
          %dma_start3A_129 = tpu.memref_squeeze %dma_start3A_128 : memref<1x64xi32, #tpu.memory_space<vmem>> -> memref<64xi32, #tpu.memory_space<vmem>>
          %dma_start3A_130 = arith.constant 0 : i32
          %dma_start3A_131 = arith.constant 0 : i32
          %dma_start3A_132 = tpu.memref_slice %arg2[%dma_start3A_130, %dma_start3A_131] : memref<10240x128xf32, #tpu.memory_space<hbm>> -> memref<10240x128xf32, #tpu.memory_space<hbm>>
          tpu.enqueue_indirect_dma source(%dma_start3A_132 : memref<10240x128xf32, #tpu.memory_space<hbm>>) target(%arg10 : memref<64x128xf32, #tpu.memory_space<vmem>>) offsets(%dma_start3A_129 : memref<64xi32, #tpu.memory_space<vmem>>) semaphore(%arg15 : memref<!tpu.dma_semaphore, #tpu.memory_space<semaphore_mem>>)
        } else {
        }
        %mul3A_91 = arith.constant 4 : i32
        %mul3A_92 = arith.muli %mul3A_91, %scan3A_60 : i32
        %add3A_93 = arith.constant 2 : i32
        %add3A_94 = arith.addi %mul3A_92, %add3A_93 : i32
        %dma_wait3A_95 = arith.constant 0 : i32
        %dma_wait3A_96 = tpu.memref_slice %arg7[%add3A_94, %dma_wait3A_95] : memref<32x64xi32, #tpu.memory_space<vmem>> -> memref<1x64xi32, #tpu.memory_space<vmem>>
        %dma_wait3A_97 = tpu.memref_squeeze %dma_wait3A_96 : memref<1x64xi32, #tpu.memory_space<vmem>> -> memref<64xi32, #tpu.memory_space<vmem>>
        %dma_wait3A_98 = arith.constant 0 : i32
        %dma_wait3A_99 = arith.constant 0 : i32
        %dma_wait3A_100 = tpu.memref_slice %arg2[%dma_wait3A_98, %dma_wait3A_99] : memref<10240x128xf32, #tpu.memory_space<hbm>> -> memref<10240x128xf32, #tpu.memory_space<hbm>>
        tpu.wait_indirect_dma semaphore(%arg16 : memref<!tpu.dma_semaphore, #tpu.memory_space<semaphore_mem>>) src(%dma_wait3A_100 : memref<10240x128xf32, #tpu.memory_space<hbm>>) dst(%arg11 : memref<64x128xf32, #tpu.memory_space<vmem>>)
        "tpu.region"() ({
          %run_scoped3A = tpu.sem_alloc : memref<!tpu.dma_semaphore, #tpu.memory_space<semaphore_mem>>
          %dma_start3A_125 = arith.constant 0 : i32
          %dma_start3A_126 = tpu.memref_slice %arg8[%add3A_94, %dma_start3A_125] : memref<32x64xi32, #tpu.memory_space<vmem>> -> memref<1x64xi32, #tpu.memory_space<vmem>>
          %dma_start3A_127 = tpu.memref_squeeze %dma_start3A_126 : memref<1x64xi32, #tpu.memory_space<vmem>> -> memref<64xi32, #tpu.memory_space<vmem>>
          %dma_start3A_128 = arith.constant 0 : i32
          %dma_start3A_129 = arith.constant 0 : i32
          %dma_start3A_130 = tpu.memref_slice %arg13[%dma_start3A_128, %dma_start3A_129] : memref<10240x128xf32, #tpu.memory_space<vmem_shared>> -> memref<10240x128xf32, #tpu.memory_space<vmem_shared>>
          tpu.enqueue_indirect_dma source(%arg11 : memref<64x128xf32, #tpu.memory_space<vmem>>) target(%dma_start3A_130 : memref<10240x128xf32, #tpu.memory_space<vmem_shared>>) offsets(%dma_start3A_127 : memref<64xi32, #tpu.memory_space<vmem>>) semaphore(%run_scoped3A : memref<!tpu.dma_semaphore, #tpu.memory_space<semaphore_mem>>) {add = true}
          %dma_wait3A_131 = arith.constant 0 : i32
          %dma_wait3A_132 = tpu.memref_slice %arg8[%add3A_94, %dma_wait3A_131] : memref<32x64xi32, #tpu.memory_space<vmem>> -> memref<1x64xi32, #tpu.memory_space<vmem>>
          %dma_wait3A_133 = tpu.memref_squeeze %dma_wait3A_132 : memref<1x64xi32, #tpu.memory_space<vmem>> -> memref<64xi32, #tpu.memory_space<vmem>>
          %dma_wait3A_134 = arith.constant 0 : i32
          %dma_wait3A_135 = arith.constant 0 : i32
          %dma_wait3A_136 = tpu.memref_slice %arg13[%dma_wait3A_134, %dma_wait3A_135] : memref<10240x128xf32, #tpu.memory_space<vmem_shared>> -> memref<10240x128xf32, #tpu.memory_space<vmem_shared>>
          tpu.wait_indirect_dma semaphore(%run_scoped3A : memref<!tpu.dma_semaphore, #tpu.memory_space<semaphore_mem>>) src(%arg11 : memref<64x128xf32, #tpu.memory_space<vmem>>) dst(%dma_wait3A_136 : memref<10240x128xf32, #tpu.memory_space<vmem_shared>>)
          tpu.yield
        }) : () -> ()
        %add3A_101 = arith.constant 4 : i32
        %add3A_102 = arith.addi %add3A_94, %add3A_101 : i32
        %lt3A_103 = arith.constant 32 : i32
        %lt3A_104 = arith.cmpi slt, %add3A_102, %lt3A_103 : i32
        %convert_element_type3A_105 = arith.extui %lt3A_104 : i1 to i32
        %cond3A_106 = arith.constant 0 : i32
        %cond3A_107 = arith.cmpi ne, %convert_element_type3A_105, %cond3A_106 : i32
        scf.if %cond3A_107 {
          %add3A_125 = arith.constant 4 : i32
          %add3A_126 = arith.addi %add3A_94, %add3A_125 : i32
          %dma_start3A_127 = arith.constant 0 : i32
          %dma_start3A_128 = tpu.memref_slice %arg7[%add3A_126, %dma_start3A_127] : memref<32x64xi32, #tpu.memory_space<vmem>> -> memref<1x64xi32, #tpu.memory_space<vmem>>
          %dma_start3A_129 = tpu.memref_squeeze %dma_start3A_128 : memref<1x64xi32, #tpu.memory_space<vmem>> -> memref<64xi32, #tpu.memory_space<vmem>>
          %dma_start3A_130 = arith.constant 0 : i32
          %dma_start3A_131 = arith.constant 0 : i32
          %dma_start3A_132 = tpu.memref_slice %arg2[%dma_start3A_130, %dma_start3A_131] : memref<10240x128xf32, #tpu.memory_space<hbm>> -> memref<10240x128xf32, #tpu.memory_space<hbm>>
          tpu.enqueue_indirect_dma source(%dma_start3A_132 : memref<10240x128xf32, #tpu.memory_space<hbm>>) target(%arg11 : memref<64x128xf32, #tpu.memory_space<vmem>>) offsets(%dma_start3A_129 : memref<64xi32, #tpu.memory_space<vmem>>) semaphore(%arg16 : memref<!tpu.dma_semaphore, #tpu.memory_space<semaphore_mem>>)
        } else {
        }
        %mul3A_108 = arith.constant 4 : i32
        %mul3A_109 = arith.muli %mul3A_108, %scan3A_60 : i32
        %add3A_110 = arith.constant 3 : i32
        %add3A_111 = arith.addi %mul3A_109, %add3A_110 : i32
        %dma_wait3A_112 = arith.constant 0 : i32
        %dma_wait3A_113 = tpu.memref_slice %arg7[%add3A_111, %dma_wait3A_112] : memref<32x64xi32, #tpu.memory_space<vmem>> -> memref<1x64xi32, #tpu.memory_space<vmem>>
        %dma_wait3A_114 = tpu.memref_squeeze %dma_wait3A_113 : memref<1x64xi32, #tpu.memory_space<vmem>> -> memref<64xi32, #tpu.memory_space<vmem>>
        %dma_wait3A_115 = arith.constant 0 : i32
        %dma_wait3A_116 = arith.constant 0 : i32
        %dma_wait3A_117 = tpu.memref_slice %arg2[%dma_wait3A_115, %dma_wait3A_116] : memref<10240x128xf32, #tpu.memory_space<hbm>> -> memref<10240x128xf32, #tpu.memory_space<hbm>>
        tpu.wait_indirect_dma semaphore(%arg17 : memref<!tpu.dma_semaphore, #tpu.memory_space<semaphore_mem>>) src(%dma_wait3A_117 : memref<10240x128xf32, #tpu.memory_space<hbm>>) dst(%arg12 : memref<64x128xf32, #tpu.memory_space<vmem>>)
        "tpu.region"() ({
          %run_scoped3A = tpu.sem_alloc : memref<!tpu.dma_semaphore, #tpu.memory_space<semaphore_mem>>
          %dma_start3A_125 = arith.constant 0 : i32
          %dma_start3A_126 = tpu.memref_slice %arg8[%add3A_111, %dma_start3A_125] : memref<32x64xi32, #tpu.memory_space<vmem>> -> memref<1x64xi32, #tpu.memory_space<vmem>>
          %dma_start3A_127 = tpu.memref_squeeze %dma_start3A_126 : memref<1x64xi32, #tpu.memory_space<vmem>> -> memref<64xi32, #tpu.memory_space<vmem>>
          %dma_start3A_128 = arith.constant 0 : i32
          %dma_start3A_129 = arith.constant 0 : i32
          %dma_start3A_130 = tpu.memref_slice %arg13[%dma_start3A_128, %dma_start3A_129] : memref<10240x128xf32, #tpu.memory_space<vmem_shared>> -> memref<10240x128xf32, #tpu.memory_space<vmem_shared>>
          tpu.enqueue_indirect_dma source(%arg12 : memref<64x128xf32, #tpu.memory_space<vmem>>) target(%dma_start3A_130 : memref<10240x128xf32, #tpu.memory_space<vmem_shared>>) offsets(%dma_start3A_127 : memref<64xi32, #tpu.memory_space<vmem>>) semaphore(%run_scoped3A : memref<!tpu.dma_semaphore, #tpu.memory_space<semaphore_mem>>) {add = true}
          %dma_wait3A_131 = arith.constant 0 : i32
          %dma_wait3A_132 = tpu.memref_slice %arg8[%add3A_111, %dma_wait3A_131] : memref<32x64xi32, #tpu.memory_space<vmem>> -> memref<1x64xi32, #tpu.memory_space<vmem>>
          %dma_wait3A_133 = tpu.memref_squeeze %dma_wait3A_132 : memref<1x64xi32, #tpu.memory_space<vmem>> -> memref<64xi32, #tpu.memory_space<vmem>>
          %dma_wait3A_134 = arith.constant 0 : i32
          %dma_wait3A_135 = arith.constant 0 : i32
          %dma_wait3A_136 = tpu.memref_slice %arg13[%dma_wait3A_134, %dma_wait3A_135] : memref<10240x128xf32, #tpu.memory_space<vmem_shared>> -> memref<10240x128xf32, #tpu.memory_space<vmem_shared>>
          tpu.wait_indirect_dma semaphore(%run_scoped3A : memref<!tpu.dma_semaphore, #tpu.memory_space<semaphore_mem>>) src(%arg12 : memref<64x128xf32, #tpu.memory_space<vmem>>) dst(%dma_wait3A_136 : memref<10240x128xf32, #tpu.memory_space<vmem_shared>>)
          tpu.yield
        }) : () -> ()
        %add3A_118 = arith.constant 4 : i32
        %add3A_119 = arith.addi %add3A_111, %add3A_118 : i32
        %lt3A_120 = arith.constant 32 : i32
        %lt3A_121 = arith.cmpi slt, %add3A_119, %lt3A_120 : i32
        %convert_element_type3A_122 = arith.extui %lt3A_121 : i1 to i32
        %cond3A_123 = arith.constant 0 : i32
        %cond3A_124 = arith.cmpi ne, %convert_element_type3A_122, %cond3A_123 : i32
        scf.if %cond3A_124 {
          %add3A_125 = arith.constant 4 : i32
          %add3A_126 = arith.addi %add3A_111, %add3A_125 : i32
          %dma_start3A_127 = arith.constant 0 : i32
          %dma_start3A_128 = tpu.memref_slice %arg7[%add3A_126, %dma_start3A_127] : memref<32x64xi32, #tpu.memory_space<vmem>> -> memref<1x64xi32, #tpu.memory_space<vmem>>
          %dma_start3A_129 = tpu.memref_squeeze %dma_start3A_128 : memref<1x64xi32, #tpu.memory_space<vmem>> -> memref<64xi32, #tpu.memory_space<vmem>>
          %dma_start3A_130 = arith.constant 0 : i32
          %dma_start3A_131 = arith.constant 0 : i32
          %dma_start3A_132 = tpu.memref_slice %arg2[%dma_start3A_130, %dma_start3A_131] : memref<10240x128xf32, #tpu.memory_space<hbm>> -> memref<10240x128xf32, #tpu.memory_space<hbm>>
          tpu.enqueue_indirect_dma source(%dma_start3A_132 : memref<10240x128xf32, #tpu.memory_space<hbm>>) target(%arg12 : memref<64x128xf32, #tpu.memory_space<vmem>>) offsets(%dma_start3A_129 : memref<64xi32, #tpu.memory_space<vmem>>) semaphore(%arg17 : memref<!tpu.dma_semaphore, #tpu.memory_space<semaphore_mem>>)
        } else {
        }
      }
      %scan3A_59 = arith.constant 8 : i32
    }
    %scan3A_11 = arith.constant 5 : i32
    %barrier3A_12 = arith.constant 0 : index
    tpu.barrier barrier_id(%barrier3A_12)
    %mul3A_13 = arith.constant 640 : i32
    %mul3A_14 = arith.muli %arg1, %mul3A_13 : i32
    %mul3A_15 = arith.constant 10240 : i32
    %mul3A_16 = arith.muli %arg0, %mul3A_15 : i32
    %mul3A_17 = arith.constant 640 : i32
    %mul3A_18 = arith.muli %arg1, %mul3A_17 : i32
    %add3A_19 = arith.addi %mul3A_16, %mul3A_18 : i32
    "tpu.region"() ({
      %run_scoped3A = tpu.sem_alloc : memref<!tpu.dma_semaphore, #tpu.memory_space<semaphore_mem>>
      %dma_start3A = arith.constant 0 : i32
      %dma_start3A_20 = tpu.memref_slice %arg6[%add3A_19, %dma_start3A] : memref<20480x128xf32, #tpu.memory_space<hbm>> -> memref<640x128xf32, #tpu.memory_space<hbm>>
      %dma_start3A_21 = arith.constant 0 : i32
      %dma_start3A_22 = tpu.memref_slice %arg13[%mul3A_14, %dma_start3A_21] : memref<10240x128xf32, #tpu.memory_space<vmem_shared>> -> memref<640x128xf32, #tpu.memory_space<vmem_shared>>
      tpu.enqueue_dma source(%dma_start3A_22 : memref<640x128xf32, #tpu.memory_space<vmem_shared>>) target(%dma_start3A_20 : memref<640x128xf32, #tpu.memory_space<hbm>>) target_semaphore(%run_scoped3A : memref<!tpu.dma_semaphore, #tpu.memory_space<semaphore_mem>>)
      %dma_wait3A = arith.constant 0 : i32
      %dma_wait3A_23 = tpu.memref_slice %arg6[%add3A_19, %dma_wait3A] : memref<20480x128xf32, #tpu.memory_space<hbm>> -> memref<640x128xf32, #tpu.memory_space<hbm>>
      %dma_wait3A_24 = arith.constant 0 : i32
      %dma_wait3A_25 = tpu.memref_slice %arg13[%mul3A_14, %dma_wait3A_24] : memref<10240x128xf32, #tpu.memory_space<vmem_shared>> -> memref<640x128xf32, #tpu.memory_space<vmem_shared>>
      tpu.wait_dma2 semaphore(%run_scoped3A : memref<!tpu.dma_semaphore, #tpu.memory_space<semaphore_mem>>) src(%dma_wait3A_25 : memref<640x128xf32, #tpu.memory_space<vmem_shared>>) dst(%dma_wait3A_23 : memref<640x128xf32, #tpu.memory_space<hbm>>)
      tpu.yield
    }) : () -> ()
    return
  }
}

#map = affine_map<(d0, d1) -> (0, 0)>
module attributes {stable_mosaic.version = 14 : i64} {
  func.func @k(%arg0: i32, %arg1: i32, %arg2: memref<10240x128xf32, #tpu.memory_space<hbm>>, %arg3: memref<5120x64xi32, #tpu.memory_space<hbm>>, %arg4: memref<5120x64xi32, #tpu.memory_space<hbm>>, %arg5: memref<10240x128xf32, #tpu.memory_space<hbm>>, %arg6: memref<20480x128xf32, #tpu.memory_space<hbm>>, %arg7: memref<32x64xi32, #tpu.memory_space<vmem>>, %arg8: memref<32x64xi32, #tpu.memory_space<vmem>>, %arg9: memref<64x128xf32, #tpu.memory_space<vmem>>, %arg10: memref<64x128xf32, #tpu.memory_space<vmem>>, %arg11: memref<64x128xf32, #tpu.memory_space<vmem>>, %arg12: memref<64x128xf32, #tpu.memory_space<vmem>>, %arg13: memref<10240x128xf32, #tpu.memory_space<vmem_shared>>, %arg14: memref<!tpu.dma_semaphore, #tpu.memory_space<semaphore_mem>>, %arg15: memref<!tpu.dma_semaphore, #tpu.memory_space<semaphore_mem>>, %arg16: memref<!tpu.dma_semaphore, #tpu.memory_space<semaphore_mem>>, %arg17: memref<!tpu.dma_semaphore, #tpu.memory_space<semaphore_mem>>) attributes {dimension_semantics = [#tpu.dimension_semantics<core_parallel>, #tpu.dimension_semantics<subcore_parallel>], iteration_bounds = array<i64: 2, 16>, scalar_prefetch = 0 : i64, scratch_operands = 11 : i64, tpu.core_type = #tpu.core_type<sc_vector_subcore>, window_params = [{transform_indices = #map}, {transform_indices = #map}, {transform_indices = #map}, {transform_indices = #map}, {transform_indices = #map}]} {
    %mul3A = arith.constant 640 : i32
    %mul3A_0 = arith.muli %arg1, %mul3A : i32
    %mul3A_1 = arith.constant 640 : i32
    %mul3A_2 = arith.muli %arg1, %mul3A_1 : i32
    "tpu.region"() ({
      %run_scoped3A = tpu.sem_alloc : memref<!tpu.dma_semaphore, #tpu.memory_space<semaphore_mem>>
      %dma_start3A = arith.constant 0 : i32
      %dma_start3A_20 = tpu.memref_slice %arg13[%mul3A_2, %dma_start3A] : memref<10240x128xf32, #tpu.memory_space<vmem_shared>> -> memref<640x128xf32, #tpu.memory_space<vmem_shared>>
      %dma_start3A_21 = arith.constant 0 : i32
      %dma_start3A_22 = tpu.memref_slice %arg5[%mul3A_0, %dma_start3A_21] : memref<10240x128xf32, #tpu.memory_space<hbm>> -> memref<640x128xf32, #tpu.memory_space<hbm>>
      tpu.enqueue_dma source(%dma_start3A_22 : memref<640x128xf32, #tpu.memory_space<hbm>>) target(%dma_start3A_20 : memref<640x128xf32, #tpu.memory_space<vmem_shared>>) target_semaphore(%run_scoped3A : memref<!tpu.dma_semaphore, #tpu.memory_space<semaphore_mem>>)
      %dma_wait3A = arith.constant 0 : i32
      %dma_wait3A_23 = tpu.memref_slice %arg13[%mul3A_2, %dma_wait3A] : memref<10240x128xf32, #tpu.memory_space<vmem_shared>> -> memref<640x128xf32, #tpu.memory_space<vmem_shared>>
      %dma_wait3A_24 = arith.constant 0 : i32
      %dma_wait3A_25 = tpu.memref_slice %arg5[%mul3A_0, %dma_wait3A_24] : memref<10240x128xf32, #tpu.memory_space<hbm>> -> memref<640x128xf32, #tpu.memory_space<hbm>>
      tpu.wait_dma2 semaphore(%run_scoped3A : memref<!tpu.dma_semaphore, #tpu.memory_space<semaphore_mem>>) src(%dma_wait3A_25 : memref<640x128xf32, #tpu.memory_space<hbm>>) dst(%dma_wait3A_23 : memref<640x128xf32, #tpu.memory_space<vmem_shared>>)
      tpu.yield
    }) : () -> ()
    %mul3A_3 = arith.constant 16 : i32
    %mul3A_4 = arith.muli %arg0, %mul3A_3 : i32
    %add3A = arith.addi %mul3A_4, %arg1 : i32
    %mul3A_5 = arith.constant 160 : i32
    %mul3A_6 = arith.muli %add3A, %mul3A_5 : i32
    %barrier3A = arith.constant 0 : index
    tpu.barrier barrier_id(%barrier3A)
    %scan3A = arith.constant 0 : i32
    %scan3A_7 = arith.constant 0 : i32
    %scan3A_8 = arith.constant 5 : i32
    %scan3A_9 = arith.addi %scan3A_7, %scan3A_8 : i32
    %scan3A_10 = arith.constant 1 : i32
    scf.for %scan3A_20 = %scan3A_7 to %scan3A_9 step %scan3A_10  : i32 {
      %mul3A_21 = arith.constant 32 : i32
      %mul3A_22 = arith.muli %scan3A_20, %mul3A_21 : i32
      %add3A_23 = arith.addi %mul3A_6, %mul3A_22 : i32
      "tpu.region"() ({
        %run_scoped3A = tpu.sem_alloc : memref<!tpu.dma_semaphore, #tpu.memory_space<semaphore_mem>>
        %dma_start3A_60 = arith.constant 0 : i32
        %dma_start3A_61 = tpu.memref_slice %arg3[%add3A_23, %dma_start3A_60] : memref<5120x64xi32, #tpu.memory_space<hbm>> -> memref<32x64xi32, #tpu.memory_space<hbm>>
        %dma_start3A_62 = arith.constant 0 : i32
        %dma_start3A_63 = tpu.memref_slice %arg3[%add3A_23, %dma_start3A_62] : memref<5120x64xi32, #tpu.memory_space<hbm>> -> memref<32x64xi32, #tpu.memory_space<hbm>>
        tpu.enqueue_dma source(%dma_start3A_63 : memref<32x64xi32, #tpu.memory_space<hbm>>) target(%arg7 : memref<32x64xi32, #tpu.memory_space<vmem>>) target_semaphore(%run_scoped3A : memref<!tpu.dma_semaphore, #tpu.memory_space<semaphore_mem>>)
        %dma_wait3A = arith.constant 0 : i32
        %dma_wait3A_64 = tpu.memref_slice %arg3[%add3A_23, %dma_wait3A] : memref<5120x64xi32, #tpu.memory_space<hbm>> -> memref<32x64xi32, #tpu.memory_space<hbm>>
        %dma_wait3A_65 = arith.constant 0 : i32
        %dma_wait3A_66 = tpu.memref_slice %arg3[%add3A_23, %dma_wait3A_65] : memref<5120x64xi32, #tpu.memory_space<hbm>> -> memref<32x64xi32, #tpu.memory_space<hbm>>
        tpu.wait_dma2 semaphore(%run_scoped3A : memref<!tpu.dma_semaphore, #tpu.memory_space<semaphore_mem>>) src(%dma_wait3A_66 : memref<32x64xi32, #tpu.memory_space<hbm>>) dst(%arg7 : memref<32x64xi32, #tpu.memory_space<vmem>>)
        tpu.yield
      }) : () -> ()
      %mul3A_24 = arith.constant 32 : i32
      %mul3A_25 = arith.muli %scan3A_20, %mul3A_24 : i32
      %add3A_26 = arith.addi %mul3A_6, %mul3A_25 : i32
      "tpu.region"() ({
        %run_scoped3A = tpu.sem_alloc : memref<!tpu.dma_semaphore, #tpu.memory_space<semaphore_mem>>
        %dma_start3A_60 = arith.constant 0 : i32
        %dma_start3A_61 = tpu.memref_slice %arg4[%add3A_26, %dma_start3A_60] : memref<5120x64xi32, #tpu.memory_space<hbm>> -> memref<32x64xi32, #tpu.memory_space<hbm>>
        %dma_start3A_62 = arith.constant 0 : i32
        %dma_start3A_63 = tpu.memref_slice %arg4[%add3A_26, %dma_start3A_62] : memref<5120x64xi32, #tpu.memory_space<hbm>> -> memref<32x64xi32, #tpu.memory_space<hbm>>
        tpu.enqueue_dma source(%dma_start3A_63 : memref<32x64xi32, #tpu.memory_space<hbm>>) target(%arg8 : memref<32x64xi32, #tpu.memory_space<vmem>>) target_semaphore(%run_scoped3A : memref<!tpu.dma_semaphore, #tpu.memory_space<semaphore_mem>>)
        %dma_wait3A = arith.constant 0 : i32
        %dma_wait3A_64 = tpu.memref_slice %arg4[%add3A_26, %dma_wait3A] : memref<5120x64xi32, #tpu.memory_space<hbm>> -> memref<32x64xi32, #tpu.memory_space<hbm>>
        %dma_wait3A_65 = arith.constant 0 : i32
        %dma_wait3A_66 = tpu.memref_slice %arg4[%add3A_26, %dma_wait3A_65] : memref<5120x64xi32, #tpu.memory_space<hbm>> -> memref<32x64xi32, #tpu.memory_space<hbm>>
        tpu.wait_dma2 semaphore(%run_scoped3A : memref<!tpu.dma_semaphore, #tpu.memory_space<semaphore_mem>>) src(%dma_wait3A_66 : memref<32x64xi32, #tpu.memory_space<hbm>>) dst(%arg8 : memref<32x64xi32, #tpu.memory_space<vmem>>)
        tpu.yield
      }) : () -> ()
      %dma_start3A = arith.constant 0 : i32
      %dma_start3A_27 = arith.constant 0 : i32
      %dma_start3A_28 = tpu.memref_slice %arg7[%dma_start3A, %dma_start3A_27] : memref<32x64xi32, #tpu.memory_space<vmem>> -> memref<1x64xi32, #tpu.memory_space<vmem>>
      %dma_start3A_29 = tpu.memref_squeeze %dma_start3A_28 : memref<1x64xi32, #tpu.memory_space<vmem>> -> memref<64xi32, #tpu.memory_space<vmem>>
      %dma_start3A_30 = arith.constant 0 : i32
      %dma_start3A_31 = arith.constant 0 : i32
      %dma_start3A_32 = tpu.memref_slice %arg2[%dma_start3A_30, %dma_start3A_31] : memref<10240x128xf32, #tpu.memory_space<hbm>> -> memref<10240x128xf32, #tpu.memory_space<hbm>>
      tpu.enqueue_indirect_dma source(%dma_start3A_32 : memref<10240x128xf32, #tpu.memory_space<hbm>>) target(%arg9 : memref<64x128xf32, #tpu.memory_space<vmem>>) offsets(%dma_start3A_29 : memref<64xi32, #tpu.memory_space<vmem>>) semaphore(%arg14 : memref<!tpu.dma_semaphore, #tpu.memory_space<semaphore_mem>>)
      %dma_start3A_33 = arith.constant 1 : i32
      %dma_start3A_34 = arith.constant 0 : i32
      %dma_start3A_35 = tpu.memref_slice %arg7[%dma_start3A_33, %dma_start3A_34] : memref<32x64xi32, #tpu.memory_space<vmem>> -> memref<1x64xi32, #tpu.memory_space<vmem>>
      %dma_start3A_36 = tpu.memref_squeeze %dma_start3A_35 : memref<1x64xi32, #tpu.memory_space<vmem>> -> memref<64xi32, #tpu.memory_space<vmem>>
      %dma_start3A_37 = arith.constant 0 : i32
      %dma_start3A_38 = arith.constant 0 : i32
      %dma_start3A_39 = tpu.memref_slice %arg2[%dma_start3A_37, %dma_start3A_38] : memref<10240x128xf32, #tpu.memory_space<hbm>> -> memref<10240x128xf32, #tpu.memory_space<hbm>>
      tpu.enqueue_indirect_dma source(%dma_start3A_39 : memref<10240x128xf32, #tpu.memory_space<hbm>>) target(%arg10 : memref<64x128xf32, #tpu.memory_space<vmem>>) offsets(%dma_start3A_36 : memref<64xi32, #tpu.memory_space<vmem>>) semaphore(%arg15 : memref<!tpu.dma_semaphore, #tpu.memory_space<semaphore_mem>>)
      %dma_start3A_40 = arith.constant 2 : i32
      %dma_start3A_41 = arith.constant 0 : i32
      %dma_start3A_42 = tpu.memref_slice %arg7[%dma_start3A_40, %dma_start3A_41] : memref<32x64xi32, #tpu.memory_space<vmem>> -> memref<1x64xi32, #tpu.memory_space<vmem>>
      %dma_start3A_43 = tpu.memref_squeeze %dma_start3A_42 : memref<1x64xi32, #tpu.memory_space<vmem>> -> memref<64xi32, #tpu.memory_space<vmem>>
      %dma_start3A_44 = arith.constant 0 : i32
      %dma_start3A_45 = arith.constant 0 : i32
      %dma_start3A_46 = tpu.memref_slice %arg2[%dma_start3A_44, %dma_start3A_45] : memref<10240x128xf32, #tpu.memory_space<hbm>> -> memref<10240x128xf32, #tpu.memory_space<hbm>>
      tpu.enqueue_indirect_dma source(%dma_start3A_46 : memref<10240x128xf32, #tpu.memory_space<hbm>>) target(%arg11 : memref<64x128xf32, #tpu.memory_space<vmem>>) offsets(%dma_start3A_43 : memref<64xi32, #tpu.memory_space<vmem>>) semaphore(%arg16 : memref<!tpu.dma_semaphore, #tpu.memory_space<semaphore_mem>>)
      %dma_start3A_47 = arith.constant 3 : i32
      %dma_start3A_48 = arith.constant 0 : i32
      %dma_start3A_49 = tpu.memref_slice %arg7[%dma_start3A_47, %dma_start3A_48] : memref<32x64xi32, #tpu.memory_space<vmem>> -> memref<1x64xi32, #tpu.memory_space<vmem>>
      %dma_start3A_50 = tpu.memref_squeeze %dma_start3A_49 : memref<1x64xi32, #tpu.memory_space<vmem>> -> memref<64xi32, #tpu.memory_space<vmem>>
      %dma_start3A_51 = arith.constant 0 : i32
      %dma_start3A_52 = arith.constant 0 : i32
      %dma_start3A_53 = tpu.memref_slice %arg2[%dma_start3A_51, %dma_start3A_52] : memref<10240x128xf32, #tpu.memory_space<hbm>> -> memref<10240x128xf32, #tpu.memory_space<hbm>>
      tpu.enqueue_indirect_dma source(%dma_start3A_53 : memref<10240x128xf32, #tpu.memory_space<hbm>>) target(%arg12 : memref<64x128xf32, #tpu.memory_space<vmem>>) offsets(%dma_start3A_50 : memref<64xi32, #tpu.memory_space<vmem>>) semaphore(%arg17 : memref<!tpu.dma_semaphore, #tpu.memory_space<semaphore_mem>>)
      %scan3A_54 = arith.constant 0 : i32
      %scan3A_55 = arith.constant 0 : i32
      %scan3A_56 = arith.constant 8 : i32
      %scan3A_57 = arith.addi %scan3A_55, %scan3A_56 : i32
      %scan3A_58 = arith.constant 1 : i32
      scf.for %scan3A_60 = %scan3A_55 to %scan3A_57 step %scan3A_58  : i32 {
        %mul3A_61 = arith.constant 4 : i32
        %mul3A_62 = arith.muli %mul3A_61, %scan3A_60 : i32
        %add3A_63 = arith.constant 0 : i32
        %add3A_64 = arith.addi %mul3A_62, %add3A_63 : i32
        %dma_wait3A = arith.constant 0 : i32
        %dma_wait3A_65 = tpu.memref_slice %arg7[%add3A_64, %dma_wait3A] : memref<32x64xi32, #tpu.memory_space<vmem>> -> memref<1x64xi32, #tpu.memory_space<vmem>>
        %dma_wait3A_66 = tpu.memref_squeeze %dma_wait3A_65 : memref<1x64xi32, #tpu.memory_space<vmem>> -> memref<64xi32, #tpu.memory_space<vmem>>
        %dma_wait3A_67 = arith.constant 0 : i32
        %dma_wait3A_68 = arith.constant 0 : i32
        %dma_wait3A_69 = tpu.memref_slice %arg2[%dma_wait3A_67, %dma_wait3A_68] : memref<10240x128xf32, #tpu.memory_space<hbm>> -> memref<10240x128xf32, #tpu.memory_space<hbm>>
        tpu.wait_indirect_dma semaphore(%arg14 : memref<!tpu.dma_semaphore, #tpu.memory_space<semaphore_mem>>) src(%dma_wait3A_69 : memref<10240x128xf32, #tpu.memory_space<hbm>>) dst(%arg9 : memref<64x128xf32, #tpu.memory_space<vmem>>)
        "tpu.region"() ({
          %run_scoped3A = tpu.sem_alloc : memref<!tpu.dma_semaphore, #tpu.memory_space<semaphore_mem>>
          %dma_start3A_125 = arith.constant 0 : i32
          %dma_start3A_126 = tpu.memref_slice %arg8[%add3A_64, %dma_start3A_125] : memref<32x64xi32, #tpu.memory_space<vmem>> -> memref<1x64xi32, #tpu.memory_space<vmem>>
          %dma_start3A_127 = tpu.memref_squeeze %dma_start3A_126 : memref<1x64xi32, #tpu.memory_space<vmem>> -> memref<64xi32, #tpu.memory_space<vmem>>
          %dma_start3A_128 = arith.constant 0 : i32
          %dma_start3A_129 = arith.constant 0 : i32
          %dma_start3A_130 = tpu.memref_slice %arg13[%dma_start3A_128, %dma_start3A_129] : memref<10240x128xf32, #tpu.memory_space<vmem_shared>> -> memref<10240x128xf32, #tpu.memory_space<vmem_shared>>
          tpu.enqueue_indirect_dma source(%arg9 : memref<64x128xf32, #tpu.memory_space<vmem>>) target(%dma_start3A_130 : memref<10240x128xf32, #tpu.memory_space<vmem_shared>>) offsets(%dma_start3A_127 : memref<64xi32, #tpu.memory_space<vmem>>) semaphore(%run_scoped3A : memref<!tpu.dma_semaphore, #tpu.memory_space<semaphore_mem>>) {add = true}
          %dma_wait3A_131 = arith.constant 0 : i32
          %dma_wait3A_132 = tpu.memref_slice %arg8[%add3A_64, %dma_wait3A_131] : memref<32x64xi32, #tpu.memory_space<vmem>> -> memref<1x64xi32, #tpu.memory_space<vmem>>
          %dma_wait3A_133 = tpu.memref_squeeze %dma_wait3A_132 : memref<1x64xi32, #tpu.memory_space<vmem>> -> memref<64xi32, #tpu.memory_space<vmem>>
          %dma_wait3A_134 = arith.constant 0 : i32
          %dma_wait3A_135 = arith.constant 0 : i32
          %dma_wait3A_136 = tpu.memref_slice %arg13[%dma_wait3A_134, %dma_wait3A_135] : memref<10240x128xf32, #tpu.memory_space<vmem_shared>> -> memref<10240x128xf32, #tpu.memory_space<vmem_shared>>
          tpu.wait_indirect_dma semaphore(%run_scoped3A : memref<!tpu.dma_semaphore, #tpu.memory_space<semaphore_mem>>) src(%arg9 : memref<64x128xf32, #tpu.memory_space<vmem>>) dst(%dma_wait3A_136 : memref<10240x128xf32, #tpu.memory_space<vmem_shared>>)
          tpu.yield
        }) : () -> ()
        %add3A_70 = arith.constant 4 : i32
        %add3A_71 = arith.addi %add3A_64, %add3A_70 : i32
        %lt3A = arith.constant 32 : i32
        %lt3A_72 = arith.cmpi slt, %add3A_71, %lt3A : i32
        %convert_element_type3A = arith.extui %lt3A_72 : i1 to i32
        %cond3A = arith.constant 0 : i32
        %cond3A_73 = arith.cmpi ne, %convert_element_type3A, %cond3A : i32
        scf.if %cond3A_73 {
          %add3A_125 = arith.constant 4 : i32
          %add3A_126 = arith.addi %add3A_64, %add3A_125 : i32
          %dma_start3A_127 = arith.constant 0 : i32
          %dma_start3A_128 = tpu.memref_slice %arg7[%add3A_126, %dma_start3A_127] : memref<32x64xi32, #tpu.memory_space<vmem>> -> memref<1x64xi32, #tpu.memory_space<vmem>>
          %dma_start3A_129 = tpu.memref_squeeze %dma_start3A_128 : memref<1x64xi32, #tpu.memory_space<vmem>> -> memref<64xi32, #tpu.memory_space<vmem>>
          %dma_start3A_130 = arith.constant 0 : i32
          %dma_start3A_131 = arith.constant 0 : i32
          %dma_start3A_132 = tpu.memref_slice %arg2[%dma_start3A_130, %dma_start3A_131] : memref<10240x128xf32, #tpu.memory_space<hbm>> -> memref<10240x128xf32, #tpu.memory_space<hbm>>
          tpu.enqueue_indirect_dma source(%dma_start3A_132 : memref<10240x128xf32, #tpu.memory_space<hbm>>) target(%arg9 : memref<64x128xf32, #tpu.memory_space<vmem>>) offsets(%dma_start3A_129 : memref<64xi32, #tpu.memory_space<vmem>>) semaphore(%arg14 : memref<!tpu.dma_semaphore, #tpu.memory_space<semaphore_mem>>)
        } else {
        }
        %mul3A_74 = arith.constant 4 : i32
        %mul3A_75 = arith.muli %mul3A_74, %scan3A_60 : i32
        %add3A_76 = arith.constant 1 : i32
        %add3A_77 = arith.addi %mul3A_75, %add3A_76 : i32
        %dma_wait3A_78 = arith.constant 0 : i32
        %dma_wait3A_79 = tpu.memref_slice %arg7[%add3A_77, %dma_wait3A_78] : memref<32x64xi32, #tpu.memory_space<vmem>> -> memref<1x64xi32, #tpu.memory_space<vmem>>
        %dma_wait3A_80 = tpu.memref_squeeze %dma_wait3A_79 : memref<1x64xi32, #tpu.memory_space<vmem>> -> memref<64xi32, #tpu.memory_space<vmem>>
        %dma_wait3A_81 = arith.constant 0 : i32
        %dma_wait3A_82 = arith.constant 0 : i32
        %dma_wait3A_83 = tpu.memref_slice %arg2[%dma_wait3A_81, %dma_wait3A_82] : memref<10240x128xf32, #tpu.memory_space<hbm>> -> memref<10240x128xf32, #tpu.memory_space<hbm>>
        tpu.wait_indirect_dma semaphore(%arg15 : memref<!tpu.dma_semaphore, #tpu.memory_space<semaphore_mem>>) src(%dma_wait3A_83 : memref<10240x128xf32, #tpu.memory_space<hbm>>) dst(%arg10 : memref<64x128xf32, #tpu.memory_space<vmem>>)
        "tpu.region"() ({
          %run_scoped3A = tpu.sem_alloc : memref<!tpu.dma_semaphore, #tpu.memory_space<semaphore_mem>>
          %dma_start3A_125 = arith.constant 0 : i32
          %dma_start3A_126 = tpu.memref_slice %arg8[%add3A_77, %dma_start3A_125] : memref<32x64xi32, #tpu.memory_space<vmem>> -> memref<1x64xi32, #tpu.memory_space<vmem>>
          %dma_start3A_127 = tpu.memref_squeeze %dma_start3A_126 : memref<1x64xi32, #tpu.memory_space<vmem>> -> memref<64xi32, #tpu.memory_space<vmem>>
          %dma_start3A_128 = arith.constant 0 : i32
          %dma_start3A_129 = arith.constant 0 : i32
          %dma_start3A_130 = tpu.memref_slice %arg13[%dma_start3A_128, %dma_start3A_129] : memref<10240x128xf32, #tpu.memory_space<vmem_shared>> -> memref<10240x128xf32, #tpu.memory_space<vmem_shared>>
          tpu.enqueue_indirect_dma source(%arg10 : memref<64x128xf32, #tpu.memory_space<vmem>>) target(%dma_start3A_130 : memref<10240x128xf32, #tpu.memory_space<vmem_shared>>) offsets(%dma_start3A_127 : memref<64xi32, #tpu.memory_space<vmem>>) semaphore(%run_scoped3A : memref<!tpu.dma_semaphore, #tpu.memory_space<semaphore_mem>>) {add = true}
          %dma_wait3A_131 = arith.constant 0 : i32
          %dma_wait3A_132 = tpu.memref_slice %arg8[%add3A_77, %dma_wait3A_131] : memref<32x64xi32, #tpu.memory_space<vmem>> -> memref<1x64xi32, #tpu.memory_space<vmem>>
          %dma_wait3A_133 = tpu.memref_squeeze %dma_wait3A_132 : memref<1x64xi32, #tpu.memory_space<vmem>> -> memref<64xi32, #tpu.memory_space<vmem>>
          %dma_wait3A_134 = arith.constant 0 : i32
          %dma_wait3A_135 = arith.constant 0 : i32
          %dma_wait3A_136 = tpu.memref_slice %arg13[%dma_wait3A_134, %dma_wait3A_135] : memref<10240x128xf32, #tpu.memory_space<vmem_shared>> -> memref<10240x128xf32, #tpu.memory_space<vmem_shared>>
          tpu.wait_indirect_dma semaphore(%run_scoped3A : memref<!tpu.dma_semaphore, #tpu.memory_space<semaphore_mem>>) src(%arg10 : memref<64x128xf32, #tpu.memory_space<vmem>>) dst(%dma_wait3A_136 : memref<10240x128xf32, #tpu.memory_space<vmem_shared>>)
          tpu.yield
        }) : () -> ()
        %add3A_84 = arith.constant 4 : i32
        %add3A_85 = arith.addi %add3A_77, %add3A_84 : i32
        %lt3A_86 = arith.constant 32 : i32
        %lt3A_87 = arith.cmpi slt, %add3A_85, %lt3A_86 : i32
        %convert_element_type3A_88 = arith.extui %lt3A_87 : i1 to i32
        %cond3A_89 = arith.constant 0 : i32
        %cond3A_90 = arith.cmpi ne, %convert_element_type3A_88, %cond3A_89 : i32
        scf.if %cond3A_90 {
          %add3A_125 = arith.constant 4 : i32
          %add3A_126 = arith.addi %add3A_77, %add3A_125 : i32
          %dma_start3A_127 = arith.constant 0 : i32
          %dma_start3A_128 = tpu.memref_slice %arg7[%add3A_126, %dma_start3A_127] : memref<32x64xi32, #tpu.memory_space<vmem>> -> memref<1x64xi32, #tpu.memory_space<vmem>>
          %dma_start3A_129 = tpu.memref_squeeze %dma_start3A_128 : memref<1x64xi32, #tpu.memory_space<vmem>> -> memref<64xi32, #tpu.memory_space<vmem>>
          %dma_start3A_130 = arith.constant 0 : i32
          %dma_start3A_131 = arith.constant 0 : i32
          %dma_start3A_132 = tpu.memref_slice %arg2[%dma_start3A_130, %dma_start3A_131] : memref<10240x128xf32, #tpu.memory_space<hbm>> -> memref<10240x128xf32, #tpu.memory_space<hbm>>
          tpu.enqueue_indirect_dma source(%dma_start3A_132 : memref<10240x128xf32, #tpu.memory_space<hbm>>) target(%arg10 : memref<64x128xf32, #tpu.memory_space<vmem>>) offsets(%dma_start3A_129 : memref<64xi32, #tpu.memory_space<vmem>>) semaphore(%arg15 : memref<!tpu.dma_semaphore, #tpu.memory_space<semaphore_mem>>)
        } else {
        }
        %mul3A_91 = arith.constant 4 : i32
        %mul3A_92 = arith.muli %mul3A_91, %scan3A_60 : i32
        %add3A_93 = arith.constant 2 : i32
        %add3A_94 = arith.addi %mul3A_92, %add3A_93 : i32
        %dma_wait3A_95 = arith.constant 0 : i32
        %dma_wait3A_96 = tpu.memref_slice %arg7[%add3A_94, %dma_wait3A_95] : memref<32x64xi32, #tpu.memory_space<vmem>> -> memref<1x64xi32, #tpu.memory_space<vmem>>
        %dma_wait3A_97 = tpu.memref_squeeze %dma_wait3A_96 : memref<1x64xi32, #tpu.memory_space<vmem>> -> memref<64xi32, #tpu.memory_space<vmem>>
        %dma_wait3A_98 = arith.constant 0 : i32
        %dma_wait3A_99 = arith.constant 0 : i32
        %dma_wait3A_100 = tpu.memref_slice %arg2[%dma_wait3A_98, %dma_wait3A_99] : memref<10240x128xf32, #tpu.memory_space<hbm>> -> memref<10240x128xf32, #tpu.memory_space<hbm>>
        tpu.wait_indirect_dma semaphore(%arg16 : memref<!tpu.dma_semaphore, #tpu.memory_space<semaphore_mem>>) src(%dma_wait3A_100 : memref<10240x128xf32, #tpu.memory_space<hbm>>) dst(%arg11 : memref<64x128xf32, #tpu.memory_space<vmem>>)
        "tpu.region"() ({
          %run_scoped3A = tpu.sem_alloc : memref<!tpu.dma_semaphore, #tpu.memory_space<semaphore_mem>>
          %dma_start3A_125 = arith.constant 0 : i32
          %dma_start3A_126 = tpu.memref_slice %arg8[%add3A_94, %dma_start3A_125] : memref<32x64xi32, #tpu.memory_space<vmem>> -> memref<1x64xi32, #tpu.memory_space<vmem>>
          %dma_start3A_127 = tpu.memref_squeeze %dma_start3A_126 : memref<1x64xi32, #tpu.memory_space<vmem>> -> memref<64xi32, #tpu.memory_space<vmem>>
          %dma_start3A_128 = arith.constant 0 : i32
          %dma_start3A_129 = arith.constant 0 : i32
          %dma_start3A_130 = tpu.memref_slice %arg13[%dma_start3A_128, %dma_start3A_129] : memref<10240x128xf32, #tpu.memory_space<vmem_shared>> -> memref<10240x128xf32, #tpu.memory_space<vmem_shared>>
          tpu.enqueue_indirect_dma source(%arg11 : memref<64x128xf32, #tpu.memory_space<vmem>>) target(%dma_start3A_130 : memref<10240x128xf32, #tpu.memory_space<vmem_shared>>) offsets(%dma_start3A_127 : memref<64xi32, #tpu.memory_space<vmem>>) semaphore(%run_scoped3A : memref<!tpu.dma_semaphore, #tpu.memory_space<semaphore_mem>>) {add = true}
          %dma_wait3A_131 = arith.constant 0 : i32
          %dma_wait3A_132 = tpu.memref_slice %arg8[%add3A_94, %dma_wait3A_131] : memref<32x64xi32, #tpu.memory_space<vmem>> -> memref<1x64xi32, #tpu.memory_space<vmem>>
          %dma_wait3A_133 = tpu.memref_squeeze %dma_wait3A_132 : memref<1x64xi32, #tpu.memory_space<vmem>> -> memref<64xi32, #tpu.memory_space<vmem>>
          %dma_wait3A_134 = arith.constant 0 : i32
          %dma_wait3A_135 = arith.constant 0 : i32
          %dma_wait3A_136 = tpu.memref_slice %arg13[%dma_wait3A_134, %dma_wait3A_135] : memref<10240x128xf32, #tpu.memory_space<vmem_shared>> -> memref<10240x128xf32, #tpu.memory_space<vmem_shared>>
          tpu.wait_indirect_dma semaphore(%run_scoped3A : memref<!tpu.dma_semaphore, #tpu.memory_space<semaphore_mem>>) src(%arg11 : memref<64x128xf32, #tpu.memory_space<vmem>>) dst(%dma_wait3A_136 : memref<10240x128xf32, #tpu.memory_space<vmem_shared>>)
          tpu.yield
        }) : () -> ()
        %add3A_101 = arith.constant 4 : i32
        %add3A_102 = arith.addi %add3A_94, %add3A_101 : i32
        %lt3A_103 = arith.constant 32 : i32
        %lt3A_104 = arith.cmpi slt, %add3A_102, %lt3A_103 : i32
        %convert_element_type3A_105 = arith.extui %lt3A_104 : i1 to i32
        %cond3A_106 = arith.constant 0 : i32
        %cond3A_107 = arith.cmpi ne, %convert_element_type3A_105, %cond3A_106 : i32
        scf.if %cond3A_107 {
          %add3A_125 = arith.constant 4 : i32
          %add3A_126 = arith.addi %add3A_94, %add3A_125 : i32
          %dma_start3A_127 = arith.constant 0 : i32
          %dma_start3A_128 = tpu.memref_slice %arg7[%add3A_126, %dma_start3A_127] : memref<32x64xi32, #tpu.memory_space<vmem>> -> memref<1x64xi32, #tpu.memory_space<vmem>>
          %dma_start3A_129 = tpu.memref_squeeze %dma_start3A_128 : memref<1x64xi32, #tpu.memory_space<vmem>> -> memref<64xi32, #tpu.memory_space<vmem>>
          %dma_start3A_130 = arith.constant 0 : i32
          %dma_start3A_131 = arith.constant 0 : i32
          %dma_start3A_132 = tpu.memref_slice %arg2[%dma_start3A_130, %dma_start3A_131] : memref<10240x128xf32, #tpu.memory_space<hbm>> -> memref<10240x128xf32, #tpu.memory_space<hbm>>
          tpu.enqueue_indirect_dma source(%dma_start3A_132 : memref<10240x128xf32, #tpu.memory_space<hbm>>) target(%arg11 : memref<64x128xf32, #tpu.memory_space<vmem>>) offsets(%dma_start3A_129 : memref<64xi32, #tpu.memory_space<vmem>>) semaphore(%arg16 : memref<!tpu.dma_semaphore, #tpu.memory_space<semaphore_mem>>)
        } else {
        }
        %mul3A_108 = arith.constant 4 : i32
        %mul3A_109 = arith.muli %mul3A_108, %scan3A_60 : i32
        %add3A_110 = arith.constant 3 : i32
        %add3A_111 = arith.addi %mul3A_109, %add3A_110 : i32
        %dma_wait3A_112 = arith.constant 0 : i32
        %dma_wait3A_113 = tpu.memref_slice %arg7[%add3A_111, %dma_wait3A_112] : memref<32x64xi32, #tpu.memory_space<vmem>> -> memref<1x64xi32, #tpu.memory_space<vmem>>
        %dma_wait3A_114 = tpu.memref_squeeze %dma_wait3A_113 : memref<1x64xi32, #tpu.memory_space<vmem>> -> memref<64xi32, #tpu.memory_space<vmem>>
        %dma_wait3A_115 = arith.constant 0 : i32
        %dma_wait3A_116 = arith.constant 0 : i32
        %dma_wait3A_117 = tpu.memref_slice %arg2[%dma_wait3A_115, %dma_wait3A_116] : memref<10240x128xf32, #tpu.memory_space<hbm>> -> memref<10240x128xf32, #tpu.memory_space<hbm>>
        tpu.wait_indirect_dma semaphore(%arg17 : memref<!tpu.dma_semaphore, #tpu.memory_space<semaphore_mem>>) src(%dma_wait3A_117 : memref<10240x128xf32, #tpu.memory_space<hbm>>) dst(%arg12 : memref<64x128xf32, #tpu.memory_space<vmem>>)
        "tpu.region"() ({
          %run_scoped3A = tpu.sem_alloc : memref<!tpu.dma_semaphore, #tpu.memory_space<semaphore_mem>>
          %dma_start3A_125 = arith.constant 0 : i32
          %dma_start3A_126 = tpu.memref_slice %arg8[%add3A_111, %dma_start3A_125] : memref<32x64xi32, #tpu.memory_space<vmem>> -> memref<1x64xi32, #tpu.memory_space<vmem>>
          %dma_start3A_127 = tpu.memref_squeeze %dma_start3A_126 : memref<1x64xi32, #tpu.memory_space<vmem>> -> memref<64xi32, #tpu.memory_space<vmem>>
          %dma_start3A_128 = arith.constant 0 : i32
          %dma_start3A_129 = arith.constant 0 : i32
          %dma_start3A_130 = tpu.memref_slice %arg13[%dma_start3A_128, %dma_start3A_129] : memref<10240x128xf32, #tpu.memory_space<vmem_shared>> -> memref<10240x128xf32, #tpu.memory_space<vmem_shared>>
          tpu.enqueue_indirect_dma source(%arg12 : memref<64x128xf32, #tpu.memory_space<vmem>>) target(%dma_start3A_130 : memref<10240x128xf32, #tpu.memory_space<vmem_shared>>) offsets(%dma_start3A_127 : memref<64xi32, #tpu.memory_space<vmem>>) semaphore(%run_scoped3A : memref<!tpu.dma_semaphore, #tpu.memory_space<semaphore_mem>>) {add = true}
          %dma_wait3A_131 = arith.constant 0 : i32
          %dma_wait3A_132 = tpu.memref_slice %arg8[%add3A_111, %dma_wait3A_131] : memref<32x64xi32, #tpu.memory_space<vmem>> -> memref<1x64xi32, #tpu.memory_space<vmem>>
          %dma_wait3A_133 = tpu.memref_squeeze %dma_wait3A_132 : memref<1x64xi32, #tpu.memory_space<vmem>> -> memref<64xi32, #tpu.memory_space<vmem>>
          %dma_wait3A_134 = arith.constant 0 : i32
          %dma_wait3A_135 = arith.constant 0 : i32
          %dma_wait3A_136 = tpu.memref_slice %arg13[%dma_wait3A_134, %dma_wait3A_135] : memref<10240x128xf32, #tpu.memory_space<vmem_shared>> -> memref<10240x128xf32, #tpu.memory_space<vmem_shared>>
          tpu.wait_indirect_dma semaphore(%run_scoped3A : memref<!tpu.dma_semaphore, #tpu.memory_space<semaphore_mem>>) src(%arg12 : memref<64x128xf32, #tpu.memory_space<vmem>>) dst(%dma_wait3A_136 : memref<10240x128xf32, #tpu.memory_space<vmem_shared>>)
          tpu.yield
        }) : () -> ()
        %add3A_118 = arith.constant 4 : i32
        %add3A_119 = arith.addi %add3A_111, %add3A_118 : i32
        %lt3A_120 = arith.constant 32 : i32
        %lt3A_121 = arith.cmpi slt, %add3A_119, %lt3A_120 : i32
        %convert_element_type3A_122 = arith.extui %lt3A_121 : i1 to i32
        %cond3A_123 = arith.constant 0 : i32
        %cond3A_124 = arith.cmpi ne, %convert_element_type3A_122, %cond3A_123 : i32
        scf.if %cond3A_124 {
          %add3A_125 = arith.constant 4 : i32
          %add3A_126 = arith.addi %add3A_111, %add3A_125 : i32
          %dma_start3A_127 = arith.constant 0 : i32
          %dma_start3A_128 = tpu.memref_slice %arg7[%add3A_126, %dma_start3A_127] : memref<32x64xi32, #tpu.memory_space<vmem>> -> memref<1x64xi32, #tpu.memory_space<vmem>>
          %dma_start3A_129 = tpu.memref_squeeze %dma_start3A_128 : memref<1x64xi32, #tpu.memory_space<vmem>> -> memref<64xi32, #tpu.memory_space<vmem>>
          %dma_start3A_130 = arith.constant 0 : i32
          %dma_start3A_131 = arith.constant 0 : i32
          %dma_start3A_132 = tpu.memref_slice %arg2[%dma_start3A_130, %dma_start3A_131] : memref<10240x128xf32, #tpu.memory_space<hbm>> -> memref<10240x128xf32, #tpu.memory_space<hbm>>
          tpu.enqueue_indirect_dma source(%dma_start3A_132 : memref<10240x128xf32, #tpu.memory_space<hbm>>) target(%arg12 : memref<64x128xf32, #tpu.memory_space<vmem>>) offsets(%dma_start3A_129 : memref<64xi32, #tpu.memory_space<vmem>>) semaphore(%arg17 : memref<!tpu.dma_semaphore, #tpu.memory_space<semaphore_mem>>)
        } else {
        }
      }
      %scan3A_59 = arith.constant 8 : i32
    }
    %scan3A_11 = arith.constant 5 : i32
    %barrier3A_12 = arith.constant 0 : index
    tpu.barrier barrier_id(%barrier3A_12)
    %mul3A_13 = arith.constant 640 : i32
    %mul3A_14 = arith.muli %arg1, %mul3A_13 : i32
    %mul3A_15 = arith.constant 10240 : i32
    %mul3A_16 = arith.muli %arg0, %mul3A_15 : i32
    %mul3A_17 = arith.constant 640 : i32
    %mul3A_18 = arith.muli %arg1, %mul3A_17 : i32
    %add3A_19 = arith.addi %mul3A_16, %mul3A_18 : i32
    "tpu.region"() ({
      %run_scoped3A = tpu.sem_alloc : memref<!tpu.dma_semaphore, #tpu.memory_space<semaphore_mem>>
      %dma_start3A = arith.constant 0 : i32
      %dma_start3A_20 = tpu.memref_slice %arg6[%add3A_19, %dma_start3A] : memref<20480x128xf32, #tpu.memory_space<hbm>> -> memref<640x128xf32, #tpu.memory_space<hbm>>
      %dma_start3A_21 = arith.constant 0 : i32
      %dma_start3A_22 = tpu.memref_slice %arg13[%mul3A_14, %dma_start3A_21] : memref<10240x128xf32, #tpu.memory_space<vmem_shared>> -> memref<640x128xf32, #tpu.memory_space<vmem_shared>>
      tpu.enqueue_dma source(%dma_start3A_22 : memref<640x128xf32, #tpu.memory_space<vmem_shared>>) target(%dma_start3A_20 : memref<640x128xf32, #tpu.memory_space<hbm>>) target_semaphore(%run_scoped3A : memref<!tpu.dma_semaphore, #tpu.memory_space<semaphore_mem>>)
      %dma_wait3A = arith.constant 0 : i32
      %dma_wait3A_23 = tpu.memref_slice %arg6[%add3A_19, %dma_wait3A] : memref<20480x128xf32, #tpu.memory_space<hbm>> -> memref<640x128xf32, #tpu.memory_space<hbm>>
      %dma_wait3A_24 = arith.constant 0 : i32
      %dma_wait3A_25 = tpu.memref_slice %arg13[%mul3A_14, %dma_wait3A_24] : memref<10240x128xf32, #tpu.memory_space<vmem_shared>> -> memref<640x128xf32, #tpu.memory_space<vmem_shared>>
      tpu.wait_dma2 semaphore(%run_scoped3A : memref<!tpu.dma_semaphore, #tpu.memory_space<semaphore_mem>>) src(%dma_wait3A_25 : memref<640x128xf32, #tpu.memory_space<vmem_shared>>) dst(%dma_wait3A_23 : memref<640x128xf32, #tpu.memory_space<hbm>>)
      tpu.yield
    }) : () -> ()
    return
  }
}

module attributes {stable_mosaic.version = 14 : i64} {
  func.func @body(%arg0: i32, %arg1: memref<1024x128xf32, #tpu.memory_space<vmem>>, %arg2: memref<1024x128xf32, #tpu.memory_space<vmem>>, %arg3: memref<1024x128xf32, #tpu.memory_space<vmem>>, %arg4: memref<128x128xf32, #tpu.memory_space<vmem>>, %arg5: memref<1x128xf32, #tpu.memory_space<vmem>>, %arg6: memref<128x128xf32, #tpu.memory_space<vmem>>, %arg7: memref<1x128xf32, #tpu.memory_space<vmem>>, %arg8: memref<1024x128xf32, #tpu.memory_space<vmem>>, %arg9: memref<8x128xf32, #tpu.memory_space<vmem>>) attributes {dimension_semantics = [#tpu.dimension_semantics<arbitrary>], iteration_bounds = array<i64: 10>, scalar_prefetch = 0 : i64, scratch_operands = 0 : i64, tpu.core_type = #tpu.core_type<tc>, window_params = [{transform_indices = @transform_0, window_bounds = array<i64: 1024, 128>}, {transform_indices = @transform_1, window_bounds = array<i64: 1024, 128>}, {transform_indices = @transform_2, window_bounds = array<i64: 1024, 128>}, {pipeline_mode = #tpu.pipeline_mode<synchronous>, transform_indices = @transform_3, window_bounds = array<i64: 128, 128>}, {pipeline_mode = #tpu.pipeline_mode<synchronous>, transform_indices = @transform_4, window_bounds = array<i64: 1, 128>}, {pipeline_mode = #tpu.pipeline_mode<synchronous>, transform_indices = @transform_5, window_bounds = array<i64: 128, 128>}, {pipeline_mode = #tpu.pipeline_mode<synchronous>, transform_indices = @transform_6, window_bounds = array<i64: 1, 128>}, {transform_indices = @transform_7, window_bounds = array<i64: 1024, 128>}, {pipeline_mode = #tpu.pipeline_mode<synchronous>, transform_indices = @transform_8, window_bounds = array<i64: 8, 128>}]} {
    %eq3A = arith.constant 0 : i32
    %eq3A_0 = arith.cmpi eq, %arg0, %eq3A : i32
    %convert_element_type3A = arith.extui %eq3A_0 : i1 to i32
    %cond3A = arith.constant 0 : i32
    %cond3A_1 = arith.cmpi ne, %convert_element_type3A, %cond3A : i32
    scf.if %cond3A_1 {
      %broadcast_in_dim3A_64 = arith.constant 0.000000e+00 : f32
      %broadcast_in_dim3A_65 = vector.broadcast %broadcast_in_dim3A_64 : f32 to vector<8x128xf32>
      %swap3A_66 = arith.constant 0 : index
      %swap3A_67 = arith.constant 0 : index
      %swap3A_68 = vector.load %arg9[%swap3A_66, %swap3A_67] : memref<8x128xf32, #tpu.memory_space<vmem>>, vector<8x128xf32>
      tpu.vector_store %arg9[%swap3A_66, %swap3A_67], %broadcast_in_dim3A_65 {strides = array<i32>} : memref<8x128xf32, #tpu.memory_space<vmem>>, vector<8x128xf32>,
    } else {
    }
    %get3A = arith.constant 0 : index
    %get3A_2 = arith.constant 0 : index
    %get3A_3 = vector.load %arg1[%get3A, %get3A_2] : memref<1024x128xf32, #tpu.memory_space<vmem>>, vector<1024x128xf32>
    %get3A_4 = arith.constant 0 : index
    %get3A_5 = arith.constant 0 : index
    %get3A_6 = vector.load %arg2[%get3A_4, %get3A_5] : memref<1024x128xf32, #tpu.memory_space<vmem>>, vector<1024x128xf32>
    %add3A = arith.addf %get3A_3, %get3A_6 : vector<1024x128xf32>
    %get3A_7 = arith.constant 0 : index
    %get3A_8 = arith.constant 0 : index
    %get3A_9 = vector.load %arg3[%get3A_7, %get3A_8] : memref<1024x128xf32, #tpu.memory_space<vmem>>, vector<1024x128xf32>
    %add3A_10 = arith.addf %add3A, %get3A_9 : vector<1024x128xf32>
    %get3A_11 = arith.constant 0 : index
    %get3A_12 = arith.constant 0 : index
    %get3A_13 = vector.load %arg4[%get3A_11, %get3A_12] : memref<128x128xf32, #tpu.memory_space<vmem>>, vector<128x128xf32>
    %dot_general3A = arith.constant dense<0.000000e+00> : vector<1024x128xf32>
    %dot_general3A_14 = tpu.matmul %add3A_10, %get3A_13, %dot_general3A {dimension_numbers = #tpu.dot_dimension_numbers<[1], [0], [0], [1], [0, 0, 1, 1], [], []>, transpose_lhs_hint = false} : vector<1024x128xf32>, vector<128x128xf32>, vector<1024x128xf32> -> vector<1024x128xf32>
    %get3A_15 = arith.constant 0 : index
    %get3A_16 = arith.constant 0 : index
    %get3A_17 = vector.load %arg5[%get3A_15, %get3A_16] : memref<1x128xf32, #tpu.memory_space<vmem>>, vector<1x128xf32>
    %add3A_18 = vector.broadcast %get3A_17 : vector<1x128xf32> to vector<1024x128xf32>
    %add3A_19 = arith.addf %dot_general3A_14, %add3A_18 : vector<1024x128xf32>
    %max3A = arith.constant 0.000000e+00 : f32
    %max3A_20 = vector.broadcast %max3A : f32 to vector<1024x128xf32>
    %max3A_21 = arith.maximumf %add3A_19, %max3A_20 : vector<1024x128xf32>
    %get3A_22 = arith.constant 0 : index
    %get3A_23 = arith.constant 0 : index
    %get3A_24 = vector.load %arg6[%get3A_22, %get3A_23] : memref<128x128xf32, #tpu.memory_space<vmem>>, vector<128x128xf32>
    %dot_general3A_25 = arith.constant dense<0.000000e+00> : vector<1024x128xf32>
    %dot_general3A_26 = tpu.matmul %max3A_21, %get3A_24, %dot_general3A_25 {dimension_numbers = #tpu.dot_dimension_numbers<[1], [0], [0], [1], [0, 0, 1, 1], [], []>, transpose_lhs_hint = false} : vector<1024x128xf32>, vector<128x128xf32>, vector<1024x128xf32> -> vector<1024x128xf32>
    %get3A_27 = arith.constant 0 : index
    %get3A_28 = arith.constant 0 : index
    %get3A_29 = vector.load %arg7[%get3A_27, %get3A_28] : memref<1x128xf32, #tpu.memory_space<vmem>>, vector<1x128xf32>
    %add3A_30 = vector.broadcast %get3A_29 : vector<1x128xf32> to vector<1024x128xf32>
    %add3A_31 = arith.addf %dot_general3A_26, %add3A_30 : vector<1024x128xf32>
    %max3A_32 = arith.constant 0.000000e+00 : f32
    %max3A_33 = vector.broadcast %max3A_32 : f32 to vector<1024x128xf32>
    %max3A_34 = arith.maximumf %add3A_31, %max3A_33 : vector<1024x128xf32>
    %mul3A = arith.constant 1024 : i32
    %mul3A_35 = arith.muli %arg0, %mul3A : i32
    %iota3A = tpu.iota {dimensions = array<i32: 0>} : vector<1024x1xi32>
    %add3A_36 = vector.broadcast %mul3A_35 : i32 to vector<1024x1xi32>
    %add3A_37 = arith.addi %add3A_36, %iota3A : vector<1024x1xi32>
    %lt3A = arith.constant 10000 : i32
    %lt3A_38 = vector.broadcast %lt3A : i32 to vector<1024x1xi32>
    %lt3A_39 = arith.cmpi slt, %add3A_37, %lt3A_38 : vector<1024x1xi32>
    %jit3A = arith.constant 0.000000e+00 : f32
    %broadcast_in_dim3A = vector.shape_cast %lt3A_39 : vector<1024x1xi1> to vector<1024x1xi1>
    %broadcast_in_dim3A_40 = vector.broadcast %broadcast_in_dim3A : vector<1024x1xi1> to vector<1024x128xi1>
    %broadcast_in_dim3A_41 = vector.broadcast %jit3A : f32 to vector<1024x128xf32>
    %select_n3A = arith.select %broadcast_in_dim3A_40, %max3A_34, %broadcast_in_dim3A_41 : vector<1024x128xi1>, vector<1024x128xf32>
    %swap3A = arith.constant 0 : index
    %swap3A_42 = arith.constant 0 : index
    %swap3A_43 = vector.load %arg8[%swap3A, %swap3A_42] : memref<1024x128xf32, #tpu.memory_space<vmem>>, vector<1024x128xf32>
    tpu.vector_store %arg8[%swap3A, %swap3A_42], %select_n3A {strides = array<i32>} : memref<1024x128xf32, #tpu.memory_space<vmem>>, vector<1024x128xf32>,
    %get3A_44 = arith.constant 0 : index
    %get3A_45 = arith.constant 0 : index
    %get3A_46 = vector.load %arg9[%get3A_44, %get3A_45] : memref<8x128xf32, #tpu.memory_space<vmem>>, vector<1x128xf32>
    %reduce_sum3A = arith.constant dense<0.000000e+00> : vector<128xf32>
    %reduce_sum3A_47 = vector.multi_reduction <add>, %select_n3A, %reduce_sum3A [0] : vector<1024x128xf32> to vector<128xf32>
    %broadcast_in_dim3A_48 = vector.shape_cast %reduce_sum3A_47 : vector<128xf32> to vector<1x128xf32>
    %add3A_49 = arith.addf %get3A_46, %broadcast_in_dim3A_48 : vector<1x128xf32>
    %swap3A_50 = arith.constant 0 : index
    %swap3A_51 = arith.constant 0 : index
    %swap3A_52 = vector.load %arg9[%swap3A_50, %swap3A_51] : memref<8x128xf32, #tpu.memory_space<vmem>>, vector<1x128xf32>
    tpu.vector_store %arg9[%swap3A_50, %swap3A_51], %add3A_49 {strides = array<i32>} : memref<8x128xf32, #tpu.memory_space<vmem>>, vector<1x128xf32>,
    %get3A_53 = arith.constant 1 : index
    %get3A_54 = arith.constant 0 : index
    %get3A_55 = vector.load %arg9[%get3A_53, %get3A_54] : memref<8x128xf32, #tpu.memory_space<vmem>>, vector<1x128xf32>
    %mul3A_56 = arith.mulf %select_n3A, %select_n3A : vector<1024x128xf32>
    %reduce_sum3A_57 = arith.constant dense<0.000000e+00> : vector<128xf32>
    %reduce_sum3A_58 = vector.multi_reduction <add>, %mul3A_56, %reduce_sum3A_57 [0] : vector<1024x128xf32> to vector<128xf32>
    %broadcast_in_dim3A_59 = vector.shape_cast %reduce_sum3A_58 : vector<128xf32> to vector<1x128xf32>
    %add3A_60 = arith.addf %get3A_55, %broadcast_in_dim3A_59 : vector<1x128xf32>
    %swap3A_61 = arith.constant 1 : index
    %swap3A_62 = arith.constant 0 : index
    %swap3A_63 = vector.load %arg9[%swap3A_61, %swap3A_62] : memref<8x128xf32, #tpu.memory_space<vmem>>, vector<1x128xf32>
    tpu.vector_store %arg9[%swap3A_61, %swap3A_62], %add3A_60 {strides = array<i32>} : memref<8x128xf32, #tpu.memory_space<vmem>>, vector<1x128xf32>,
    return
  }
  func.func @transform_0(%arg0: i32) -> (i32, i32) {
    %c0_i32 = arith.constant 0 : i32
    %c0_i32_0 = arith.constant 0 : i32
    return %arg0, %c0_i32 : i32, i32
  }
  func.func @transform_1(%arg0: i32) -> (i32, i32) {
    %c0_i32 = arith.constant 0 : i32
    %c0_i32_0 = arith.constant 0 : i32
    return %arg0, %c0_i32 : i32, i32
  }
  func.func @transform_2(%arg0: i32) -> (i32, i32) {
    %c0_i32 = arith.constant 0 : i32
    %c0_i32_0 = arith.constant 0 : i32
    return %arg0, %c0_i32 : i32, i32
  }
  func.func @transform_3(%arg0: i32) -> (i32, i32) {
    %c0_i32 = arith.constant 0 : i32
    %c0_i32_0 = arith.constant 0 : i32
    %c0_i32_1 = arith.constant 0 : i32
    return %c0_i32, %c0_i32_0 : i32, i32
  }
  func.func @transform_4(%arg0: i32) -> (i32, i32) {
    %c0_i32 = arith.constant 0 : i32
    %c0_i32_0 = arith.constant 0 : i32
    %c0_i32_1 = arith.constant 0 : i32
    return %c0_i32, %c0_i32_0 : i32, i32
  }
  func.func @transform_5(%arg0: i32) -> (i32, i32) {
    %c0_i32 = arith.constant 0 : i32
    %c0_i32_0 = arith.constant 0 : i32
    %c0_i32_1 = arith.constant 0 : i32
    return %c0_i32, %c0_i32_0 : i32, i32
  }
  func.func @transform_6(%arg0: i32) -> (i32, i32) {
    %c0_i32 = arith.constant 0 : i32
    %c0_i32_0 = arith.constant 0 : i32
    %c0_i32_1 = arith.constant 0 : i32
    return %c0_i32, %c0_i32_0 : i32, i32
  }
  func.func @transform_7(%arg0: i32) -> (i32, i32) {
    %c0_i32 = arith.constant 0 : i32
    %c0_i32_0 = arith.constant 0 : i32
    return %arg0, %c0_i32 : i32, i32
  }
  func.func @transform_8(%arg0: i32) -> (i32, i32) {
    %c0_i32 = arith.constant 0 : i32
    %c0_i32_0 = arith.constant 0 : i32
    %c0_i32_1 = arith.constant 0 : i32
    return %c0_i32, %c0_i32_0 : i32, i32
  }
}

module attributes {stable_mosaic.version = 14 : i64} {
  func.func @body(%arg0: i32, %arg1: memref<1024x128xf32, #tpu.memory_space<vmem>>, %arg2: memref<8x128xf32, #tpu.memory_space<vmem>>, %arg3: memref<1x128xf32, #tpu.memory_space<vmem>>, %arg4: memref<1x128xf32, #tpu.memory_space<vmem>>, %arg5: memref<1024x128xf32, #tpu.memory_space<vmem>>) attributes {dimension_semantics = [#tpu.dimension_semantics<arbitrary>], iteration_bounds = array<i64: 10>, scalar_prefetch = 0 : i64, scratch_operands = 0 : i64, tpu.core_type = #tpu.core_type<tc>, window_params = [{transform_indices = @transform_0, window_bounds = array<i64: 1024, 128>}, {pipeline_mode = #tpu.pipeline_mode<synchronous>, transform_indices = @transform_1, window_bounds = array<i64: 8, 128>}, {pipeline_mode = #tpu.pipeline_mode<synchronous>, transform_indices = @transform_2, window_bounds = array<i64: 1, 128>}, {pipeline_mode = #tpu.pipeline_mode<synchronous>, transform_indices = @transform_3, window_bounds = array<i64: 1, 128>}, {transform_indices = @transform_4, window_bounds = array<i64: 1024, 128>}]} {
    %get3A = arith.constant 0 : index
    %get3A_0 = arith.constant 0 : index
    %get3A_1 = vector.load %arg2[%get3A, %get3A_0] : memref<8x128xf32, #tpu.memory_space<vmem>>, vector<1x128xf32>
    %div3A = arith.constant 1.000000e+04 : f32
    %div3A_2 = vector.broadcast %div3A : f32 to vector<1x128xf32>
    %div3A_3 = arith.divf %get3A_1, %div3A_2 : vector<1x128xf32>
    %get3A_4 = arith.constant 1 : index
    %get3A_5 = arith.constant 0 : index
    %get3A_6 = vector.load %arg2[%get3A_4, %get3A_5] : memref<8x128xf32, #tpu.memory_space<vmem>>, vector<1x128xf32>
    %div3A_7 = arith.constant 1.000000e+04 : f32
    %div3A_8 = vector.broadcast %div3A_7 : f32 to vector<1x128xf32>
    %div3A_9 = arith.divf %get3A_6, %div3A_8 : vector<1x128xf32>
    %mul3A = arith.mulf %div3A_3, %div3A_3 : vector<1x128xf32>
    %sub3A = arith.subf %div3A_9, %mul3A : vector<1x128xf32>
    %get3A_10 = arith.constant 0 : index
    %get3A_11 = arith.constant 0 : index
    %get3A_12 = vector.load %arg3[%get3A_10, %get3A_11] : memref<1x128xf32, #tpu.memory_space<vmem>>, vector<1x128xf32>
    %add3A = arith.constant 9.99999974E-6 : f32
    %add3A_13 = vector.broadcast %add3A : f32 to vector<1x128xf32>
    %add3A_14 = arith.addf %sub3A, %add3A_13 : vector<1x128xf32>
    %rsqrt3A = math.rsqrt %add3A_14 : vector<1x128xf32>
    %mul3A_15 = arith.mulf %get3A_12, %rsqrt3A : vector<1x128xf32>
    %get3A_16 = arith.constant 0 : index
    %get3A_17 = arith.constant 0 : index
    %get3A_18 = vector.load %arg4[%get3A_16, %get3A_17] : memref<1x128xf32, #tpu.memory_space<vmem>>, vector<1x128xf32>
    %mul3A_19 = arith.mulf %div3A_3, %mul3A_15 : vector<1x128xf32>
    %sub3A_20 = arith.subf %get3A_18, %mul3A_19 : vector<1x128xf32>
    %get3A_21 = arith.constant 0 : index
    %get3A_22 = arith.constant 0 : index
    %get3A_23 = vector.load %arg1[%get3A_21, %get3A_22] : memref<1024x128xf32, #tpu.memory_space<vmem>>, vector<1024x128xf32>
    %mul3A_24 = vector.broadcast %mul3A_15 : vector<1x128xf32> to vector<1024x128xf32>
    %mul3A_25 = arith.mulf %get3A_23, %mul3A_24 : vector<1024x128xf32>
    %add3A_26 = vector.broadcast %sub3A_20 : vector<1x128xf32> to vector<1024x128xf32>
    %add3A_27 = arith.addf %mul3A_25, %add3A_26 : vector<1024x128xf32>
    %swap3A = arith.constant 0 : index
    %swap3A_28 = arith.constant 0 : index
    %swap3A_29 = vector.load %arg5[%swap3A, %swap3A_28] : memref<1024x128xf32, #tpu.memory_space<vmem>>, vector<1024x128xf32>
    tpu.vector_store %arg5[%swap3A, %swap3A_28], %add3A_27 {strides = array<i32>} : memref<1024x128xf32, #tpu.memory_space<vmem>>, vector<1024x128xf32>,
    return
  }
  func.func @transform_0(%arg0: i32) -> (i32, i32) {
    %c0_i32 = arith.constant 0 : i32
    %c0_i32_0 = arith.constant 0 : i32
    return %arg0, %c0_i32 : i32, i32
  }
  func.func @transform_1(%arg0: i32) -> (i32, i32) {
    %c0_i32 = arith.constant 0 : i32
    %c0_i32_0 = arith.constant 0 : i32
    %c0_i32_1 = arith.constant 0 : i32
    return %c0_i32, %c0_i32_0 : i32, i32
  }
  func.func @transform_2(%arg0: i32) -> (i32, i32) {
    %c0_i32 = arith.constant 0 : i32
    %c0_i32_0 = arith.constant 0 : i32
    %c0_i32_1 = arith.constant 0 : i32
    return %c0_i32, %c0_i32_0 : i32, i32
  }
  func.func @transform_3(%arg0: i32) -> (i32, i32) {
    %c0_i32 = arith.constant 0 : i32
    %c0_i32_0 = arith.constant 0 : i32
    %c0_i32_1 = arith.constant 0 : i32
    return %c0_i32, %c0_i32_0 : i32, i32
  }
  func.func @transform_4(%arg0: i32) -> (i32, i32) {
    %c0_i32 = arith.constant 0 : i32
    %c0_i32_0 = arith.constant 0 : i32
    return %arg0, %c0_i32 : i32, i32
  }
}

module attributes {stable_mosaic.version = 14 : i64} {
  func.func @body(%arg0: i32, %arg1: memref<8x256xi32, #tpu.memory_space<vmem>>, %arg2: memref<32x128xf32, #tpu.memory_space<vmem>>, %arg3: memref<128x1024xf32, #tpu.memory_space<vmem>>, %arg4: memref<1x128xf32, #tpu.memory_space<vmem>>, %arg5: memref<256x128xf32, #tpu.memory_space<vmem>>) attributes {dimension_semantics = [#tpu.dimension_semantics<arbitrary>], iteration_bounds = array<i64: 125>, scalar_prefetch = 0 : i64, scratch_operands = 0 : i64, tpu.core_type = #tpu.core_type<tc>, window_params = [{transform_indices = @transform_0, window_bounds = array<i64: 8, 256>}, {pipeline_mode = #tpu.pipeline_mode<synchronous>, transform_indices = @transform_1, window_bounds = array<i64: 32, 128>}, {transform_indices = @transform_2, window_bounds = array<i64: 128, 1024>}, {pipeline_mode = #tpu.pipeline_mode<synchronous>, transform_indices = @transform_3, window_bounds = array<i64: 1, 128>}, {pipeline_mode = #tpu.pipeline_mode<synchronous>, transform_indices = @transform_4, window_bounds = array<i64: 256, 128>}]} {
    %eq3A = arith.constant 0 : i32
    %eq3A_0 = arith.cmpi eq, %arg0, %eq3A : i32
    %convert_element_type3A = arith.extui %eq3A_0 : i1 to i32
    %cond3A = arith.constant 0 : i32
    %cond3A_1 = arith.cmpi ne, %convert_element_type3A, %cond3A : i32
    scf.if %cond3A_1 {
      %get3A_157 = arith.constant 0 : index
      %get3A_158 = arith.constant 0 : index
      %get3A_159 = vector.load %arg4[%get3A_157, %get3A_158] : memref<1x128xf32, #tpu.memory_space<vmem>>, vector<1x128xf32>
      %broadcast_in_dim3A_160 = vector.shape_cast %get3A_159 : vector<1x128xf32> to vector<1x128xf32>
      %broadcast_in_dim3A_161 = vector.broadcast %broadcast_in_dim3A_160 : vector<1x128xf32> to vector<256x128xf32>
      %swap3A_162 = arith.constant 0 : index
      %swap3A_163 = arith.constant 0 : index
      %swap3A_164 = vector.load %arg5[%swap3A_162, %swap3A_163] : memref<256x128xf32, #tpu.memory_space<vmem>>, vector<256x128xf32>
      tpu.vector_store %arg5[%swap3A_162, %swap3A_163], %broadcast_in_dim3A_161 {strides = array<i32>} : memref<256x128xf32, #tpu.memory_space<vmem>>, vector<256x128xf32>,
    } else {
    }
    %broadcast_in_dim3A = arith.constant 0.000000e+00 : f32
    %broadcast_in_dim3A_2 = vector.broadcast %broadcast_in_dim3A : f32 to vector<256x128xf32>
    %get3A = arith.constant 0 : index
    %get3A_3 = arith.constant 0 : index
    %get3A_4 = vector.load %arg2[%get3A, %get3A_3] : memref<32x128xf32, #tpu.memory_space<vmem>>, vector<32x128xf32>
    %get3A_5 = arith.constant 0 : index
    %get3A_6 = arith.constant 0 : index
    %get3A_7 = vector.load %arg3[%get3A_5, %get3A_6] : memref<128x1024xf32, #tpu.memory_space<vmem>>, vector<128x128xf32>
    %dot_general3A = arith.constant dense<0.000000e+00> : vector<32x128xf32>
    %dot_general3A_8 = tpu.matmul %get3A_4, %get3A_7, %dot_general3A {dimension_numbers = #tpu.dot_dimension_numbers<[1], [1], [0], [0], [0, 0, 1, 0], [], []>, transpose_lhs_hint = false} : vector<32x128xf32>, vector<128x128xf32>, vector<32x128xf32> -> vector<32x128xf32>
    %iota3A = tpu.iota {dimensions = array<i32: 0>} : vector<32x256xi32>
    %get3A_9 = arith.constant 0 : index
    %get3A_10 = arith.constant 0 : index
    %get3A_11 = vector.load %arg1[%get3A_9, %get3A_10] : memref<8x256xi32, #tpu.memory_space<vmem>>, vector<1x256xi32>
    %eq3A_12 = vector.broadcast %get3A_11 : vector<1x256xi32> to vector<32x256xi32>
    %eq3A_13 = arith.cmpi eq, %iota3A, %eq3A_12 : vector<32x256xi32>
    %convert_element_type3A_14 = arith.extui %eq3A_13 : vector<32x256xi1> to vector<32x256xi32>
    %convert_element_type3A_15 = arith.sitofp %convert_element_type3A_14 : vector<32x256xi32> to vector<32x256xf32>
    %dot_general3A_16 = arith.constant dense<0.000000e+00> : vector<256x128xf32>
    %dot_general3A_17 = tpu.matmul %convert_element_type3A_15, %dot_general3A_8, %dot_general3A_16 {dimension_numbers = #tpu.dot_dimension_numbers<[0], [0], [1], [1], [0, 1, 1, 1], [], []>, transpose_lhs_hint = false} : vector<32x256xf32>, vector<32x128xf32>, vector<256x128xf32> -> vector<256x128xf32>
    %add3A = arith.addf %broadcast_in_dim3A_2, %dot_general3A_17 : vector<256x128xf32>
    %get3A_18 = arith.constant 0 : index
    %get3A_19 = arith.constant 0 : index
    %get3A_20 = vector.load %arg2[%get3A_18, %get3A_19] : memref<32x128xf32, #tpu.memory_space<vmem>>, vector<32x128xf32>
    %get3A_21 = arith.constant 0 : index
    %get3A_22 = arith.constant 128 : index
    %get3A_23 = vector.load %arg3[%get3A_21, %get3A_22] : memref<128x1024xf32, #tpu.memory_space<vmem>>, vector<128x128xf32>
    %dot_general3A_24 = arith.constant dense<0.000000e+00> : vector<32x128xf32>
    %dot_general3A_25 = tpu.matmul %get3A_20, %get3A_23, %dot_general3A_24 {dimension_numbers = #tpu.dot_dimension_numbers<[1], [1], [0], [0], [0, 0, 1, 0], [], []>, transpose_lhs_hint = false} : vector<32x128xf32>, vector<128x128xf32>, vector<32x128xf32> -> vector<32x128xf32>
    %iota3A_26 = tpu.iota {dimensions = array<i32: 0>} : vector<32x256xi32>
    %get3A_27 = arith.constant 1 : index
    %get3A_28 = arith.constant 0 : index
    %get3A_29 = vector.load %arg1[%get3A_27, %get3A_28] : memref<8x256xi32, #tpu.memory_space<vmem>>, vector<1x256xi32>
    %eq3A_30 = vector.broadcast %get3A_29 : vector<1x256xi32> to vector<32x256xi32>
    %eq3A_31 = arith.cmpi eq, %iota3A_26, %eq3A_30 : vector<32x256xi32>
    %convert_element_type3A_32 = arith.extui %eq3A_31 : vector<32x256xi1> to vector<32x256xi32>
    %convert_element_type3A_33 = arith.sitofp %convert_element_type3A_32 : vector<32x256xi32> to vector<32x256xf32>
    %dot_general3A_34 = arith.constant dense<0.000000e+00> : vector<256x128xf32>
    %dot_general3A_35 = tpu.matmul %convert_element_type3A_33, %dot_general3A_25, %dot_general3A_34 {dimension_numbers = #tpu.dot_dimension_numbers<[0], [0], [1], [1], [0, 1, 1, 1], [], []>, transpose_lhs_hint = false} : vector<32x256xf32>, vector<32x128xf32>, vector<256x128xf32> -> vector<256x128xf32>
    %add3A_36 = arith.addf %add3A, %dot_general3A_35 : vector<256x128xf32>
    %get3A_37 = arith.constant 0 : index
    %get3A_38 = arith.constant 0 : index
    %get3A_39 = vector.load %arg2[%get3A_37, %get3A_38] : memref<32x128xf32, #tpu.memory_space<vmem>>, vector<32x128xf32>
    %get3A_40 = arith.constant 0 : index
    %get3A_41 = arith.constant 256 : index
    %get3A_42 = vector.load %arg3[%get3A_40, %get3A_41] : memref<128x1024xf32, #tpu.memory_space<vmem>>, vector<128x128xf32>
    %dot_general3A_43 = arith.constant dense<0.000000e+00> : vector<32x128xf32>
    %dot_general3A_44 = tpu.matmul %get3A_39, %get3A_42, %dot_general3A_43 {dimension_numbers = #tpu.dot_dimension_numbers<[1], [1], [0], [0], [0, 0, 1, 0], [], []>, transpose_lhs_hint = false} : vector<32x128xf32>, vector<128x128xf32>, vector<32x128xf32> -> vector<32x128xf32>
    %iota3A_45 = tpu.iota {dimensions = array<i32: 0>} : vector<32x256xi32>
    %get3A_46 = arith.constant 2 : index
    %get3A_47 = arith.constant 0 : index
    %get3A_48 = vector.load %arg1[%get3A_46, %get3A_47] : memref<8x256xi32, #tpu.memory_space<vmem>>, vector<1x256xi32>
    %eq3A_49 = vector.broadcast %get3A_48 : vector<1x256xi32> to vector<32x256xi32>
    %eq3A_50 = arith.cmpi eq, %iota3A_45, %eq3A_49 : vector<32x256xi32>
    %convert_element_type3A_51 = arith.extui %eq3A_50 : vector<32x256xi1> to vector<32x256xi32>
    %convert_element_type3A_52 = arith.sitofp %convert_element_type3A_51 : vector<32x256xi32> to vector<32x256xf32>
    %dot_general3A_53 = arith.constant dense<0.000000e+00> : vector<256x128xf32>
    %dot_general3A_54 = tpu.matmul %convert_element_type3A_52, %dot_general3A_44, %dot_general3A_53 {dimension_numbers = #tpu.dot_dimension_numbers<[0], [0], [1], [1], [0, 1, 1, 1], [], []>, transpose_lhs_hint = false} : vector<32x256xf32>, vector<32x128xf32>, vector<256x128xf32> -> vector<256x128xf32>
    %add3A_55 = arith.addf %add3A_36, %dot_general3A_54 : vector<256x128xf32>
    %get3A_56 = arith.constant 0 : index
    %get3A_57 = arith.constant 0 : index
    %get3A_58 = vector.load %arg2[%get3A_56, %get3A_57] : memref<32x128xf32, #tpu.memory_space<vmem>>, vector<32x128xf32>
    %get3A_59 = arith.constant 0 : index
    %get3A_60 = arith.constant 384 : index
    %get3A_61 = vector.load %arg3[%get3A_59, %get3A_60] : memref<128x1024xf32, #tpu.memory_space<vmem>>, vector<128x128xf32>
    %dot_general3A_62 = arith.constant dense<0.000000e+00> : vector<32x128xf32>
    %dot_general3A_63 = tpu.matmul %get3A_58, %get3A_61, %dot_general3A_62 {dimension_numbers = #tpu.dot_dimension_numbers<[1], [1], [0], [0], [0, 0, 1, 0], [], []>, transpose_lhs_hint = false} : vector<32x128xf32>, vector<128x128xf32>, vector<32x128xf32> -> vector<32x128xf32>
    %iota3A_64 = tpu.iota {dimensions = array<i32: 0>} : vector<32x256xi32>
    %get3A_65 = arith.constant 3 : index
    %get3A_66 = arith.constant 0 : index
    %get3A_67 = vector.load %arg1[%get3A_65, %get3A_66] : memref<8x256xi32, #tpu.memory_space<vmem>>, vector<1x256xi32>
    %eq3A_68 = vector.broadcast %get3A_67 : vector<1x256xi32> to vector<32x256xi32>
    %eq3A_69 = arith.cmpi eq, %iota3A_64, %eq3A_68 : vector<32x256xi32>
    %convert_element_type3A_70 = arith.extui %eq3A_69 : vector<32x256xi1> to vector<32x256xi32>
    %convert_element_type3A_71 = arith.sitofp %convert_element_type3A_70 : vector<32x256xi32> to vector<32x256xf32>
    %dot_general3A_72 = arith.constant dense<0.000000e+00> : vector<256x128xf32>
    %dot_general3A_73 = tpu.matmul %convert_element_type3A_71, %dot_general3A_63, %dot_general3A_72 {dimension_numbers = #tpu.dot_dimension_numbers<[0], [0], [1], [1], [0, 1, 1, 1], [], []>, transpose_lhs_hint = false} : vector<32x256xf32>, vector<32x128xf32>, vector<256x128xf32> -> vector<256x128xf32>
    %add3A_74 = arith.addf %add3A_55, %dot_general3A_73 : vector<256x128xf32>
    %get3A_75 = arith.constant 0 : index
    %get3A_76 = arith.constant 0 : index
    %get3A_77 = vector.load %arg2[%get3A_75, %get3A_76] : memref<32x128xf32, #tpu.memory_space<vmem>>, vector<32x128xf32>
    %get3A_78 = arith.constant 0 : index
    %get3A_79 = arith.constant 512 : index
    %get3A_80 = vector.load %arg3[%get3A_78, %get3A_79] : memref<128x1024xf32, #tpu.memory_space<vmem>>, vector<128x128xf32>
    %dot_general3A_81 = arith.constant dense<0.000000e+00> : vector<32x128xf32>
    %dot_general3A_82 = tpu.matmul %get3A_77, %get3A_80, %dot_general3A_81 {dimension_numbers = #tpu.dot_dimension_numbers<[1], [1], [0], [0], [0, 0, 1, 0], [], []>, transpose_lhs_hint = false} : vector<32x128xf32>, vector<128x128xf32>, vector<32x128xf32> -> vector<32x128xf32>
    %iota3A_83 = tpu.iota {dimensions = array<i32: 0>} : vector<32x256xi32>
    %get3A_84 = arith.constant 4 : index
    %get3A_85 = arith.constant 0 : index
    %get3A_86 = vector.load %arg1[%get3A_84, %get3A_85] : memref<8x256xi32, #tpu.memory_space<vmem>>, vector<1x256xi32>
    %eq3A_87 = vector.broadcast %get3A_86 : vector<1x256xi32> to vector<32x256xi32>
    %eq3A_88 = arith.cmpi eq, %iota3A_83, %eq3A_87 : vector<32x256xi32>
    %convert_element_type3A_89 = arith.extui %eq3A_88 : vector<32x256xi1> to vector<32x256xi32>
    %convert_element_type3A_90 = arith.sitofp %convert_element_type3A_89 : vector<32x256xi32> to vector<32x256xf32>
    %dot_general3A_91 = arith.constant dense<0.000000e+00> : vector<256x128xf32>
    %dot_general3A_92 = tpu.matmul %convert_element_type3A_90, %dot_general3A_82, %dot_general3A_91 {dimension_numbers = #tpu.dot_dimension_numbers<[0], [0], [1], [1], [0, 1, 1, 1], [], []>, transpose_lhs_hint = false} : vector<32x256xf32>, vector<32x128xf32>, vector<256x128xf32> -> vector<256x128xf32>
    %add3A_93 = arith.addf %add3A_74, %dot_general3A_92 : vector<256x128xf32>
    %get3A_94 = arith.constant 0 : index
    %get3A_95 = arith.constant 0 : index
    %get3A_96 = vector.load %arg2[%get3A_94, %get3A_95] : memref<32x128xf32, #tpu.memory_space<vmem>>, vector<32x128xf32>
    %get3A_97 = arith.constant 0 : index
    %get3A_98 = arith.constant 640 : index
    %get3A_99 = vector.load %arg3[%get3A_97, %get3A_98] : memref<128x1024xf32, #tpu.memory_space<vmem>>, vector<128x128xf32>
    %dot_general3A_100 = arith.constant dense<0.000000e+00> : vector<32x128xf32>
    %dot_general3A_101 = tpu.matmul %get3A_96, %get3A_99, %dot_general3A_100 {dimension_numbers = #tpu.dot_dimension_numbers<[1], [1], [0], [0], [0, 0, 1, 0], [], []>, transpose_lhs_hint = false} : vector<32x128xf32>, vector<128x128xf32>, vector<32x128xf32> -> vector<32x128xf32>
    %iota3A_102 = tpu.iota {dimensions = array<i32: 0>} : vector<32x256xi32>
    %get3A_103 = arith.constant 5 : index
    %get3A_104 = arith.constant 0 : index
    %get3A_105 = vector.load %arg1[%get3A_103, %get3A_104] : memref<8x256xi32, #tpu.memory_space<vmem>>, vector<1x256xi32>
    %eq3A_106 = vector.broadcast %get3A_105 : vector<1x256xi32> to vector<32x256xi32>
    %eq3A_107 = arith.cmpi eq, %iota3A_102, %eq3A_106 : vector<32x256xi32>
    %convert_element_type3A_108 = arith.extui %eq3A_107 : vector<32x256xi1> to vector<32x256xi32>
    %convert_element_type3A_109 = arith.sitofp %convert_element_type3A_108 : vector<32x256xi32> to vector<32x256xf32>
    %dot_general3A_110 = arith.constant dense<0.000000e+00> : vector<256x128xf32>
    %dot_general3A_111 = tpu.matmul %convert_element_type3A_109, %dot_general3A_101, %dot_general3A_110 {dimension_numbers = #tpu.dot_dimension_numbers<[0], [0], [1], [1], [0, 1, 1, 1], [], []>, transpose_lhs_hint = false} : vector<32x256xf32>, vector<32x128xf32>, vector<256x128xf32> -> vector<256x128xf32>
    %add3A_112 = arith.addf %add3A_93, %dot_general3A_111 : vector<256x128xf32>
    %get3A_113 = arith.constant 0 : index
    %get3A_114 = arith.constant 0 : index
    %get3A_115 = vector.load %arg2[%get3A_113, %get3A_114] : memref<32x128xf32, #tpu.memory_space<vmem>>, vector<32x128xf32>
    %get3A_116 = arith.constant 0 : index
    %get3A_117 = arith.constant 768 : index
    %get3A_118 = vector.load %arg3[%get3A_116, %get3A_117] : memref<128x1024xf32, #tpu.memory_space<vmem>>, vector<128x128xf32>
    %dot_general3A_119 = arith.constant dense<0.000000e+00> : vector<32x128xf32>
    %dot_general3A_120 = tpu.matmul %get3A_115, %get3A_118, %dot_general3A_119 {dimension_numbers = #tpu.dot_dimension_numbers<[1], [1], [0], [0], [0, 0, 1, 0], [], []>, transpose_lhs_hint = false} : vector<32x128xf32>, vector<128x128xf32>, vector<32x128xf32> -> vector<32x128xf32>
    %iota3A_121 = tpu.iota {dimensions = array<i32: 0>} : vector<32x256xi32>
    %get3A_122 = arith.constant 6 : index
    %get3A_123 = arith.constant 0 : index
    %get3A_124 = vector.load %arg1[%get3A_122, %get3A_123] : memref<8x256xi32, #tpu.memory_space<vmem>>, vector<1x256xi32>
    %eq3A_125 = vector.broadcast %get3A_124 : vector<1x256xi32> to vector<32x256xi32>
    %eq3A_126 = arith.cmpi eq, %iota3A_121, %eq3A_125 : vector<32x256xi32>
    %convert_element_type3A_127 = arith.extui %eq3A_126 : vector<32x256xi1> to vector<32x256xi32>
    %convert_element_type3A_128 = arith.sitofp %convert_element_type3A_127 : vector<32x256xi32> to vector<32x256xf32>
    %dot_general3A_129 = arith.constant dense<0.000000e+00> : vector<256x128xf32>
    %dot_general3A_130 = tpu.matmul %convert_element_type3A_128, %dot_general3A_120, %dot_general3A_129 {dimension_numbers = #tpu.dot_dimension_numbers<[0], [0], [1], [1], [0, 1, 1, 1], [], []>, transpose_lhs_hint = false} : vector<32x256xf32>, vector<32x128xf32>, vector<256x128xf32> -> vector<256x128xf32>
    %add3A_131 = arith.addf %add3A_112, %dot_general3A_130 : vector<256x128xf32>
    %get3A_132 = arith.constant 0 : index
    %get3A_133 = arith.constant 0 : index
    %get3A_134 = vector.load %arg2[%get3A_132, %get3A_133] : memref<32x128xf32, #tpu.memory_space<vmem>>, vector<32x128xf32>
    %get3A_135 = arith.constant 0 : index
    %get3A_136 = arith.constant 896 : index
    %get3A_137 = vector.load %arg3[%get3A_135, %get3A_136] : memref<128x1024xf32, #tpu.memory_space<vmem>>, vector<128x128xf32>
    %dot_general3A_138 = arith.constant dense<0.000000e+00> : vector<32x128xf32>
    %dot_general3A_139 = tpu.matmul %get3A_134, %get3A_137, %dot_general3A_138 {dimension_numbers = #tpu.dot_dimension_numbers<[1], [1], [0], [0], [0, 0, 1, 0], [], []>, transpose_lhs_hint = false} : vector<32x128xf32>, vector<128x128xf32>, vector<32x128xf32> -> vector<32x128xf32>
    %iota3A_140 = tpu.iota {dimensions = array<i32: 0>} : vector<32x256xi32>
    %get3A_141 = arith.constant 7 : index
    %get3A_142 = arith.constant 0 : index
    %get3A_143 = vector.load %arg1[%get3A_141, %get3A_142] : memref<8x256xi32, #tpu.memory_space<vmem>>, vector<1x256xi32>
    %eq3A_144 = vector.broadcast %get3A_143 : vector<1x256xi32> to vector<32x256xi32>
    %eq3A_145 = arith.cmpi eq, %iota3A_140, %eq3A_144 : vector<32x256xi32>
    %convert_element_type3A_146 = arith.extui %eq3A_145 : vector<32x256xi1> to vector<32x256xi32>
    %convert_element_type3A_147 = arith.sitofp %convert_element_type3A_146 : vector<32x256xi32> to vector<32x256xf32>
    %dot_general3A_148 = arith.constant dense<0.000000e+00> : vector<256x128xf32>
    %dot_general3A_149 = tpu.matmul %convert_element_type3A_147, %dot_general3A_139, %dot_general3A_148 {dimension_numbers = #tpu.dot_dimension_numbers<[0], [0], [1], [1], [0, 1, 1, 1], [], []>, transpose_lhs_hint = false} : vector<32x256xf32>, vector<32x128xf32>, vector<256x128xf32> -> vector<256x128xf32>
    %add3A_150 = arith.addf %add3A_131, %dot_general3A_149 : vector<256x128xf32>
    %get3A_151 = arith.constant 0 : index
    %get3A_152 = arith.constant 0 : index
    %get3A_153 = vector.load %arg5[%get3A_151, %get3A_152] : memref<256x128xf32, #tpu.memory_space<vmem>>, vector<256x128xf32>
    %add3A_154 = arith.addf %get3A_153, %add3A_150 : vector<256x128xf32>
    %swap3A = arith.constant 0 : index
    %swap3A_155 = arith.constant 0 : index
    %swap3A_156 = vector.load %arg5[%swap3A, %swap3A_155] : memref<256x128xf32, #tpu.memory_space<vmem>>, vector<256x128xf32>
    tpu.vector_store %arg5[%swap3A, %swap3A_155], %add3A_154 {strides = array<i32>} : memref<256x128xf32, #tpu.memory_space<vmem>>, vector<256x128xf32>,
    return
  }
  func.func @transform_0(%arg0: i32) -> (i32, i32) {
    %c0_i32 = arith.constant 0 : i32
    %c0_i32_0 = arith.constant 0 : i32
    return %arg0, %c0_i32 : i32, i32
  }
  func.func @transform_1(%arg0: i32) -> (i32, i32) {
    %c0_i32 = arith.constant 0 : i32
    %c0_i32_0 = arith.constant 0 : i32
    %c0_i32_1 = arith.constant 0 : i32
    return %c0_i32, %c0_i32_0 : i32, i32
  }
  func.func @transform_2(%arg0: i32) -> (i32, i32) {
    %c0_i32 = arith.constant 0 : i32
    %c0_i32_0 = arith.constant 0 : i32
    return %c0_i32, %arg0 : i32, i32
  }
  func.func @transform_3(%arg0: i32) -> (i32, i32) {
    %c0_i32 = arith.constant 0 : i32
    %c0_i32_0 = arith.constant 0 : i32
    %c0_i32_1 = arith.constant 0 : i32
    return %c0_i32, %c0_i32_0 : i32, i32
  }
  func.func @transform_4(%arg0: i32) -> (i32, i32) {
    %c0_i32 = arith.constant 0 : i32
    %c0_i32_0 = arith.constant 0 : i32
    %c0_i32_1 = arith.constant 0 : i32
    return %c0_i32, %c0_i32_0 : i32, i32
  }
}

module attributes {stable_mosaic.version = 14 : i64} {
  func.func @body(%arg0: i32, %arg1: memref<80x128xi32, #tpu.memory_space<vmem>>, %arg2: memref<1x1x1000xi32, #tpu.memory_space<vmem>>, %arg3: memref<32x128xf32, #tpu.memory_space<vmem>>, %arg4: memref<10240x32xf32, #tpu.memory_space<vmem>>, %arg5: memref<1x1x128xf32, #tpu.memory_space<vmem>>) attributes {dimension_semantics = [#tpu.dimension_semantics<arbitrary>], iteration_bounds = array<i64: 256>, scalar_prefetch = 0 : i64, scratch_operands = 0 : i64, tpu.core_type = #tpu.core_type<tc>, window_params = [{pipeline_mode = #tpu.pipeline_mode<synchronous>, transform_indices = @transform_0, window_bounds = array<i64: 80, 128>}, {transform_indices = @transform_1, window_bounds = array<i64: 1, 1, 1000>}, {pipeline_mode = #tpu.pipeline_mode<synchronous>, transform_indices = @transform_2, window_bounds = array<i64: 32, 128>}, {pipeline_mode = #tpu.pipeline_mode<synchronous>, transform_indices = @transform_3, window_bounds = array<i64: 10240, 32>}, {transform_indices = @transform_4, window_bounds = array<i64: 1, 1, 128>}]} {
    %get3A = arith.constant 0 : index
    %get3A_0 = arith.constant 0 : index
    %get3A_1 = vector.load %arg1[%get3A, %get3A_0] : memref<80x128xi32, #tpu.memory_space<vmem>>, vector<80x128xi32>
    %lt3A = vector.broadcast %arg0 : i32 to vector<80x128xi32>
    %lt3A_2 = arith.cmpi slt, %get3A_1, %lt3A : vector<80x128xi32>
    %convert_element_type3A = arith.extui %lt3A_2 : vector<80x128xi1> to vector<80x128xi32>
    %reduce_sum3A = vector.shape_cast %convert_element_type3A : vector<80x128xi32> to vector<1x80x128xi32>
    %reduce_sum3A_3 = arith.constant dense<0> : vector<1xi32>
    %reduce_sum3A_4 = vector.multi_reduction <add>, %reduce_sum3A, %reduce_sum3A_3 [1, 2] : vector<1x80x128xi32> to vector<1xi32>
    %reduce_sum3A_5 = vector.shape_cast %reduce_sum3A_4 : vector<1xi32> to vector<1x1x1xi32>
    %reduce_sum3A_6 = vector.extract %reduce_sum3A_5[0, 0, 0] : i32 from vector<1x1x1xi32>
    %le3A = vector.broadcast %arg0 : i32 to vector<80x128xi32>
    %le3A_7 = arith.cmpi sle, %get3A_1, %le3A : vector<80x128xi32>
    %convert_element_type3A_8 = arith.extui %le3A_7 : vector<80x128xi1> to vector<80x128xi32>
    %reduce_sum3A_9 = vector.shape_cast %convert_element_type3A_8 : vector<80x128xi32> to vector<1x80x128xi32>
    %reduce_sum3A_10 = arith.constant dense<0> : vector<1xi32>
    %reduce_sum3A_11 = vector.multi_reduction <add>, %reduce_sum3A_9, %reduce_sum3A_10 [1, 2] : vector<1x80x128xi32> to vector<1xi32>
    %reduce_sum3A_12 = vector.shape_cast %reduce_sum3A_11 : vector<1xi32> to vector<1x1x1xi32>
    %reduce_sum3A_13 = vector.extract %reduce_sum3A_12[0, 0, 0] : i32 from vector<1x1x1xi32>
    %get3A_14 = arith.constant 0 : index
    %get3A_15 = arith.constant 0 : index
    %get3A_16 = arith.constant 0 : index
    %get3A_17 = vector.load %arg2[%get3A_14, %get3A_15, %get3A_16] : memref<1x1x1000xi32, #tpu.memory_space<vmem>>, vector<1x1x1000xi32>
    %get3A_18 = vector.shape_cast %get3A_17 : vector<1x1x1000xi32> to vector<1x1000xi32>
    %iota3A = tpu.iota {dimensions = array<i32: 0>} : vector<32x1000xi32>
    %eq3A = vector.broadcast %get3A_18 : vector<1x1000xi32> to vector<32x1000xi32>
    %eq3A_19 = arith.cmpi eq, %iota3A, %eq3A : vector<32x1000xi32>
    %convert_element_type3A_20 = arith.extui %eq3A_19 : vector<32x1000xi1> to vector<32x1000xi32>
    %convert_element_type3A_21 = arith.sitofp %convert_element_type3A_20 : vector<32x1000xi32> to vector<32x1000xf32>
    %sub3A = arith.subi %reduce_sum3A_13, %reduce_sum3A_6 : i32
    %jit3A = arith.constant 128 : i32
    %div3A = arith.divsi %sub3A, %jit3A : i32
    %sign3A = arith.constant 0 : i32
    %sign3A_22 = arith.cmpi sgt, %sub3A, %sign3A : i32
    %sign3A_23 = arith.extui %sign3A_22 : i1 to i32
    %sign3A_24 = arith.constant 0 : i32
    %sign3A_25 = arith.cmpi slt, %sub3A, %sign3A_24 : i32
    %sign3A_26 = arith.extui %sign3A_25 : i1 to i32
    %sign3A_27 = arith.subi %sign3A_23, %sign3A_26 : i32
    %sign3A_28 = arith.constant 0 : i32
    %sign3A_29 = arith.cmpi sgt, %jit3A, %sign3A_28 : i32
    %sign3A_30 = arith.extui %sign3A_29 : i1 to i32
    %sign3A_31 = arith.constant 0 : i32
    %sign3A_32 = arith.cmpi slt, %jit3A, %sign3A_31 : i32
    %sign3A_33 = arith.extui %sign3A_32 : i1 to i32
    %sign3A_34 = arith.subi %sign3A_30, %sign3A_33 : i32
    %ne3A = arith.cmpi ne, %sign3A_27, %sign3A_34 : i32
    %rem3A = arith.remsi %sub3A, %jit3A : i32
    %ne3A_35 = arith.constant 0 : i32
    %ne3A_36 = arith.cmpi ne, %rem3A, %ne3A_35 : i32
    %and3A = arith.andi %ne3A, %ne3A_36 : i1
    %sub3A_37 = arith.constant 1 : i32
    %sub3A_38 = arith.subi %div3A, %sub3A_37 : i32
    %select_n3A = arith.select %and3A, %sub3A_38, %div3A : i32
    %broadcast_in_dim3A = arith.constant 0.000000e+00 : f32
    %broadcast_in_dim3A_39 = vector.broadcast %broadcast_in_dim3A : f32 to vector<1x1000xf32>
    %while3A = arith.constant 0 : i32
    %while3A_40 = arith.subi %select_n3A, %while3A : i32
    %while3A_41 = arith.addi %while3A, %while3A_40 : i32
    %while3A_42 = arith.constant 1 : i32
    %while3A_43 = arith.divsi %while3A_40, %while3A_42 : i32
    %while3A_44 = arith.muli %while3A_43, %while3A_42 : i32
    %while3A_45 = arith.addi %while3A, %while3A_44 : i32
    %while3A_46 = arith.constant 1 : i32
    %while3A_47 = scf.for %while3A_109 = %while3A to %while3A_45 step %while3A_46 iter_args(%while3A_110 = %broadcast_in_dim3A_39) -> (vector<1x1000xf32>)  : i32 {
      %mul3A_111 = arith.constant 128 : i32
      %mul3A_112 = arith.muli %while3A_109, %mul3A_111 : i32
      %add3A_113 = arith.addi %reduce_sum3A_6, %mul3A_112 : i32
      %get3A_114 = arith.index_cast %add3A_113 : i32 to index
      %get3A_115 = arith.constant 0 : index
      %get3A_116 = vector.load %arg4[%get3A_114, %get3A_115] : memref<10240x32xf32, #tpu.memory_space<vmem>>, vector<128x32xf32>
      %dot_general3A_117 = arith.constant dense<0.000000e+00> : vector<128x1000xf32>
      %dot_general3A_118 = tpu.matmul %get3A_116, %convert_element_type3A_21, %dot_general3A_117 {dimension_numbers = #tpu.dot_dimension_numbers<[1], [0], [0], [1], [0, 0, 1, 1], [], []>, transpose_lhs_hint = false} : vector<128x32xf32>, vector<32x1000xf32>, vector<128x1000xf32> -> vector<128x1000xf32>
      %reduce_max3A = arith.constant dense<0xFF800000> : vector<128xf32>
      %reduce_max3A_119 = vector.multi_reduction <maximumf>, %dot_general3A_118, %reduce_max3A [1] : vector<128x1000xf32> to vector<128xf32>
      %broadcast_in_dim3A_120 = vector.shape_cast %reduce_max3A_119 : vector<128xf32> to vector<128x1xf32>
      %sub3A_121 = vector.broadcast %broadcast_in_dim3A_120 : vector<128x1xf32> to vector<128x1000xf32>
      %sub3A_122 = arith.subf %dot_general3A_118, %sub3A_121 : vector<128x1000xf32>
      %exp3A = math.exp %sub3A_122 : vector<128x1000xf32>
      %reduce_sum3A_123 = arith.constant dense<0.000000e+00> : vector<128xf32>
      %reduce_sum3A_124 = vector.multi_reduction <add>, %exp3A, %reduce_sum3A_123 [1] : vector<128x1000xf32> to vector<128xf32>
      %broadcast_in_dim3A_125 = vector.shape_cast %reduce_sum3A_124 : vector<128xf32> to vector<128x1xf32>
      %iota3A_126 = tpu.iota {dimensions = array<i32: 0>} : vector<128x1xi32>
      %add3A_127 = vector.broadcast %add3A_113 : i32 to vector<128x1xi32>
      %add3A_128 = arith.addi %add3A_127, %iota3A_126 : vector<128x1xi32>
      %lt3A_129 = vector.broadcast %reduce_sum3A_13 : i32 to vector<128x1xi32>
      %lt3A_130 = arith.cmpi slt, %add3A_128, %lt3A_129 : vector<128x1xi32>
      %div3A_131 = arith.constant 1.000000e+00 : f32
      %div3A_132 = vector.broadcast %div3A_131 : f32 to vector<128x1xf32>
      %div3A_133 = arith.divf %div3A_132, %broadcast_in_dim3A_125 : vector<128x1xf32>
      %jit3A_134 = arith.constant 0.000000e+00 : f32
      %broadcast_in_dim3A_135 = vector.broadcast %jit3A_134 : f32 to vector<128x1xf32>
      %select_n3A_136 = arith.select %lt3A_130, %div3A_133, %broadcast_in_dim3A_135 : vector<128x1xi1>, vector<128x1xf32>
      %dot_general3A_137 = arith.constant dense<0.000000e+00> : vector<1x1000xf32>
      %dot_general3A_138 = tpu.matmul %select_n3A_136, %exp3A, %dot_general3A_137 {dimension_numbers = #tpu.dot_dimension_numbers<[0], [0], [1], [1], [0, 1, 1, 1], [], []>, transpose_lhs_hint = false} : vector<128x1xf32>, vector<128x1000xf32>, vector<1x1000xf32> -> vector<1x1000xf32>
      %add3A_139 = arith.addf %while3A_110, %dot_general3A_138 : vector<1x1000xf32>
      scf.yield %add3A_139 : vector<1x1000xf32>
    }
    %while3A_48 = arith.constant 1 : i32
    %while3A_49 = scf.for %while3A_109 = %while3A_45 to %while3A_41 step %while3A_48 iter_args(%while3A_110 = %while3A_47) -> (vector<1x1000xf32>)  : i32 {
      %mul3A_111 = arith.constant 128 : i32
      %mul3A_112 = arith.muli %while3A_109, %mul3A_111 : i32
      %add3A_113 = arith.addi %reduce_sum3A_6, %mul3A_112 : i32
      %get3A_114 = arith.index_cast %add3A_113 : i32 to index
      %get3A_115 = arith.constant 0 : index
      %get3A_116 = vector.load %arg4[%get3A_114, %get3A_115] : memref<10240x32xf32, #tpu.memory_space<vmem>>, vector<128x32xf32>
      %dot_general3A_117 = arith.constant dense<0.000000e+00> : vector<128x1000xf32>
      %dot_general3A_118 = tpu.matmul %get3A_116, %convert_element_type3A_21, %dot_general3A_117 {dimension_numbers = #tpu.dot_dimension_numbers<[1], [0], [0], [1], [0, 0, 1, 1], [], []>, transpose_lhs_hint = false} : vector<128x32xf32>, vector<32x1000xf32>, vector<128x1000xf32> -> vector<128x1000xf32>
      %reduce_max3A = arith.constant dense<0xFF800000> : vector<128xf32>
      %reduce_max3A_119 = vector.multi_reduction <maximumf>, %dot_general3A_118, %reduce_max3A [1] : vector<128x1000xf32> to vector<128xf32>
      %broadcast_in_dim3A_120 = vector.shape_cast %reduce_max3A_119 : vector<128xf32> to vector<128x1xf32>
      %sub3A_121 = vector.broadcast %broadcast_in_dim3A_120 : vector<128x1xf32> to vector<128x1000xf32>
      %sub3A_122 = arith.subf %dot_general3A_118, %sub3A_121 : vector<128x1000xf32>
      %exp3A = math.exp %sub3A_122 : vector<128x1000xf32>
      %reduce_sum3A_123 = arith.constant dense<0.000000e+00> : vector<128xf32>
      %reduce_sum3A_124 = vector.multi_reduction <add>, %exp3A, %reduce_sum3A_123 [1] : vector<128x1000xf32> to vector<128xf32>
      %broadcast_in_dim3A_125 = vector.shape_cast %reduce_sum3A_124 : vector<128xf32> to vector<128x1xf32>
      %iota3A_126 = tpu.iota {dimensions = array<i32: 0>} : vector<128x1xi32>
      %add3A_127 = vector.broadcast %add3A_113 : i32 to vector<128x1xi32>
      %add3A_128 = arith.addi %add3A_127, %iota3A_126 : vector<128x1xi32>
      %lt3A_129 = vector.broadcast %reduce_sum3A_13 : i32 to vector<128x1xi32>
      %lt3A_130 = arith.cmpi slt, %add3A_128, %lt3A_129 : vector<128x1xi32>
      %div3A_131 = arith.constant 1.000000e+00 : f32
      %div3A_132 = vector.broadcast %div3A_131 : f32 to vector<128x1xf32>
      %div3A_133 = arith.divf %div3A_132, %broadcast_in_dim3A_125 : vector<128x1xf32>
      %jit3A_134 = arith.constant 0.000000e+00 : f32
      %broadcast_in_dim3A_135 = vector.broadcast %jit3A_134 : f32 to vector<128x1xf32>
      %select_n3A_136 = arith.select %lt3A_130, %div3A_133, %broadcast_in_dim3A_135 : vector<128x1xi1>, vector<128x1xf32>
      %dot_general3A_137 = arith.constant dense<0.000000e+00> : vector<1x1000xf32>
      %dot_general3A_138 = tpu.matmul %select_n3A_136, %exp3A, %dot_general3A_137 {dimension_numbers = #tpu.dot_dimension_numbers<[0], [0], [1], [1], [0, 1, 1, 1], [], []>, transpose_lhs_hint = false} : vector<128x1xf32>, vector<128x1000xf32>, vector<1x1000xf32> -> vector<1x1000xf32>
      %add3A_139 = arith.addf %while3A_110, %dot_general3A_138 : vector<1x1000xf32>
      scf.yield %add3A_139 : vector<1x1000xf32>
    }
    %mul3A = arith.constant 128 : i32
    %mul3A_50 = arith.muli %select_n3A, %mul3A : i32
    %add3A = arith.addi %reduce_sum3A_6, %mul3A_50 : i32
    %jit3A_51 = arith.constant 128 : i32
    %eq3A_52 = arith.constant 0 : i32
    %eq3A_53 = arith.cmpi eq, %jit3A_51, %eq3A_52 : i32
    %jit3A_54 = arith.constant 1 : i32
    %select_n3A_55 = arith.select %eq3A_53, %jit3A_54, %jit3A_51 : i32
    %rem3A_56 = arith.remsi %sub3A, %select_n3A_55 : i32
    %ne3A_57 = arith.constant 0 : i32
    %ne3A_58 = arith.cmpi ne, %rem3A_56, %ne3A_57 : i32
    %lt3A_59 = arith.constant 0 : i32
    %lt3A_60 = arith.cmpi slt, %rem3A_56, %lt3A_59 : i32
    %lt3A_61 = arith.constant 0 : i32
    %lt3A_62 = arith.cmpi slt, %select_n3A_55, %lt3A_61 : i32
    %ne3A_63 = arith.xori %lt3A_60, %lt3A_62 : i1
    %and3A_64 = arith.andi %ne3A_63, %ne3A_58 : i1
    %add3A_65 = arith.addi %rem3A_56, %select_n3A_55 : i32
    %select_n3A_66 = arith.select %and3A_64, %add3A_65, %rem3A_56 : i32
    %add3A_67 = arith.constant 31 : i32
    %add3A_68 = arith.addi %select_n3A_66, %add3A_67 : i32
    %jit3A_69 = arith.constant 32 : i32
    %div3A_70 = arith.divsi %add3A_68, %jit3A_69 : i32
    %sign3A_71 = arith.constant 0 : i32
    %sign3A_72 = arith.cmpi sgt, %add3A_68, %sign3A_71 : i32
    %sign3A_73 = arith.extui %sign3A_72 : i1 to i32
    %sign3A_74 = arith.constant 0 : i32
    %sign3A_75 = arith.cmpi slt, %add3A_68, %sign3A_74 : i32
    %sign3A_76 = arith.extui %sign3A_75 : i1 to i32
    %sign3A_77 = arith.subi %sign3A_73, %sign3A_76 : i32
    %sign3A_78 = arith.constant 0 : i32
    %sign3A_79 = arith.cmpi sgt, %jit3A_69, %sign3A_78 : i32
    %sign3A_80 = arith.extui %sign3A_79 : i1 to i32
    %sign3A_81 = arith.constant 0 : i32
    %sign3A_82 = arith.cmpi slt, %jit3A_69, %sign3A_81 : i32
    %sign3A_83 = arith.extui %sign3A_82 : i1 to i32
    %sign3A_84 = arith.subi %sign3A_80, %sign3A_83 : i32
    %ne3A_85 = arith.cmpi ne, %sign3A_77, %sign3A_84 : i32
    %rem3A_86 = arith.remsi %add3A_68, %jit3A_69 : i32
    %ne3A_87 = arith.constant 0 : i32
    %ne3A_88 = arith.cmpi ne, %rem3A_86, %ne3A_87 : i32
    %and3A_89 = arith.andi %ne3A_85, %ne3A_88 : i1
    %sub3A_90 = arith.constant 1 : i32
    %sub3A_91 = arith.subi %div3A_70, %sub3A_90 : i32
    %select_n3A_92 = arith.select %and3A_89, %sub3A_91, %div3A_70 : i32
    %clamp3A = arith.constant 0 : i32
    %clamp3A_93 = arith.constant 4 : i32
    %clamp3A_94 = arith.maxsi %select_n3A_92, %clamp3A : i32
    %clamp3A_95 = arith.minsi %clamp3A_94, %clamp3A_93 : i32
    %cond3A = arith.constant 0 : i32
    %cond3A_96 = arith.cmpi ne, %clamp3A_95, %cond3A : i32
    %cond3A_97 = scf.if %cond3A_96 -> (vector<1x1000xf32>) {
      %cond3A_109 = arith.constant 1 : i32
      %cond3A_110 = arith.subi %clamp3A_95, %cond3A_109 : i32
      %cond3A_111 = arith.constant 0 : i32
      %cond3A_112 = arith.cmpi ne, %cond3A_110, %cond3A_111 : i32
      %cond3A_113 = scf.if %cond3A_112 -> (vector<1x1000xf32>) {
        %cond3A_114 = arith.constant 1 : i32
        %cond3A_115 = arith.subi %cond3A_110, %cond3A_114 : i32
        %cond3A_116 = arith.constant 0 : i32
        %cond3A_117 = arith.cmpi ne, %cond3A_115, %cond3A_116 : i32
        %cond3A_118 = scf.if %cond3A_117 -> (vector<1x1000xf32>) {
          %cond3A_119 = arith.constant 1 : i32
          %cond3A_120 = arith.subi %cond3A_115, %cond3A_119 : i32
          %cond3A_121 = arith.constant 0 : i32
          %cond3A_122 = arith.cmpi ne, %cond3A_120, %cond3A_121 : i32
          %cond3A_123 = scf.if %cond3A_122 -> (vector<1x1000xf32>) {
            %get3A_124 = arith.index_cast %add3A : i32 to index
            %get3A_125 = arith.constant 0 : index
            %get3A_126 = vector.load %arg4[%get3A_124, %get3A_125] : memref<10240x32xf32, #tpu.memory_space<vmem>>, vector<128x32xf32>
            %dot_general3A_127 = arith.constant dense<0.000000e+00> : vector<128x1000xf32>
            %dot_general3A_128 = tpu.matmul %get3A_126, %convert_element_type3A_21, %dot_general3A_127 {dimension_numbers = #tpu.dot_dimension_numbers<[1], [0], [0], [1], [0, 0, 1, 1], [], []>, transpose_lhs_hint = false} : vector<128x32xf32>, vector<32x1000xf32>, vector<128x1000xf32> -> vector<128x1000xf32>
            %reduce_max3A = arith.constant dense<0xFF800000> : vector<128xf32>
            %reduce_max3A_129 = vector.multi_reduction <maximumf>, %dot_general3A_128, %reduce_max3A [1] : vector<128x1000xf32> to vector<128xf32>
            %broadcast_in_dim3A_130 = vector.shape_cast %reduce_max3A_129 : vector<128xf32> to vector<128x1xf32>
            %sub3A_131 = vector.broadcast %broadcast_in_dim3A_130 : vector<128x1xf32> to vector<128x1000xf32>
            %sub3A_132 = arith.subf %dot_general3A_128, %sub3A_131 : vector<128x1000xf32>
            %exp3A = math.exp %sub3A_132 : vector<128x1000xf32>
            %reduce_sum3A_133 = arith.constant dense<0.000000e+00> : vector<128xf32>
            %reduce_sum3A_134 = vector.multi_reduction <add>, %exp3A, %reduce_sum3A_133 [1] : vector<128x1000xf32> to vector<128xf32>
            %broadcast_in_dim3A_135 = vector.shape_cast %reduce_sum3A_134 : vector<128xf32> to vector<128x1xf32>
            %iota3A_136 = tpu.iota {dimensions = array<i32: 0>} : vector<128x1xi32>
            %add3A_137 = vector.broadcast %add3A : i32 to vector<128x1xi32>
            %add3A_138 = arith.addi %add3A_137, %iota3A_136 : vector<128x1xi32>
            %lt3A_139 = vector.broadcast %reduce_sum3A_13 : i32 to vector<128x1xi32>
            %lt3A_140 = arith.cmpi slt, %add3A_138, %lt3A_139 : vector<128x1xi32>
            %div3A_141 = arith.constant 1.000000e+00 : f32
            %div3A_142 = vector.broadcast %div3A_141 : f32 to vector<128x1xf32>
            %div3A_143 = arith.divf %div3A_142, %broadcast_in_dim3A_135 : vector<128x1xf32>
            %jit3A_144 = arith.constant 0.000000e+00 : f32
            %broadcast_in_dim3A_145 = vector.broadcast %jit3A_144 : f32 to vector<128x1xf32>
            %select_n3A_146 = arith.select %lt3A_140, %div3A_143, %broadcast_in_dim3A_145 : vector<128x1xi1>, vector<128x1xf32>
            %dot_general3A_147 = arith.constant dense<0.000000e+00> : vector<1x1000xf32>
            %dot_general3A_148 = tpu.matmul %select_n3A_146, %exp3A, %dot_general3A_147 {dimension_numbers = #tpu.dot_dimension_numbers<[0], [0], [1], [1], [0, 1, 1, 1], [], []>, transpose_lhs_hint = false} : vector<128x1xf32>, vector<128x1000xf32>, vector<1x1000xf32> -> vector<1x1000xf32>
            %add3A_149 = arith.addf %while3A_49, %dot_general3A_148 : vector<1x1000xf32>
            scf.yield %add3A_149 : vector<1x1000xf32>
          } else {
            %get3A_124 = arith.index_cast %add3A : i32 to index
            %get3A_125 = arith.constant 0 : index
            %get3A_126 = vector.load %arg4[%get3A_124, %get3A_125] : memref<10240x32xf32, #tpu.memory_space<vmem>>, vector<96x32xf32>
            %dot_general3A_127 = arith.constant dense<0.000000e+00> : vector<96x1000xf32>
            %dot_general3A_128 = tpu.matmul %get3A_126, %convert_element_type3A_21, %dot_general3A_127 {dimension_numbers = #tpu.dot_dimension_numbers<[1], [0], [0], [1], [0, 0, 1, 1], [], []>, transpose_lhs_hint = false} : vector<96x32xf32>, vector<32x1000xf32>, vector<96x1000xf32> -> vector<96x1000xf32>
            %reduce_max3A = arith.constant dense<0xFF800000> : vector<96xf32>
            %reduce_max3A_129 = vector.multi_reduction <maximumf>, %dot_general3A_128, %reduce_max3A [1] : vector<96x1000xf32> to vector<96xf32>
            %broadcast_in_dim3A_130 = vector.shape_cast %reduce_max3A_129 : vector<96xf32> to vector<96x1xf32>
            %sub3A_131 = vector.broadcast %broadcast_in_dim3A_130 : vector<96x1xf32> to vector<96x1000xf32>
            %sub3A_132 = arith.subf %dot_general3A_128, %sub3A_131 : vector<96x1000xf32>
            %exp3A = math.exp %sub3A_132 : vector<96x1000xf32>
            %reduce_sum3A_133 = arith.constant dense<0.000000e+00> : vector<96xf32>
            %reduce_sum3A_134 = vector.multi_reduction <add>, %exp3A, %reduce_sum3A_133 [1] : vector<96x1000xf32> to vector<96xf32>
            %broadcast_in_dim3A_135 = vector.shape_cast %reduce_sum3A_134 : vector<96xf32> to vector<96x1xf32>
            %iota3A_136 = tpu.iota {dimensions = array<i32: 0>} : vector<96x1xi32>
            %add3A_137 = vector.broadcast %add3A : i32 to vector<96x1xi32>
            %add3A_138 = arith.addi %add3A_137, %iota3A_136 : vector<96x1xi32>
            %lt3A_139 = vector.broadcast %reduce_sum3A_13 : i32 to vector<96x1xi32>
            %lt3A_140 = arith.cmpi slt, %add3A_138, %lt3A_139 : vector<96x1xi32>
            %div3A_141 = arith.constant 1.000000e+00 : f32
            %div3A_142 = vector.broadcast %div3A_141 : f32 to vector<96x1xf32>
            %div3A_143 = arith.divf %div3A_142, %broadcast_in_dim3A_135 : vector<96x1xf32>
            %jit3A_144 = arith.constant 0.000000e+00 : f32
            %broadcast_in_dim3A_145 = vector.broadcast %jit3A_144 : f32 to vector<96x1xf32>
            %select_n3A_146 = arith.select %lt3A_140, %div3A_143, %broadcast_in_dim3A_145 : vector<96x1xi1>, vector<96x1xf32>
            %dot_general3A_147 = arith.constant dense<0.000000e+00> : vector<1x1000xf32>
            %dot_general3A_148 = tpu.matmul %select_n3A_146, %exp3A, %dot_general3A_147 {dimension_numbers = #tpu.dot_dimension_numbers<[0], [0], [1], [1], [0, 1, 1, 1], [], []>, transpose_lhs_hint = false} : vector<96x1xf32>, vector<96x1000xf32>, vector<1x1000xf32> -> vector<1x1000xf32>
            %add3A_149 = arith.addf %while3A_49, %dot_general3A_148 : vector<1x1000xf32>
            scf.yield %add3A_149 : vector<1x1000xf32>
          }
          scf.yield %cond3A_123 : vector<1x1000xf32>
        } else {
          %get3A_119 = arith.index_cast %add3A : i32 to index
          %get3A_120 = arith.constant 0 : index
          %get3A_121 = vector.load %arg4[%get3A_119, %get3A_120] : memref<10240x32xf32, #tpu.memory_space<vmem>>, vector<64x32xf32>
          %dot_general3A_122 = arith.constant dense<0.000000e+00> : vector<64x1000xf32>
          %dot_general3A_123 = tpu.matmul %get3A_121, %convert_element_type3A_21, %dot_general3A_122 {dimension_numbers = #tpu.dot_dimension_numbers<[1], [0], [0], [1], [0, 0, 1, 1], [], []>, transpose_lhs_hint = false} : vector<64x32xf32>, vector<32x1000xf32>, vector<64x1000xf32> -> vector<64x1000xf32>
          %reduce_max3A = arith.constant dense<0xFF800000> : vector<64xf32>
          %reduce_max3A_124 = vector.multi_reduction <maximumf>, %dot_general3A_123, %reduce_max3A [1] : vector<64x1000xf32> to vector<64xf32>
          %broadcast_in_dim3A_125 = vector.shape_cast %reduce_max3A_124 : vector<64xf32> to vector<64x1xf32>
          %sub3A_126 = vector.broadcast %broadcast_in_dim3A_125 : vector<64x1xf32> to vector<64x1000xf32>
          %sub3A_127 = arith.subf %dot_general3A_123, %sub3A_126 : vector<64x1000xf32>
          %exp3A = math.exp %sub3A_127 : vector<64x1000xf32>
          %reduce_sum3A_128 = arith.constant dense<0.000000e+00> : vector<64xf32>
          %reduce_sum3A_129 = vector.multi_reduction <add>, %exp3A, %reduce_sum3A_128 [1] : vector<64x1000xf32> to vector<64xf32>
          %broadcast_in_dim3A_130 = vector.shape_cast %reduce_sum3A_129 : vector<64xf32> to vector<64x1xf32>
          %iota3A_131 = tpu.iota {dimensions = array<i32: 0>} : vector<64x1xi32>
          %add3A_132 = vector.broadcast %add3A : i32 to vector<64x1xi32>
          %add3A_133 = arith.addi %add3A_132, %iota3A_131 : vector<64x1xi32>
          %lt3A_134 = vector.broadcast %reduce_sum3A_13 : i32 to vector<64x1xi32>
          %lt3A_135 = arith.cmpi slt, %add3A_133, %lt3A_134 : vector<64x1xi32>
          %div3A_136 = arith.constant 1.000000e+00 : f32
          %div3A_137 = vector.broadcast %div3A_136 : f32 to vector<64x1xf32>
          %div3A_138 = arith.divf %div3A_137, %broadcast_in_dim3A_130 : vector<64x1xf32>
          %jit3A_139 = arith.constant 0.000000e+00 : f32
          %broadcast_in_dim3A_140 = vector.broadcast %jit3A_139 : f32 to vector<64x1xf32>
          %select_n3A_141 = arith.select %lt3A_135, %div3A_138, %broadcast_in_dim3A_140 : vector<64x1xi1>, vector<64x1xf32>
          %dot_general3A_142 = arith.constant dense<0.000000e+00> : vector<1x1000xf32>
          %dot_general3A_143 = tpu.matmul %select_n3A_141, %exp3A, %dot_general3A_142 {dimension_numbers = #tpu.dot_dimension_numbers<[0], [0], [1], [1], [0, 1, 1, 1], [], []>, transpose_lhs_hint = false} : vector<64x1xf32>, vector<64x1000xf32>, vector<1x1000xf32> -> vector<1x1000xf32>
          %add3A_144 = arith.addf %while3A_49, %dot_general3A_143 : vector<1x1000xf32>
          scf.yield %add3A_144 : vector<1x1000xf32>
        }
        scf.yield %cond3A_118 : vector<1x1000xf32>
      } else {
        %get3A_114 = arith.index_cast %add3A : i32 to index
        %get3A_115 = arith.constant 0 : index
        %get3A_116 = vector.load %arg4[%get3A_114, %get3A_115] : memref<10240x32xf32, #tpu.memory_space<vmem>>, vector<32x32xf32>
        %dot_general3A_117 = arith.constant dense<0.000000e+00> : vector<32x1000xf32>
        %dot_general3A_118 = tpu.matmul %get3A_116, %convert_element_type3A_21, %dot_general3A_117 {dimension_numbers = #tpu.dot_dimension_numbers<[1], [0], [0], [1], [0, 0, 1, 1], [], []>, transpose_lhs_hint = false} : vector<32x32xf32>, vector<32x1000xf32>, vector<32x1000xf32> -> vector<32x1000xf32>
        %reduce_max3A = arith.constant dense<0xFF800000> : vector<32xf32>
        %reduce_max3A_119 = vector.multi_reduction <maximumf>, %dot_general3A_118, %reduce_max3A [1] : vector<32x1000xf32> to vector<32xf32>
        %broadcast_in_dim3A_120 = vector.shape_cast %reduce_max3A_119 : vector<32xf32> to vector<32x1xf32>
        %sub3A_121 = vector.broadcast %broadcast_in_dim3A_120 : vector<32x1xf32> to vector<32x1000xf32>
        %sub3A_122 = arith.subf %dot_general3A_118, %sub3A_121 : vector<32x1000xf32>
        %exp3A = math.exp %sub3A_122 : vector<32x1000xf32>
        %reduce_sum3A_123 = arith.constant dense<0.000000e+00> : vector<32xf32>
        %reduce_sum3A_124 = vector.multi_reduction <add>, %exp3A, %reduce_sum3A_123 [1] : vector<32x1000xf32> to vector<32xf32>
        %broadcast_in_dim3A_125 = vector.shape_cast %reduce_sum3A_124 : vector<32xf32> to vector<32x1xf32>
        %iota3A_126 = tpu.iota {dimensions = array<i32: 0>} : vector<32x1xi32>
        %add3A_127 = vector.broadcast %add3A : i32 to vector<32x1xi32>
        %add3A_128 = arith.addi %add3A_127, %iota3A_126 : vector<32x1xi32>
        %lt3A_129 = vector.broadcast %reduce_sum3A_13 : i32 to vector<32x1xi32>
        %lt3A_130 = arith.cmpi slt, %add3A_128, %lt3A_129 : vector<32x1xi32>
        %div3A_131 = arith.constant 1.000000e+00 : f32
        %div3A_132 = vector.broadcast %div3A_131 : f32 to vector<32x1xf32>
        %div3A_133 = arith.divf %div3A_132, %broadcast_in_dim3A_125 : vector<32x1xf32>
        %jit3A_134 = arith.constant 0.000000e+00 : f32
        %broadcast_in_dim3A_135 = vector.broadcast %jit3A_134 : f32 to vector<32x1xf32>
        %select_n3A_136 = arith.select %lt3A_130, %div3A_133, %broadcast_in_dim3A_135 : vector<32x1xi1>, vector<32x1xf32>
        %dot_general3A_137 = arith.constant dense<0.000000e+00> : vector<1x1000xf32>
        %dot_general3A_138 = tpu.matmul %select_n3A_136, %exp3A, %dot_general3A_137 {dimension_numbers = #tpu.dot_dimension_numbers<[0], [0], [1], [1], [0, 1, 1, 1], [], []>, transpose_lhs_hint = false} : vector<32x1xf32>, vector<32x1000xf32>, vector<1x1000xf32> -> vector<1x1000xf32>
        %add3A_139 = arith.addf %while3A_49, %dot_general3A_138 : vector<1x1000xf32>
        scf.yield %add3A_139 : vector<1x1000xf32>
      }
      scf.yield %cond3A_113 : vector<1x1000xf32>
    } else {
      scf.yield %while3A_49 : vector<1x1000xf32>
    }
    %dot_general3A = arith.constant dense<0.000000e+00> : vector<1x32xf32>
    %dot_general3A_98 = tpu.matmul %cond3A_97, %convert_element_type3A_21, %dot_general3A {dimension_numbers = #tpu.dot_dimension_numbers<[1], [1], [0], [0], [0, 0, 1, 0], [], []>, transpose_lhs_hint = false} : vector<1x1000xf32>, vector<32x1000xf32>, vector<1x32xf32> -> vector<1x32xf32>
    %get3A_99 = arith.constant 0 : index
    %get3A_100 = arith.constant 0 : index
    %get3A_101 = vector.load %arg3[%get3A_99, %get3A_100] : memref<32x128xf32, #tpu.memory_space<vmem>>, vector<32x128xf32>
    %dot_general3A_102 = arith.constant dense<0.000000e+00> : vector<1x128xf32>
    %dot_general3A_103 = tpu.matmul %dot_general3A_98, %get3A_101, %dot_general3A_102 {dimension_numbers = #tpu.dot_dimension_numbers<[1], [0], [0], [1], [0, 0, 1, 1], [], []>, transpose_lhs_hint = false} : vector<1x32xf32>, vector<32x128xf32>, vector<1x128xf32> -> vector<1x128xf32>
    %swap3A = arith.constant 0 : index
    %swap3A_104 = arith.constant 0 : index
    %swap3A_105 = arith.constant 0 : index
    %swap3A_106 = vector.load %arg5[%swap3A, %swap3A_104, %swap3A_105] : memref<1x1x128xf32, #tpu.memory_space<vmem>>, vector<1x1x128xf32>
    %swap3A_107 = vector.shape_cast %swap3A_106 : vector<1x1x128xf32> to vector<1x128xf32>
    %swap3A_108 = vector.shape_cast %dot_general3A_103 : vector<1x128xf32> to vector<1x1x128xf32>
    tpu.vector_store %arg5[%swap3A, %swap3A_104, %swap3A_105], %swap3A_108 {strides = array<i32>} : memref<1x1x128xf32, #tpu.memory_space<vmem>>, vector<1x1x128xf32>,
    return
  }
  func.func @transform_0(%arg0: i32) -> (i32, i32) {
    %c0_i32 = arith.constant 0 : i32
    %c0_i32_0 = arith.constant 0 : i32
    %c0_i32_1 = arith.constant 0 : i32
    return %c0_i32, %c0_i32_0 : i32, i32
  }
  func.func @transform_1(%arg0: i32) -> (i32, i32, i32) {
    %c0_i32 = arith.constant 0 : i32
    %c0_i32_0 = arith.constant 0 : i32
    %c0_i32_1 = arith.constant 0 : i32
    return %arg0, %c0_i32, %c0_i32_0 : i32, i32, i32
  }
  func.func @transform_2(%arg0: i32) -> (i32, i32) {
    %c0_i32 = arith.constant 0 : i32
    %c0_i32_0 = arith.constant 0 : i32
    %c0_i32_1 = arith.constant 0 : i32
    return %c0_i32, %c0_i32_0 : i32, i32
  }
  func.func @transform_3(%arg0: i32) -> (i32, i32) {
    %c0_i32 = arith.constant 0 : i32
    %c0_i32_0 = arith.constant 0 : i32
    %c0_i32_1 = arith.constant 0 : i32
    return %c0_i32, %c0_i32_0 : i32, i32
  }
  func.func @transform_4(%arg0: i32) -> (i32, i32, i32) {
    %c0_i32 = arith.constant 0 : i32
    %c0_i32_0 = arith.constant 0 : i32
    %c0_i32_1 = arith.constant 0 : i32
    return %arg0, %c0_i32, %c0_i32_0 : i32, i32, i32
  }
}

module attributes {stable_mosaic.version = 14 : i64} {
  func.func @body(%arg0: i32, %arg1: memref<1024x128xf32, #tpu.memory_space<vmem>>, %arg2: memref<128x32xf32, #tpu.memory_space<vmem>>, %arg3: memref<1024x32xf32, #tpu.memory_space<vmem>>) attributes {dimension_semantics = [#tpu.dimension_semantics<arbitrary>], iteration_bounds = array<i64: 10>, scalar_prefetch = 0 : i64, scratch_operands = 0 : i64, tpu.core_type = #tpu.core_type<tc>, window_params = [{transform_indices = @transform_0, window_bounds = array<i64: 1024, 128>}, {pipeline_mode = #tpu.pipeline_mode<synchronous>, transform_indices = @transform_1, window_bounds = array<i64: 128, 32>}, {transform_indices = @transform_2, window_bounds = array<i64: 1024, 32>}]} {
    %get3A = arith.constant 0 : index
    %get3A_0 = arith.constant 0 : index
    %get3A_1 = vector.load %arg1[%get3A, %get3A_0] : memref<1024x128xf32, #tpu.memory_space<vmem>>, vector<1024x128xf32>
    %get3A_2 = arith.constant 0 : index
    %get3A_3 = arith.constant 0 : index
    %get3A_4 = vector.load %arg2[%get3A_2, %get3A_3] : memref<128x32xf32, #tpu.memory_space<vmem>>, vector<128x32xf32>
    %dot_general3A = arith.constant dense<0.000000e+00> : vector<1024x32xf32>
    %dot_general3A_5 = tpu.matmul %get3A_1, %get3A_4, %dot_general3A {dimension_numbers = #tpu.dot_dimension_numbers<[1], [0], [0], [1], [0, 0, 1, 1], [], []>, transpose_lhs_hint = false} : vector<1024x128xf32>, vector<128x32xf32>, vector<1024x32xf32> -> vector<1024x32xf32>
    %mul3A = arith.constant 0.0883883461 : f32
    %mul3A_6 = vector.broadcast %mul3A : f32 to vector<1024x32xf32>
    %mul3A_7 = arith.mulf %dot_general3A_5, %mul3A_6 : vector<1024x32xf32>
    %swap3A = arith.constant 0 : index
    %swap3A_8 = arith.constant 0 : index
    %swap3A_9 = vector.load %arg3[%swap3A, %swap3A_8] : memref<1024x32xf32, #tpu.memory_space<vmem>>, vector<1024x32xf32>
    tpu.vector_store %arg3[%swap3A, %swap3A_8], %mul3A_7 {strides = array<i32>} : memref<1024x32xf32, #tpu.memory_space<vmem>>, vector<1024x32xf32>,
    return
  }
  func.func @transform_0(%arg0: i32) -> (i32, i32) {
    %c0_i32 = arith.constant 0 : i32
    %c0_i32_0 = arith.constant 0 : i32
    return %arg0, %c0_i32 : i32, i32
  }
  func.func @transform_1(%arg0: i32) -> (i32, i32) {
    %c0_i32 = arith.constant 0 : i32
    %c0_i32_0 = arith.constant 0 : i32
    %c0_i32_1 = arith.constant 0 : i32
    return %c0_i32, %c0_i32_0 : i32, i32
  }
  func.func @transform_2(%arg0: i32) -> (i32, i32) {
    %c0_i32 = arith.constant 0 : i32
    %c0_i32_0 = arith.constant 0 : i32
    return %arg0, %c0_i32 : i32, i32
  }
}

module attributes {stable_mosaic.version = 14 : i64} {
  func.func @body(%arg0: memref<256x128xf32, #tpu.memory_space<vmem>>, %arg1: memref<256x128xf32, #tpu.memory_space<vmem>>, %arg2: memref<128x128xf32, #tpu.memory_space<vmem>>, %arg3: memref<1x128xf32, #tpu.memory_space<vmem>>, %arg4: memref<256x1024xf32, #tpu.memory_space<vmem>>, %arg5: memref<1x1024xf32, #tpu.memory_space<vmem>>, %arg6: memref<1024x256xf32, #tpu.memory_space<vmem>>, %arg7: memref<1x256xf32, #tpu.memory_space<vmem>>, %arg8: memref<256x128xf32, #tpu.memory_space<vmem>>, %arg9: memref<1x128xf32, #tpu.memory_space<vmem>>, %arg10: memref<256x128xf32, #tpu.memory_space<vmem>>) attributes {dimension_semantics = [], scalar_prefetch = 0 : i64, scratch_operands = 0 : i64, tpu.core_type = #tpu.core_type<tc>} {
    %get3A = arith.constant 0 : index
    %get3A_0 = arith.constant 0 : index
    %get3A_1 = vector.load %arg0[%get3A, %get3A_0] : memref<256x128xf32, #tpu.memory_space<vmem>>, vector<256x128xf32>
    %get3A_2 = arith.constant 0 : index
    %get3A_3 = arith.constant 0 : index
    %get3A_4 = vector.load %arg2[%get3A_2, %get3A_3] : memref<128x128xf32, #tpu.memory_space<vmem>>, vector<128x128xf32>
    %dot_general3A = arith.constant dense<0.000000e+00> : vector<256x128xf32>
    %dot_general3A_5 = tpu.matmul %get3A_1, %get3A_4, %dot_general3A {dimension_numbers = #tpu.dot_dimension_numbers<[1], [0], [0], [1], [0, 0, 1, 1], [], []>, transpose_lhs_hint = false} : vector<256x128xf32>, vector<128x128xf32>, vector<256x128xf32> -> vector<256x128xf32>
    %get3A_6 = arith.constant 0 : index
    %get3A_7 = arith.constant 0 : index
    %get3A_8 = vector.load %arg3[%get3A_6, %get3A_7] : memref<1x128xf32, #tpu.memory_space<vmem>>, vector<1x128xf32>
    %add3A = vector.broadcast %get3A_8 : vector<1x128xf32> to vector<256x128xf32>
    %add3A_9 = arith.addf %dot_general3A_5, %add3A : vector<256x128xf32>
    %max3A = arith.constant 0.000000e+00 : f32
    %max3A_10 = vector.broadcast %max3A : f32 to vector<256x128xf32>
    %max3A_11 = arith.maximumf %add3A_9, %max3A_10 : vector<256x128xf32>
    %get3A_12 = arith.constant 0 : index
    %get3A_13 = arith.constant 0 : index
    %get3A_14 = vector.load %arg1[%get3A_12, %get3A_13] : memref<256x128xf32, #tpu.memory_space<vmem>>, vector<256x128xf32>
    %concatenate3A = tpu.concatenate %max3A_11, %get3A_14 in 1 : vector<256x128xf32>, vector<256x128xf32> -> vector<256x256xf32>
    %get3A_15 = arith.constant 0 : index
    %get3A_16 = arith.constant 0 : index
    %get3A_17 = vector.load %arg4[%get3A_15, %get3A_16] : memref<256x1024xf32, #tpu.memory_space<vmem>>, vector<256x1024xf32>
    %dot_general3A_18 = arith.constant dense<0.000000e+00> : vector<256x1024xf32>
    %dot_general3A_19 = tpu.matmul %concatenate3A, %get3A_17, %dot_general3A_18 {dimension_numbers = #tpu.dot_dimension_numbers<[1], [0], [0], [1], [0, 0, 1, 1], [], []>, transpose_lhs_hint = false} : vector<256x256xf32>, vector<256x1024xf32>, vector<256x1024xf32> -> vector<256x1024xf32>
    %get3A_20 = arith.constant 0 : index
    %get3A_21 = arith.constant 0 : index
    %get3A_22 = vector.load %arg5[%get3A_20, %get3A_21] : memref<1x1024xf32, #tpu.memory_space<vmem>>, vector<1x1024xf32>
    %add3A_23 = vector.broadcast %get3A_22 : vector<1x1024xf32> to vector<256x1024xf32>
    %add3A_24 = arith.addf %dot_general3A_19, %add3A_23 : vector<256x1024xf32>
    %max3A_25 = arith.constant 0.000000e+00 : f32
    %max3A_26 = vector.broadcast %max3A_25 : f32 to vector<256x1024xf32>
    %max3A_27 = arith.maximumf %add3A_24, %max3A_26 : vector<256x1024xf32>
    %get3A_28 = arith.constant 0 : index
    %get3A_29 = arith.constant 0 : index
    %get3A_30 = vector.load %arg6[%get3A_28, %get3A_29] : memref<1024x256xf32, #tpu.memory_space<vmem>>, vector<1024x256xf32>
    %dot_general3A_31 = arith.constant dense<0.000000e+00> : vector<256x256xf32>
    %dot_general3A_32 = tpu.matmul %max3A_27, %get3A_30, %dot_general3A_31 {dimension_numbers = #tpu.dot_dimension_numbers<[1], [0], [0], [1], [0, 0, 1, 1], [], []>, transpose_lhs_hint = false} : vector<256x1024xf32>, vector<1024x256xf32>, vector<256x256xf32> -> vector<256x256xf32>
    %get3A_33 = arith.constant 0 : index
    %get3A_34 = arith.constant 0 : index
    %get3A_35 = vector.load %arg7[%get3A_33, %get3A_34] : memref<1x256xf32, #tpu.memory_space<vmem>>, vector<1x256xf32>
    %add3A_36 = vector.broadcast %get3A_35 : vector<1x256xf32> to vector<256x256xf32>
    %add3A_37 = arith.addf %dot_general3A_32, %add3A_36 : vector<256x256xf32>
    %max3A_38 = arith.constant 0.000000e+00 : f32
    %max3A_39 = vector.broadcast %max3A_38 : f32 to vector<256x256xf32>
    %max3A_40 = arith.maximumf %add3A_37, %max3A_39 : vector<256x256xf32>
    %get3A_41 = arith.constant 0 : index
    %get3A_42 = arith.constant 0 : index
    %get3A_43 = vector.load %arg8[%get3A_41, %get3A_42] : memref<256x128xf32, #tpu.memory_space<vmem>>, vector<256x128xf32>
    %dot_general3A_44 = arith.constant dense<0.000000e+00> : vector<256x128xf32>
    %dot_general3A_45 = tpu.matmul %max3A_40, %get3A_43, %dot_general3A_44 {dimension_numbers = #tpu.dot_dimension_numbers<[1], [0], [0], [1], [0, 0, 1, 1], [], []>, transpose_lhs_hint = false} : vector<256x256xf32>, vector<256x128xf32>, vector<256x128xf32> -> vector<256x128xf32>
    %get3A_46 = arith.constant 0 : index
    %get3A_47 = arith.constant 0 : index
    %get3A_48 = vector.load %arg9[%get3A_46, %get3A_47] : memref<1x128xf32, #tpu.memory_space<vmem>>, vector<1x128xf32>
    %add3A_49 = vector.broadcast %get3A_48 : vector<1x128xf32> to vector<256x128xf32>
    %add3A_50 = arith.addf %dot_general3A_45, %add3A_49 : vector<256x128xf32>
    %swap3A = arith.constant 0 : index
    %swap3A_51 = arith.constant 0 : index
    %swap3A_52 = vector.load %arg10[%swap3A, %swap3A_51] : memref<256x128xf32, #tpu.memory_space<vmem>>, vector<256x128xf32>
    tpu.vector_store %arg10[%swap3A, %swap3A_51], %add3A_50 {strides = array<i32>} : memref<256x128xf32, #tpu.memory_space<vmem>>, vector<256x128xf32>,
    return
  }
}

</mosaic_0001>

<sc_bundles>
// kernel: kernel.15.cloned.1.call-start
scs
__scs_entry_jumppad:
0x0: {  	(pc) =	sbr.rel $0x88, $3  }
0x1: {  	(tag) =	ssettag $0x0;
	lr =	simm.s32 $0x1  }
0x2: {  	[smem:$0x3F80] =	sst lr;
	_ =	strace $0xD0000000  }
0x3: {  	_ = 	snop  }
0x4: {  	_ = 	snop  }
0x5: {  	_ = 	snop  }
0x6: {  	_ = 	snop  }
0x7: {  	_ = 	snop  }
__scs_overlays_trampoline_lowered:
0x8: {  	[smem:$0x3F8F] =	sst s0  }
0x9: {  	[smem:$0x3F90] =	sst s1  }
0xa: {  	[smem:$0x3F91] =	sst s2  }
0xb: {  	[smem:$0x3F92] =	sst s3  }
0xc: {  	[smem:$0x3F93] =	sst s4  }
0xd: {  	[smem:$0x3F94] =	sst s5  }
0xe: {  	[smem:$0x3F95] =	sst s6  }
0xf: {  	[smem:$0x3F96] =	sst s7  }
0x10: {  	[smem:$0x3F97] =	sst s8  }
0x11: {  	[smem:$0x3F98] =	sst s9;
	s0 =	simm.s32 @!p0 $0x0  }
0x12: {  	s1 =	sld [smem:$0x3F7E];
	s0 =	simm.s32 @p0 $0x1  }
0x13: {  	[smem:$0x3F99] =	sst s0;
	s0 =	simm.s32 @!p1 $0x0  }
0x14: {  	s2 =	sld [smem:$0x3F7D];
	s0 =	simm.s32 @p1 $0x1  }
0x15: {  	[smem:$0x3F9A] =	sst s0;
	s0 =	simm.s32 @!p2 $0x0  }
0x16: {  	s3 =	sld [smem:$0x3FDB];
	s0 =	simm.s32 @p2 $0x1  }
0x17: {  	s4 =	simm.s32 $0x1BF5;
	[smem:$0x3F9C] =	sst s0  }
0x18: {  	s0 =	sld [smem:$0x3F7F];
	_ =	swait.ge [sflag:s4], $0x0  }
0x19: {  	s7 =	sld [smem:$0x3F80]  }
0x1a: {  	s8 =	sadd.s32 $0xFFFFE003, lr  }
0x1b: {  	s9 =	sadd.s32 $0xFFFFFEF7, lr;
	s5 =	simm.s32 $0xFFFFFFFF;
	p2 =	slt.u32 s8, $0xFFFFF086  }
0x1c: {  	p1 =	slt.u32 s9, $0xF7A;
	s5 =	simm.s32 @!p2 $0x0  }
0x1d: {  	s5 =	simm.s32 @p1 $0x1;
	p0 =	seq.s32 s7, s2  }
0x1e: {  	s7 =	smul.u32 @!p0 $0xF7A, s2;
	p2 =	seq.s32 @!p0 s5, $0x0  }
0x1f: {  	s9 =	smul.u32 $0xF7A, s1;
	s8 =	simm.s32 @!p0 $0x1BF5;
	p2 =	por !p2, p0  }
0x20: {  	[sflag:s8] =	ssyncset.s32 @!p0 $0xFFFFF086;
	s6 =	sadd.s32 @!p0 s3, s7;
	s7 =	simm.s32 @!p0 $0x108  }
0x21: {  	s3 =	sadd.s32 s3, s9;
	s6 =	sadd.s32 @!p0 $0x88, s6;
	s7 =	simm.s32 @p2 $0x1082  }
0x22: {  	[simem:s7], [sflag:s8] =	dma.local @!p0 [hbm:s6], $0xF7A  }
0x23: {  	s9 =	sor.u32 $0xD0000000, s2;
	s6 =	simm.s32 $0x108;
	_ =	swait.ge @!p0 [sflag:s8], $0x0  }
0x24: {  	s3 =	sadd.s32 $0x88, s3;
	s6 =	simm.s32 @!p1 $0x1082;
	[sflag:s4] =	ssyncset.s32 $0xFFFFF086  }
0x25: {  	[simem:s6], [sflag:s4] =	dma.local [hbm:s3], $0xF7A  }
0x26: {  	[smem:$0x3F80] =	sst s1;
	(tag) =	ssettag s2;
	_ =	strace s9  }
0x27: {  	s1 =	sld [smem:$0x3F90]  }
0x28: {  	s2 =	sld [smem:$0x3F91]  }
0x29: {  	s4 =	sld [smem:$0x3F93]  }
0x2a: {  	p0 =	seq.s32 s5, $0x0;
	s5 =	sld [smem:$0x3F94]  }
0x2b: {  	s6 =	sld [smem:$0x3F95]  }
0x2c: {  	s7 =	sld [smem:$0x3F96]  }
0x2d: {  	s3 =	simm.s32 $0x108;
	s8 =	sld [smem:$0x3F97]  }
0x2e: {  	s3 =	simm.s32 @!p0 $0x1082;
	s9 =	sld [smem:$0x3F98]  }
0x2f: {  	lr =	sadd.s32 s0, s3;
	s0 =	sld [smem:$0x3F8F]  }
0x30: {  	s3 =	sld [smem:$0x3F92]  }
0x31: {  	[smem:$0x3F9B] =	sst s10  }
0x32: {  	s10 =	sld [smem:$0x3F99];
	_ =	sdelay $0x3  }
0x33: {  	p0 =	seq.s32 s10, $0x1;
	s10 =	sld [smem:$0x3F9B];
	_ =	sdelay $0x3  }
0x34: {  	[smem:$0x3F9B] =	sst s10  }
0x35: {  	s10 =	sld [smem:$0x3F9A];
	_ =	sdelay $0x3  }
0x36: {  	p1 =	seq.s32 s10, $0x1;
	s10 =	sld [smem:$0x3F9B];
	_ =	sdelay $0x3  }
0x37: {  	[smem:$0x3F9B] =	sst s10  }
0x38: {  	s10 =	sld [smem:$0x3F9C]  }
0x39: {  	_ = 	snop;
	(pc) =	sbr.ind lr, $3  }
0x3a: {  	_ = 	snop  }
0x3b: {  	_ = 	snop  }
0x3c: {  	p2 =	seq.s32 s10, $0x1;
	s10 =	sld [smem:$0x3F9B]  }
0x3d: {  	_ =	shalt  }
0x3e: {  	_ =	shalt  }
0x3f: {  	_ =	shalt  }
0x40: {  	_ =	shalt  }
0x41: {  	_ =	shalt  }
0x42: {  	_ =	shalt  }
0x43: {  	_ =	shalt  }
0x44: {  	_ =	shalt  }
0x45: {  	_ =	shalt  }
0x46: {  	_ =	shalt  }
0x47: {  	_ =	shalt  }
0x48: {  	_ =	shalt  }
0x49: {  	_ =	shalt  }
0x4a: {  	_ =	shalt  }
0x4b: {  	_ =	shalt  }
0x4c: {  	_ =	shalt  }
0x4d: {  	_ =	shalt  }
0x4e: {  	_ =	shalt  }
0x4f: {  	_ =	shalt  }
0x50: {  	_ =	shalt  }
0x51: {  	_ =	shalt  }
0x52: {  	_ =	shalt  }
0x53: {  	_ =	shalt  }
0x54: {  	_ =	shalt  }
0x55: {  	_ =	shalt  }
0x56: {  	_ =	shalt  }
0x57: {  	_ =	shalt  }
0x58: {  	_ =	shalt  }
0x59: {  	_ =	shalt  }
0x5a: {  	_ =	shalt  }
0x5b: {  	_ =	shalt  }
0x5c: {  	_ =	shalt  }
0x5d: {  	_ =	shalt  }
0x5e: {  	_ =	shalt  }
0x5f: {  	_ =	shalt  }
0x60: {  	_ =	shalt  }
0x61: {  	_ =	shalt  }
0x62: {  	_ =	shalt  }
0x63: {  	_ =	shalt  }
0x64: {  	_ =	shalt  }
0x65: {  	_ =	shalt  }
0x66: {  	_ =	shalt  }
0x67: {  	_ =	shalt  }
0x68: {  	_ =	shalt  }
0x69: {  	_ =	shalt  }
0x6a: {  	_ =	shalt  }
0x6b: {  	_ =	shalt  }
0x6c: {  	_ =	shalt  }
0x6d: {  	_ =	shalt  }
0x6e: {  	_ =	shalt  }
0x6f: {  	_ =	shalt  }
0x70: {  	_ =	shalt  }
0x71: {  	_ =	shalt  }
0x72: {  	_ =	shalt  }
0x73: {  	_ =	shalt  }
0x74: {  	_ =	shalt  }
0x75: {  	_ =	shalt  }
0x76: {  	_ =	shalt  }
0x77: {  	_ =	shalt  }
0x78: {  	_ =	shalt  }
0x79: {  	_ =	shalt  }
0x7a: {  	_ =	shalt  }
0x7b: {  	_ =	shalt  }
0x7c: {  	_ =	shalt  }
0x7d: {  	_ =	shalt  }
0x7e: {  	_ =	shalt  }
0x7f: {  	_ =	shalt  }
0x80: {  	_ =	shalt  }
0x81: {  	_ =	shalt  }
0x82: {  	_ =	shalt  }
0x83: {  	_ =	shalt  }
0x84: {  	_ =	shalt  }
0x85: {  	_ =	shalt  }
0x86: {  	_ =	shalt  }
0x87: {  	_ =	shalt  }
.Lfunc_end0:
.L_simem_size_0:
called_computation_lowered:
.L_overlay_start_0:
0x88: {  	s2 =	sld [smem:$0x3FD9]  }
0x89: {  	s3 =	sld [smem:$0x3FFE];
	_ =	sdelay $0x1  }
0x8a: {  	s1 =	srdreg.scid  }
0x8b: {  	s0 =	sand.u32 $0x1, s1  }
0x8c: {  	s16 =	sshll.u32 s0, $0xA;
	s2 =	sadd.s32 s3, s2  }
0x8d: {  	s2 =	sadd.s32 s2, s16  }
0x8e: {  	[smem:$0x3FA7] =	sst s2  }
0x8f: {  	_ = 	snop  }
0x90: {  	(tm) =	ssettm $0x1  }
0x91: {  	s17 =	sld [smem:$0x3FFB];
	_ =	sdelay $0x3  }
0x92: {  	_ =	strace s17  }
0x93: {  	s2 =	sld [smem:$0x3FFC];
	_ =	sdelay $0x3  }
0x94: {  	_ =	strace s2  }
0x95: {  	s2 =	sld [smem:$0x3FFD];
	_ =	sdelay $0x3  }
0x96: {  	_ =	strace s2  }
0x97: {  	_ =	strace $0x8FFFFFFF  }
0x98: {  	s18 =	sld [smem:$0x3FDB];
	_ =	sdelay $0x1  }
0x99: {  	s19 =	simm.s32 $_scs_section_size  }
0x9a: {  	s4 =	simm.s32 $_size__tile_overlayer_lowered;
	s5 =	simm.s32 $_tile_overlayer_lowered  }
0x9b: {  	s22 =	simm.s32 $0x1BFF;
	s21 =	sshll.u32 s5, $0x1;
	s2 =	sadd.s32 s19, s18  }
0x9c: {  	s6 =	simm.s32 $0x0;
	s20 =	sshll.u32 s4, $0x1;
	s4 =	sadd.s32 s21, s2  }
0x9d: {  	[timem:s6], [sflag:s22] =	dma.local [hbm:s4], s20  }
0x9e: {  	_ =	swait.ge [sflag:s22], s20  }
0x9f: {  	s3 =	ssub.s32 $0x0, s20;
	[sflag:s22] =	ssyncset.done $0x0  }
0xa0: {  	[sflag:s22] =	ssyncadd.s32 s3;
	_ =	sdelay $0x1  }
0xa1: {  	s23 =	simm.s32 $0x1B8B  }
0xa2: {  	_ =	swait.ge [sflag:s23], $0x1  }
0xa3: {  	[sflag:s23] =	ssyncset.done $0x0  }
0xa4: {  	s25 =	simm.s32 $0x1B8E;
	s24 =	sld [smem:$0x3FFE];
	[sflag:s23] =	ssyncadd.s32 $0xFFFFFFFF  }
0xa5: {  	s26 =	simm.s32 $execute0_lowered;
	[smem:$0x3FD2] =	sst s25  }
0xa6: {  	s4 =	sshll.u32 s26, $0x1;
	_ =	strace $0x80000046;
	[dreg:$0x1] =	wrdreg $0xFFFFFFFF  }
0xa7: {  	s28 =	simm.s32 $_size_execute0_lowered;
	s2 =	sadd.s32 s2, s4;
	[dreg:$0x0] =	wrdreg $0x0  }
0xa8: {  	s4 =	sshll.u32 s28, $0x1;
	[dreg:$0x2] =	wrdreg s2  }
0xa9: {  	[dreg:$0x3] =	wrdreg s4  }
0xaa: {  	[dreg:$0x4] =	wrdreg $0xC0  }
0xab: {  	_ =	task [dreg:s6], $0x5FFFF  }
0xac: {  	[dreg:$0x1] =	wrdreg $0xFFFFFFFF  }
0xad: {  	[dreg:$0x0] =	wrdreg $0x60  }
0xae: {  	[dreg:$0x2] =	wrdreg s24  }
0xaf: {  	[dreg:$0x3] =	wrdreg $0xA0000  }
0xb0: {  	[dreg:$0x4] =	wrdreg $0x9  }
0xb1: {  	_ =	task.clear_ibuf [dreg:s6], $0x5FFFF;
	_ =	strace $0x90000046  }
0xb2: {  	s29 =	simm.s32 $0x9;
	_ =	strace $0x80000048  }
0xb3: {  	_ =	swait.ge [sflag:s29], $0x1  }
0xb4: {  	[sflag:s29] =	ssyncadd.s32 $0xFFFFFFFF  }
0xb5: {  	_ =	strace $0x90000048  }
0xb6: {  	_ =	sfence  }
0xb7: {  	s30 =	sld [smem:$0x0];
	_ =	sdelay $0x2  }
0xb8: {  	s31 =	sshll.u32 s1, $0xD;
	s1 =	sshrl.u32 s1, $0x2  }
0xb9: {  	s3 =	sand.u32 $0x4000, s31;
	s1 =	sadd.s32 s1, s30  }
0xba: {  	s0 =	sor.u32 s3, s0;
	s1 =	sshll.u32 s1, $0x11  }
0xbb: {  	s0 =	sor.u32 s1, s0  }
0xbc: {  	s0 =	sadd.s32 $0x8F2B, s0  }
0xbd: {  	[sflag:s0] =	ssyncadd.remote.s32 $0x1  }
0xbe: {  	_ =	sfence.sel $0xFFFF  }
0xbf: {  	[dreg:$0x0] =	wrdreg $0xFFFFFFFF;
	(pc) =	sbr.abs _section_cstart, $3  }
0xc0: {  	[dreg:$0x1] =	wrdreg $0xFFFFFFFF  }
0xc1: {  	_ =	task.clear_ibuf [dreg:s6], $0x2FFFF;
	_ =	strace $0x9FFFFFFF  }
0xc2: {  	(tm) =	ssettm $0x7FFFFFFF  }
0xc3: {  	_ =	shalt  }
tec
execute0_lowered:
.L_overlay_start_1:
0x0: {  	(tag) =	ssettag $0x1  }
0x1: {  	s0 =	rddreg [dreg:$0x0]  }
0x2: {  	s2 =	rddreg [dreg:$0x1];
	s3 =	simm.s32 $0x0  }
0x3: {  	s13 =	stileid.u32;
	s1 =	srdreg.scid;
	s14 =	simm.s32 $0x1000  }
0x4: {  	s15 =	simm.s32 $0x40;
	s16 =	simm.s32 $0x2000;
	s17 =	simm.s32 $0x80  }
0x5: {  	s18 =	simm.s32 $0x4000;
	s19 =	simm.s32 $0x100;
	s20 =	simm.s32 $0x6000  }
0x6: {  	s21 =	simm.s32 $0x180;
	s22 =	simm.s32 $0x8000;
	s23 =	simm.s32 $0x1  }
0x7: {  	s28 =	simm.s32 $0x1E00;
	s29 =	simm.s32 $0x1E80;
	s30 =	simm.s32 $0x1F00  }
0x8: {  	s31 =	simm.s32 $0x1F80;
	[smem:$0x7FF] =	sst s3;
	s7 =	smul.u32 $0x2800, s13  }
0x9: {  	s1 =	sand.u32 $0x1, s1;
	s4 =	sadd.s32 $0x2E600, s0;
	s5 =	sadd.s32 $0x6600, s0  }
0xa: {  	s6 =	sadd.s32 $0x1A600, s0;
	s10 =	smul.u32 $0x50000, s13;
	s26 =	sshll.u32 s13, $0x6  }
0xb: {  	_ =	strace $0x80000047;
	s8 =	smul.u32 $0x28000, s1;
	s9 =	ssub.s32 $0x2, s1  }
0xc: {  	s1 =	sshll.u32 s1, $0x4;
	s24 =	sshrl.u32 s9, $0x1;
	s25 =	sshrl.u32 s10, $0x2  }
0xd: {  	s1 =	sor.u32 s13, s1;
	s13 =	simm.s32 $0x5;
	s8 =	sadd.s32 s7, s8  }
0xe: {  	s7 =	sadd.s32 s7, s0;
	s11 =	ssub.s32 s9, s24;
	s12 =	sadd.s32 s25, s2  }
0xf: {  	s9 =	smul.u32 $0x5000, s1;
	s24 =	simm.s32 $0x2;
	s25 =	simm.s32 $0x3  }
0x10: {  	s0 =	sadd.s32 s8, s0;
	s7 =	sadd.s32 $0x56600, s7;
	s8 =	sor.u32 $0x1C05, s26  }
0x11: {  	s11 =	smax.u32 s11, $0x1;
	[dreg:$0x3] =	wrdreg s7;
	s0 =	sadd.s32 $0x7E600, s0  }
0x12: {  	s12 =	sshrl.u32 s12, $0x3;
	s26 =	simm.s32 $0x4;
	[dreg:$0x4] =	wrdreg s0  }
.LBB2_1:
0x13: {  	s0 =	rddreg [dreg:$0x3]  }
0x14: {  	[spmem:s12], [sflag:s8] =	dma.local [hbm:s0], $0x2800  }
0x15: {  	_ =	swait.ge [sflag:s13], $0x2800  }
0x16: {  	[sflag:s13] =	ssyncset.done $0x0  }
0x17: {  	[sflag:s13] =	ssyncadd.s32 $0xFFFFD800  }
0x18: {  	s0 =	simm.s32 $0x0;
	[bflag:$0x0] =	sbarrier.arrive $0xFFFF  }
.LBB2_2:
0x19: {  	s1 =	sshll.u32 s0, $0xC  }
0x1a: {  	s1 =	sadd.s32 s9, s1  }
0x1b: {  	s1 =	sshrl.u32 s1, $0x3  }
0x1c: {  	s10 =	simm.s32 $0x0;
	s7 =	sadd.s32 s5, s1  }
0x1d: {  	[tilespmem:s10], [sflag:$0x5] =	stream.linear.gather [hbm4b:s7+s10], $0x1000, $0x38;
	[tilespmem:$0x1E000] =	vst v63  }
0x1e: {  	_ =	swait.ge [sflag:s13], $0x1000  }
0x1f: {  	[sflag:s13] =	ssyncset.done $0x0  }
0x20: {  	s1 =	sadd.s32 s6, s1;
	[sflag:s13] =	ssyncadd.s32 $0xFFFFF000  }
0x21: {  	[tilespmem:s14], [sflag:$0x5] =	stream.linear.gather [hbm4b:s1+s10], $0x1000, $0x38;
	[tilespmem:$0x1E000] =	vst v63  }
0x22: {  	_ =	swait.ge [sflag:s13], $0x1000  }
0x23: {  	[sflag:s13] =	ssyncset.done $0x0  }
0x24: {  	[sflag:s13] =	ssyncadd.s32 $0xFFFFF000  }
0x25: {  	[tilespmem:s16], [sflag:$0x1] =	stream.indirect.gather [hbm4b:s4+s15], $0x80, s10, s15, $0xb8;
	[tilespmem:$0x1E000] =	vst v63  }
0x26: {  	_ = 	snop  }
0x27: {  	[tilespmem:s18], [sflag:$0x2] =	stream.indirect.gather [hbm4b:s4+s15], $0x80, s17, s15, $0xb8;
	[tilespmem:$0x1E000] =	vst v63  }
0x28: {  	_ = 	snop  }
0x29: {  	[tilespmem:s20], [sflag:$0x3] =	stream.indirect.gather [hbm4b:s4+s15], $0x80, s19, s15, $0xb8;
	[tilespmem:$0x1E000] =	vst v63  }
0x2a: {  	_ = 	snop  }
0x2b: {  	[tilespmem:s22], [sflag:$0x4] =	stream.indirect.gather [hbm4b:s4+s15], $0x80, s21, s15, $0xb8;
	[tilespmem:$0x1E000] =	vst v63  }
0x2c: {  	_ =	swait.ge [sflag:s23], $0x2000  }
0x2d: {  	[sflag:s23] =	ssyncset.done $0x0  }
0x2e: {  	s10 =	simm.s32 $0x1000;
	[sflag:s23] =	ssyncadd.s32 $0xFFFFE000  }
0x2f: {  	[spmem:s2] =	stream.indirect.scatter.add.f32 [tilespmem:s16], [sflag:$0x5], $0x80, s10, s15, $0xb8;
	[tilespmem:$0x1E000] =	vst v63  }
0x30: {  	_ =	swait.ge [sflag:s13], $0x2000  }
0x31: {  	[sflag:s13] =	ssyncset.done $0x0  }
0x32: {  	s7 =	simm.s32 $0x200;
	[sflag:s13] =	ssyncadd.s32 $0xFFFFE000  }
0x33: {  	[tilespmem:s16], [sflag:$0x1] =	stream.indirect.gather [hbm4b:s4+s15], $0x80, s7, s15, $0xb8;
	[tilespmem:$0x1E000] =	vst v63  }
0x34: {  	_ =	swait.ge [sflag:s24], $0x2000  }
0x35: {  	[sflag:s24] =	ssyncset.done $0x0  }
0x36: {  	s10 =	simm.s32 $0x1080;
	[sflag:s24] =	ssyncadd.s32 $0xFFFFE000  }
0x37: {  	[spmem:s2] =	stream.indirect.scatter.add.f32 [tilespmem:s18], [sflag:$0x5], $0x80, s10, s15, $0xb8;
	[tilespmem:$0x1E000] =	vst v63  }
0x38: {  	_ =	swait.ge [sflag:s13], $0x2000  }
0x39: {  	[sflag:s13] =	ssyncset.done $0x0  }
0x3a: {  	s7 =	simm.s32 $0x280;
	[sflag:s13] =	ssyncadd.s32 $0xFFFFE000  }
0x3b: {  	[tilespmem:s18], [sflag:$0x2] =	stream.indirect.gather [hbm4b:s4+s15], $0x80, s7, s15, $0xb8;
	[tilespmem:$0x1E000] =	vst v63  }
0x3c: {  	_ =	swait.ge [sflag:s25], $0x2000  }
0x3d: {  	[sflag:s25] =	ssyncset.done $0x0  }
0x3e: {  	s10 =	simm.s32 $0x1100;
	[sflag:s25] =	ssyncadd.s32 $0xFFFFE000  }
0x3f: {  	[spmem:s2] =	stream.indirect.scatter.add.f32 [tilespmem:s20], [sflag:$0x5], $0x80, s10, s15, $0xb8;
	[tilespmem:$0x1E000] =	vst v63  }
0x40: {  	_ =	swait.ge [sflag:s13], $0x2000  }
0x41: {  	[sflag:s13] =	ssyncset.done $0x0  }
0x42: {  	s7 =	simm.s32 $0x300;
	[sflag:s13] =	ssyncadd.s32 $0xFFFFE000  }
0x43: {  	[tilespmem:s20], [sflag:$0x3] =	stream.indirect.gather [hbm4b:s4+s15], $0x80, s7, s15, $0xb8;
	[tilespmem:$0x1E000] =	vst v63  }
0x44: {  	_ =	swait.ge [sflag:s26], $0x2000  }
0x45: {  	[sflag:s26] =	ssyncset.done $0x0  }
0x46: {  	s10 =	simm.s32 $0x1180;
	[sflag:s26] =	ssyncadd.s32 $0xFFFFE000  }
0x47: {  	[spmem:s2] =	stream.indirect.scatter.add.f32 [tilespmem:s22], [sflag:$0x5], $0x80, s10, s15, $0xb8;
	[tilespmem:$0x1E000] =	vst v63  }
0x48: {  	_ =	swait.ge [sflag:s13], $0x2000  }
0x49: {  	[sflag:s13] =	ssyncset.done $0x0  }
0x4a: {  	s1 =	simm.s32 $0x800;
	s7 =	simm.s32 $0x380;
	[sflag:s13] =	ssyncadd.s32 $0xFFFFE000  }
.LBB2_3:
0x4b: {  	[tilespmem:s22], [sflag:$0x4] =	stream.indirect.gather [hbm4b:s4+s15], $0x80, s7, s15, $0xb8;
	[tilespmem:$0x1E000] =	vst v63  }
0x4c: {  	s7 =	smov.u32 s1  }
0x4d: {  	p0 =	sne.s32 s1, $0x3000;
	s1 =	sadd.s32 $0x800, s1;
	_ =	swait.ge [sflag:s23], $0x2000  }
0x4e: {  	s7 =	sshra.s32 s7, $0x2;
	[sflag:s23] =	ssyncset.done $0x0  }
0x4f: {  	s10 =	sadd.s32 $0x1000, s7;
	[sflag:s23] =	ssyncadd.s32 $0xFFFFE000  }
0x50: {  	[spmem:s2] =	stream.indirect.scatter.add.f32 [tilespmem:s16], [sflag:$0x5], $0x80, s10, s15, $0xb8;
	[tilespmem:$0x1E000] =	vst v63  }
0x51: {  	_ =	swait.ge [sflag:s13], $0x2000  }
0x52: {  	[sflag:s13] =	ssyncset.done $0x0  }
0x53: {  	s10 =	sadd.s32 $0x200, s7;
	[sflag:s13] =	ssyncadd.s32 $0xFFFFE000  }
0x54: {  	[tilespmem:s16], [sflag:$0x1] =	stream.indirect.gather [hbm4b:s4+s15], $0x80, s10, s15, $0xb8;
	[tilespmem:$0x1E000] =	vst v63  }
0x55: {  	_ =	swait.ge [sflag:s24], $0x2000  }
0x56: {  	[sflag:s24] =	ssyncset.done $0x0  }
0x57: {  	s10 =	sadd.s32 $0x1080, s7;
	[sflag:s24] =	ssyncadd.s32 $0xFFFFE000  }
0x58: {  	[spmem:s2] =	stream.indirect.scatter.add.f32 [tilespmem:s18], [sflag:$0x5], $0x80, s10, s15, $0xb8;
	[tilespmem:$0x1E000] =	vst v63  }
0x59: {  	_ =	swait.ge [sflag:s13], $0x2000  }
0x5a: {  	[sflag:s13] =	ssyncset.done $0x0  }
0x5b: {  	s10 =	sadd.s32 $0x280, s7;
	[sflag:s13] =	ssyncadd.s32 $0xFFFFE000  }
0x5c: {  	[tilespmem:s18], [sflag:$0x2] =	stream.indirect.gather [hbm4b:s4+s15], $0x80, s10, s15, $0xb8;
	[tilespmem:$0x1E000] =	vst v63  }
0x5d: {  	_ =	swait.ge [sflag:s25], $0x2000  }
0x5e: {  	[sflag:s25] =	ssyncset.done $0x0  }
0x5f: {  	s10 =	sadd.s32 $0x1100, s7;
	[sflag:s25] =	ssyncadd.s32 $0xFFFFE000  }
0x60: {  	[spmem:s2] =	stream.indirect.scatter.add.f32 [tilespmem:s20], [sflag:$0x5], $0x80, s10, s15, $0xb8;
	[tilespmem:$0x1E000] =	vst v63  }
0x61: {  	_ =	swait.ge [sflag:s13], $0x2000  }
0x62: {  	[sflag:s13] =	ssyncset.done $0x0  }
0x63: {  	s10 =	sadd.s32 $0x300, s7;
	[sflag:s13] =	ssyncadd.s32 $0xFFFFE000  }
0x64: {  	[tilespmem:s20], [sflag:$0x3] =	stream.indirect.gather [hbm4b:s4+s15], $0x80, s10, s15, $0xb8;
	[tilespmem:$0x1E000] =	vst v63  }
0x65: {  	_ =	swait.ge [sflag:s26], $0x2000  }
0x66: {  	[sflag:s26] =	ssyncset.done $0x0  }
.Ltmp0:
0x67: {  	s10 =	sadd.s32 $0x1180, s7;
	[sflag:s26] =	ssyncadd.s32 $0xFFFFE000;
	(pc) =	sbr.rel @p0 .LBB2_3-.Ltmp0, $4  }
0x68: {  	[spmem:s2] =	stream.indirect.scatter.add.f32 [tilespmem:s22], [sflag:$0x5], $0x80, s10, s15, $0xb8;
	[tilespmem:$0x1E000] =	vst v63  }
0x69: {  	_ =	swait.ge [sflag:s13], $0x2000  }
0x6a: {  	[sflag:s13] =	ssyncset.done $0x0  }
0x6b: {  	s7 =	sadd.s32 $0x380, s7;
	[sflag:s13] =	ssyncadd.s32 $0xFFFFE000  }
0x6c: {  	[tilespmem:s22], [sflag:$0x4] =	stream.indirect.gather [hbm4b:s4+s15], $0x80, s7, s15, $0xb8;
	[tilespmem:$0x1E000] =	vst v63  }
0x6d: {  	_ =	swait.ge [sflag:s23], $0x2000  }
0x6e: {  	[sflag:s23] =	ssyncset.done $0x0  }
0x6f: {  	[sflag:s23] =	ssyncadd.s32 $0xFFFFE000  }
0x70: {  	[spmem:s2] =	stream.indirect.scatter.add.f32 [tilespmem:s16], [sflag:$0x5], $0x80, s28, s15, $0xb8;
	[tilespmem:$0x1E000] =	vst v63  }
0x71: {  	_ =	swait.ge [sflag:s13], $0x2000  }
0x72: {  	[sflag:s13] =	ssyncset.done $0x0  }
0x73: {  	[sflag:s13] =	ssyncadd.s32 $0xFFFFE000  }
0x74: {  	_ =	swait.ge [sflag:s24], $0x2000  }
0x75: {  	[sflag:s24] =	ssyncset.done $0x0  }
0x76: {  	[sflag:s24] =	ssyncadd.s32 $0xFFFFE000  }
0x77: {  	[spmem:s2] =	stream.indirect.scatter.add.f32 [tilespmem:s18], [sflag:$0x5], $0x80, s29, s15, $0xb8;
	[tilespmem:$0x1E000] =	vst v63  }
0x78: {  	_ =	swait.ge [sflag:s13], $0x2000  }
0x79: {  	[sflag:s13] =	ssyncset.done $0x0  }
0x7a: {  	[sflag:s13] =	ssyncadd.s32 $0xFFFFE000  }
0x7b: {  	_ =	swait.ge [sflag:s25], $0x2000  }
0x7c: {  	[sflag:s25] =	ssyncset.done $0x0  }
0x7d: {  	[sflag:s25] =	ssyncadd.s32 $0xFFFFE000  }
0x7e: {  	[spmem:s2] =	stream.indirect.scatter.add.f32 [tilespmem:s20], [sflag:$0x5], $0x80, s30, s15, $0xb8;
	[tilespmem:$0x1E000] =	vst v63  }
0x7f: {  	_ =	swait.ge [sflag:s13], $0x2000  }
0x80: {  	[sflag:s13] =	ssyncset.done $0x0  }
0x81: {  	[sflag:s13] =	ssyncadd.s32 $0xFFFFE000  }
0x82: {  	s0 =	sadd.s32 $0x1, s0;
	_ =	swait.ge [sflag:s26], $0x2000  }
0x83: {  	p0 =	sne.s32 s0, $0x5;
	[sflag:s26] =	ssyncset.done $0x0  }
.Ltmp1:
0x84: {  	[sflag:s26] =	ssyncadd.s32 $0xFFFFE000;
	(pc) =	sbr.rel @p0 .LBB2_2-.Ltmp1, $4  }
0x85: {  	[spmem:s2] =	stream.indirect.scatter.add.f32 [tilespmem:s22], [sflag:$0x5], $0x80, s31, s15, $0xb8;
	[tilespmem:$0x1E000] =	vst v63  }
0x86: {  	_ =	swait.ge [sflag:s13], $0x2000  }
0x87: {  	[sflag:s13] =	ssyncset.done $0x0  }
0x88: {  	[sflag:s13] =	ssyncadd.s32 $0xFFFFE000  }
0x89: {  	s3 =	sadd.s32 $0x1, s3  }
0x8a: {  	[bflag:$0x0] =	sbarrier.arrive $0xFFFF;
	p0 =	sne.s32 s3, s11  }
.Ltmp2:
0x8b: {  	s0 =	rddreg [dreg:$0x4];
	(pc) =	sbr.rel @p0 .LBB2_1-.Ltmp2, $4  }
0x8c: {  	[hbm:s0], [sflag:s8] =	dma.local [spmem:s12], $0x2800  }
0x8d: {  	_ =	swait.ge [sflag:s13], $0x2800  }
0x8e: {  	[sflag:s13] =	ssyncset.done $0x0  }
0x8f: {  	[sflag:s13] =	ssyncadd.s32 $0xFFFFD800  }
0x90: {  	_ =	sfence.sel $0x180000  }
0x91: {  	[bflag:$0x0] =	sbarrier.arrive $0xFFFF  }
0x92: {  	_ =	strace $0x90000047  }
0x93: {  	s0 =	stileid.u32;
	[bflag:$0x2] =	sbarrier.arrive $0xFFFF  }
0x94: {  	p0 =	sne.s32 s0, $0x0;
	s0 =	rddreg [dreg:$0x2]  }
0x95: {  	s0 =	sadd.s32 @!p0 $0x100000, s0  }
0x96: {  	[sflag:s0] =	ssyncadd.tile.s32 @!p0 $0x1;
	_ =	shalt  }
.Lfunc_end2:
_tile_overlayer_lowered:
.L_overlay_start_2:
0x97: {  	(tag) =	ssettag $0x2  }
0x98: {  	s0 =	rddreg [dreg:$0x0];
	s2 =	stileid.u32  }
0x99: {  	s1 =	rddreg [dreg:$0x1];
	p0 =	sne.s32 s2, $0x0  }
0x9a: {  	s3 =	rddreg [dreg:$0x2];
	[bflag:$0x3] =	sbarrier.arrive $0xFFFF;
	s2 =	simm.s32 @!p0 $0x1C05  }
0x9b: {  	[timem:s3], [sflag:s2] =	dma.local @!p0 [hbm:s0], s1  }
0x9c: {  	s0 =	simm.s32 @!p0 $0x5  }
0x9d: {  	_ =	swait.ge @!p0 [sflag:s0], s1  }
0x9e: {  	s1 =	ssub.s32 @!p0 $0x0, s1;
	[sflag:s0] =	ssyncset.done @!p0 $0x0  }
0x9f: {  	[sflag:s0] =	ssyncadd.s32 @!p0 s1  }
0xa0: {  	[bflag:$0x3] =	sbarrier.arrive $0xFFFF  }
0xa1: {  	_ =	shalt  }

// kernel: kernel.18.cloned.1.call-start
scs
__scs_entry_jumppad:
0x0: {  	(pc) =	sbr.rel $0x88, $3  }
0x1: {  	(tag) =	ssettag $0x0;
	lr =	simm.s32 $0x1  }
0x2: {  	[smem:$0x3F80] =	sst lr;
	_ =	strace $0xD0000000  }
0x3: {  	_ = 	snop  }
0x4: {  	_ = 	snop  }
0x5: {  	_ = 	snop  }
0x6: {  	_ = 	snop  }
0x7: {  	_ = 	snop  }
__scs_overlays_trampoline_lowered:
0x8: {  	[smem:$0x3F8F] =	sst s0  }
0x9: {  	[smem:$0x3F90] =	sst s1  }
0xa: {  	[smem:$0x3F91] =	sst s2  }
0xb: {  	[smem:$0x3F92] =	sst s3  }
0xc: {  	[smem:$0x3F93] =	sst s4  }
0xd: {  	[smem:$0x3F94] =	sst s5  }
0xe: {  	[smem:$0x3F95] =	sst s6  }
0xf: {  	[smem:$0x3F96] =	sst s7  }
0x10: {  	[smem:$0x3F97] =	sst s8  }
0x11: {  	[smem:$0x3F98] =	sst s9;
	s0 =	simm.s32 @!p0 $0x0  }
0x12: {  	s1 =	sld [smem:$0x3F7E];
	s0 =	simm.s32 @p0 $0x1  }
0x13: {  	[smem:$0x3F99] =	sst s0;
	s0 =	simm.s32 @!p1 $0x0  }
0x14: {  	s2 =	sld [smem:$0x3F7D];
	s0 =	simm.s32 @p1 $0x1  }
0x15: {  	[smem:$0x3F9A] =	sst s0;
	s0 =	simm.s32 @!p2 $0x0  }
0x16: {  	s3 =	sld [smem:$0x3FDB];
	s0 =	simm.s32 @p2 $0x1  }
0x17: {  	s4 =	simm.s32 $0x1BF5;
	[smem:$0x3F9C] =	sst s0  }
0x18: {  	s0 =	sld [smem:$0x3F7F];
	_ =	swait.ge [sflag:s4], $0x0  }
0x19: {  	s7 =	sld [smem:$0x3F80]  }
0x1a: {  	s8 =	sadd.s32 $0xFFFFE003, lr  }
0x1b: {  	s9 =	sadd.s32 $0xFFFFFEF7, lr;
	s5 =	simm.s32 $0xFFFFFFFF;
	p2 =	slt.u32 s8, $0xFFFFF086  }
0x1c: {  	p1 =	slt.u32 s9, $0xF7A;
	s5 =	simm.s32 @!p2 $0x0  }
0x1d: {  	s5 =	simm.s32 @p1 $0x1;
	p0 =	seq.s32 s7, s2  }
0x1e: {  	s7 =	smul.u32 @!p0 $0xF7A, s2;
	p2 =	seq.s32 @!p0 s5, $0x0  }
0x1f: {  	s9 =	smul.u32 $0xF7A, s1;
	s8 =	simm.s32 @!p0 $0x1BF5;
	p2 =	por !p2, p0  }
0x20: {  	[sflag:s8] =	ssyncset.s32 @!p0 $0xFFFFF086;
	s6 =	sadd.s32 @!p0 s3, s7;
	s7 =	simm.s32 @!p0 $0x108  }
0x21: {  	s3 =	sadd.s32 s3, s9;
	s6 =	sadd.s32 @!p0 $0x88, s6;
	s7 =	simm.s32 @p2 $0x1082  }
0x22: {  	[simem:s7], [sflag:s8] =	dma.local @!p0 [hbm:s6], $0xF7A  }
0x23: {  	s9 =	sor.u32 $0xD0000000, s2;
	s6 =	simm.s32 $0x108;
	_ =	swait.ge @!p0 [sflag:s8], $0x0  }
0x24: {  	s3 =	sadd.s32 $0x88, s3;
	s6 =	simm.s32 @!p1 $0x1082;
	[sflag:s4] =	ssyncset.s32 $0xFFFFF086  }
0x25: {  	[simem:s6], [sflag:s4] =	dma.local [hbm:s3], $0xF7A  }
0x26: {  	[smem:$0x3F80] =	sst s1;
	(tag) =	ssettag s2;
	_ =	strace s9  }
0x27: {  	s1 =	sld [smem:$0x3F90]  }
0x28: {  	s2 =	sld [smem:$0x3F91]  }
0x29: {  	s4 =	sld [smem:$0x3F93]  }
0x2a: {  	p0 =	seq.s32 s5, $0x0;
	s5 =	sld [smem:$0x3F94]  }
0x2b: {  	s6 =	sld [smem:$0x3F95]  }
0x2c: {  	s7 =	sld [smem:$0x3F96]  }
0x2d: {  	s3 =	simm.s32 $0x108;
	s8 =	sld [smem:$0x3F97]  }
0x2e: {  	s3 =	simm.s32 @!p0 $0x1082;
	s9 =	sld [smem:$0x3F98]  }
0x2f: {  	lr =	sadd.s32 s0, s3;
	s0 =	sld [smem:$0x3F8F]  }
0x30: {  	s3 =	sld [smem:$0x3F92]  }
0x31: {  	[smem:$0x3F9B] =	sst s10  }
0x32: {  	s10 =	sld [smem:$0x3F99];
	_ =	sdelay $0x3  }
0x33: {  	p0 =	seq.s32 s10, $0x1;
	s10 =	sld [smem:$0x3F9B];
	_ =	sdelay $0x3  }
0x34: {  	[smem:$0x3F9B] =	sst s10  }
0x35: {  	s10 =	sld [smem:$0x3F9A];
	_ =	sdelay $0x3  }
0x36: {  	p1 =	seq.s32 s10, $0x1;
	s10 =	sld [smem:$0x3F9B];
	_ =	sdelay $0x3  }
0x37: {  	[smem:$0x3F9B] =	sst s10  }
0x38: {  	s10 =	sld [smem:$0x3F9C]  }
0x39: {  	_ = 	snop;
	(pc) =	sbr.ind lr, $3  }
0x3a: {  	_ = 	snop  }
0x3b: {  	_ = 	snop  }
0x3c: {  	p2 =	seq.s32 s10, $0x1;
	s10 =	sld [smem:$0x3F9B]  }
0x3d: {  	_ =	shalt  }
0x3e: {  	_ =	shalt  }
0x3f: {  	_ =	shalt  }
0x40: {  	_ =	shalt  }
0x41: {  	_ =	shalt  }
0x42: {  	_ =	shalt  }
0x43: {  	_ =	shalt  }
0x44: {  	_ =	shalt  }
0x45: {  	_ =	shalt  }
0x46: {  	_ =	shalt  }
0x47: {  	_ =	shalt  }
0x48: {  	_ =	shalt  }
0x49: {  	_ =	shalt  }
0x4a: {  	_ =	shalt  }
0x4b: {  	_ =	shalt  }
0x4c: {  	_ =	shalt  }
0x4d: {  	_ =	shalt  }
0x4e: {  	_ =	shalt  }
0x4f: {  	_ =	shalt  }
0x50: {  	_ =	shalt  }
0x51: {  	_ =	shalt  }
0x52: {  	_ =	shalt  }
0x53: {  	_ =	shalt  }
0x54: {  	_ =	shalt  }
0x55: {  	_ =	shalt  }
0x56: {  	_ =	shalt  }
0x57: {  	_ =	shalt  }
0x58: {  	_ =	shalt  }
0x59: {  	_ =	shalt  }
0x5a: {  	_ =	shalt  }
0x5b: {  	_ =	shalt  }
0x5c: {  	_ =	shalt  }
0x5d: {  	_ =	shalt  }
0x5e: {  	_ =	shalt  }
0x5f: {  	_ =	shalt  }
0x60: {  	_ =	shalt  }
0x61: {  	_ =	shalt  }
0x62: {  	_ =	shalt  }
0x63: {  	_ =	shalt  }
0x64: {  	_ =	shalt  }
0x65: {  	_ =	shalt  }
0x66: {  	_ =	shalt  }
0x67: {  	_ =	shalt  }
0x68: {  	_ =	shalt  }
0x69: {  	_ =	shalt  }
0x6a: {  	_ =	shalt  }
0x6b: {  	_ =	shalt  }
0x6c: {  	_ =	shalt  }
0x6d: {  	_ =	shalt  }
0x6e: {  	_ =	shalt  }
0x6f: {  	_ =	shalt  }
0x70: {  	_ =	shalt  }
0x71: {  	_ =	shalt  }
0x72: {  	_ =	shalt  }
0x73: {  	_ =	shalt  }
0x74: {  	_ =	shalt  }
0x75: {  	_ =	shalt  }
0x76: {  	_ =	shalt  }
0x77: {  	_ =	shalt  }
0x78: {  	_ =	shalt  }
0x79: {  	_ =	shalt  }
0x7a: {  	_ =	shalt  }
0x7b: {  	_ =	shalt  }
0x7c: {  	_ =	shalt  }
0x7d: {  	_ =	shalt  }
0x7e: {  	_ =	shalt  }
0x7f: {  	_ =	shalt  }
0x80: {  	_ =	shalt  }
0x81: {  	_ =	shalt  }
0x82: {  	_ =	shalt  }
0x83: {  	_ =	shalt  }
0x84: {  	_ =	shalt  }
0x85: {  	_ =	shalt  }
0x86: {  	_ =	shalt  }
0x87: {  	_ =	shalt  }
.Lfunc_end0:
.L_simem_size_0:
called_computation.1_lowered:
.L_overlay_start_0:
0x88: {  	s2 =	sld [smem:$0x3FD9]  }
0x89: {  	s3 =	sld [smem:$0x3FFE];
	_ =	sdelay $0x1  }
0x8a: {  	s1 =	srdreg.scid  }
0x8b: {  	s0 =	sand.u32 $0x1, s1  }
0x8c: {  	s16 =	sshll.u32 s0, $0xA;
	s2 =	sadd.s32 s3, s2  }
0x8d: {  	s2 =	sadd.s32 s2, s16  }
0x8e: {  	[smem:$0x3FA7] =	sst s2  }
0x8f: {  	_ = 	snop  }
0x90: {  	(tm) =	ssettm $0x1  }
0x91: {  	s17 =	sld [smem:$0x3FFB];
	_ =	sdelay $0x3  }
0x92: {  	_ =	strace s17  }
0x93: {  	s2 =	sld [smem:$0x3FFC];
	_ =	sdelay $0x3  }
0x94: {  	_ =	strace s2  }
0x95: {  	s2 =	sld [smem:$0x3FFD];
	_ =	sdelay $0x3  }
0x96: {  	_ =	strace s2  }
0x97: {  	_ =	strace $0x8FFFFFFF  }
0x98: {  	s18 =	sld [smem:$0x3FDB];
	_ =	sdelay $0x1  }
0x99: {  	s19 =	simm.s32 $_scs_section_size  }
0x9a: {  	s4 =	simm.s32 $_size__tile_overlayer_lowered;
	s5 =	simm.s32 $_tile_overlayer_lowered  }
0x9b: {  	s22 =	simm.s32 $0x1BFF;
	s21 =	sshll.u32 s5, $0x1;
	s2 =	sadd.s32 s19, s18  }
0x9c: {  	s6 =	simm.s32 $0x0;
	s20 =	sshll.u32 s4, $0x1;
	s4 =	sadd.s32 s21, s2  }
0x9d: {  	[timem:s6], [sflag:s22] =	dma.local [hbm:s4], s20  }
0x9e: {  	_ =	swait.ge [sflag:s22], s20  }
0x9f: {  	s3 =	ssub.s32 $0x0, s20;
	[sflag:s22] =	ssyncset.done $0x0  }
0xa0: {  	[sflag:s22] =	ssyncadd.s32 s3;
	_ =	sdelay $0x1  }
0xa1: {  	s23 =	simm.s32 $0x1B8B  }
0xa2: {  	_ =	swait.ge [sflag:s23], $0x1  }
0xa3: {  	[sflag:s23] =	ssyncset.done $0x0  }
0xa4: {  	s25 =	simm.s32 $0x1B8E;
	s24 =	sld [smem:$0x3FFE];
	[sflag:s23] =	ssyncadd.s32 $0xFFFFFFFF  }
0xa5: {  	s26 =	simm.s32 $execute0_lowered;
	[smem:$0x3FD2] =	sst s25  }
0xa6: {  	s4 =	sshll.u32 s26, $0x1;
	_ =	strace $0x80000049;
	[dreg:$0x1] =	wrdreg $0xFFFFFFFF  }
0xa7: {  	s28 =	simm.s32 $_size_execute0_lowered;
	s2 =	sadd.s32 s2, s4;
	[dreg:$0x0] =	wrdreg $0x0  }
0xa8: {  	s4 =	sshll.u32 s28, $0x1;
	[dreg:$0x2] =	wrdreg s2  }
0xa9: {  	[dreg:$0x3] =	wrdreg s4  }
0xaa: {  	[dreg:$0x4] =	wrdreg $0xC0  }
0xab: {  	_ =	task [dreg:s6], $0x5FFFF  }
0xac: {  	[dreg:$0x1] =	wrdreg $0xFFFFFFFF  }
0xad: {  	[dreg:$0x0] =	wrdreg $0x60  }
0xae: {  	[dreg:$0x2] =	wrdreg s24  }
0xaf: {  	[dreg:$0x3] =	wrdreg $0xA0000  }
0xb0: {  	[dreg:$0x4] =	wrdreg $0x9  }
0xb1: {  	_ =	task.clear_ibuf [dreg:s6], $0x5FFFF;
	_ =	strace $0x90000049  }
0xb2: {  	s29 =	simm.s32 $0x9;
	_ =	strace $0x8000004B  }
0xb3: {  	_ =	swait.ge [sflag:s29], $0x1  }
0xb4: {  	[sflag:s29] =	ssyncadd.s32 $0xFFFFFFFF  }
0xb5: {  	_ =	strace $0x9000004B  }
0xb6: {  	_ =	sfence  }
0xb7: {  	s30 =	sld [smem:$0x0];
	_ =	sdelay $0x2  }
0xb8: {  	s31 =	sshll.u32 s1, $0xD;
	s1 =	sshrl.u32 s1, $0x2  }
0xb9: {  	s3 =	sand.u32 $0x4000, s31;
	s1 =	sadd.s32 s1, s30  }
0xba: {  	s0 =	sor.u32 s3, s0;
	s1 =	sshll.u32 s1, $0x11  }
0xbb: {  	s0 =	sor.u32 s1, s0  }
0xbc: {  	s0 =	sadd.s32 $0x8F2B, s0  }
0xbd: {  	[sflag:s0] =	ssyncadd.remote.s32 $0x1  }
0xbe: {  	_ =	sfence.sel $0xFFFF  }
0xbf: {  	[dreg:$0x0] =	wrdreg $0xFFFFFFFF;
	(pc) =	sbr.abs _section_cstart, $3  }
0xc0: {  	[dreg:$0x1] =	wrdreg $0xFFFFFFFF  }
0xc1: {  	_ =	task.clear_ibuf [dreg:s6], $0x2FFFF;
	_ =	strace $0x9FFFFFFF  }
0xc2: {  	(tm) =	ssettm $0x7FFFFFFF  }
0xc3: {  	_ =	shalt  }
tec
execute0_lowered:
.L_overlay_start_1:
0x0: {  	(tag) =	ssettag $0x1  }
0x1: {  	s0 =	rddreg [dreg:$0x0]  }
0x2: {  	s2 =	rddreg [dreg:$0x1];
	s3 =	simm.s32 $0x0  }
0x3: {  	s13 =	stileid.u32;
	s1 =	srdreg.scid;
	s14 =	simm.s32 $0x1000  }
0x4: {  	s15 =	simm.s32 $0x40;
	s16 =	simm.s32 $0x2000;
	s17 =	simm.s32 $0x80  }
0x5: {  	s18 =	simm.s32 $0x4000;
	s19 =	simm.s32 $0x100;
	s20 =	simm.s32 $0x6000  }
0x6: {  	s21 =	simm.s32 $0x180;
	s22 =	simm.s32 $0x8000;
	s23 =	simm.s32 $0x1  }
0x7: {  	s28 =	simm.s32 $0x1E00;
	s29 =	simm.s32 $0x1E80;
	s30 =	simm.s32 $0x1F00  }
0x8: {  	s31 =	simm.s32 $0x1F80;
	[smem:$0x7FF] =	sst s3;
	s7 =	smul.u32 $0x2800, s13  }
0x9: {  	s1 =	sand.u32 $0x1, s1;
	s4 =	sadd.s32 $0x2E600, s0;
	s5 =	sadd.s32 $0x6600, s0  }
0xa: {  	s6 =	sadd.s32 $0x1A600, s0;
	s10 =	smul.u32 $0x50000, s13;
	s26 =	sshll.u32 s13, $0x6  }
0xb: {  	_ =	strace $0x8000004A;
	s8 =	smul.u32 $0x28000, s1;
	s9 =	ssub.s32 $0x2, s1  }
0xc: {  	s1 =	sshll.u32 s1, $0x4;
	s24 =	sshrl.u32 s9, $0x1;
	s25 =	sshrl.u32 s10, $0x2  }
0xd: {  	s1 =	sor.u32 s13, s1;
	s13 =	simm.s32 $0x5;
	s8 =	sadd.s32 s7, s8  }
0xe: {  	s7 =	sadd.s32 s7, s0;
	s11 =	ssub.s32 s9, s24;
	s12 =	sadd.s32 s25, s2  }
0xf: {  	s9 =	smul.u32 $0x5000, s1;
	s24 =	simm.s32 $0x2;
	s25 =	simm.s32 $0x3  }
0x10: {  	s0 =	sadd.s32 s8, s0;
	s7 =	sadd.s32 $0x56600, s7;
	s8 =	sor.u32 $0x1C05, s26  }
0x11: {  	s11 =	smax.u32 s11, $0x1;
	[dreg:$0x3] =	wrdreg s7;
	s0 =	sadd.s32 $0x7E600, s0  }
0x12: {  	s12 =	sshrl.u32 s12, $0x3;
	s26 =	simm.s32 $0x4;
	[dreg:$0x4] =	wrdreg s0  }
.LBB2_1:
0x13: {  	s0 =	rddreg [dreg:$0x3]  }
0x14: {  	[spmem:s12], [sflag:s8] =	dma.local [hbm:s0], $0x2800  }
0x15: {  	_ =	swait.ge [sflag:s13], $0x2800  }
0x16: {  	[sflag:s13] =	ssyncset.done $0x0  }
0x17: {  	[sflag:s13] =	ssyncadd.s32 $0xFFFFD800  }
0x18: {  	s0 =	simm.s32 $0x0;
	[bflag:$0x0] =	sbarrier.arrive $0xFFFF  }
.LBB2_2:
0x19: {  	s1 =	sshll.u32 s0, $0xC  }
0x1a: {  	s1 =	sadd.s32 s9, s1  }
0x1b: {  	s1 =	sshrl.u32 s1, $0x3  }
0x1c: {  	s10 =	simm.s32 $0x0;
	s7 =	sadd.s32 s5, s1  }
0x1d: {  	[tilespmem:s10], [sflag:$0x5] =	stream.linear.gather [hbm4b:s7+s10], $0x1000, $0x38;
	[tilespmem:$0x1E000] =	vst v63  }
0x1e: {  	_ =	swait.ge [sflag:s13], $0x1000  }
0x1f: {  	[sflag:s13] =	ssyncset.done $0x0  }
0x20: {  	s1 =	sadd.s32 s6, s1;
	[sflag:s13] =	ssyncadd.s32 $0xFFFFF000  }
0x21: {  	[tilespmem:s14], [sflag:$0x5] =	stream.linear.gather [hbm4b:s1+s10], $0x1000, $0x38;
	[tilespmem:$0x1E000] =	vst v63  }
0x22: {  	_ =	swait.ge [sflag:s13], $0x1000  }
0x23: {  	[sflag:s13] =	ssyncset.done $0x0  }
0x24: {  	[sflag:s13] =	ssyncadd.s32 $0xFFFFF000  }
0x25: {  	[tilespmem:s16], [sflag:$0x1] =	stream.indirect.gather [hbm4b:s4+s15], $0x80, s10, s15, $0xb8;
	[tilespmem:$0x1E000] =	vst v63  }
0x26: {  	_ = 	snop  }
0x27: {  	[tilespmem:s18], [sflag:$0x2] =	stream.indirect.gather [hbm4b:s4+s15], $0x80, s17, s15, $0xb8;
	[tilespmem:$0x1E000] =	vst v63  }
0x28: {  	_ = 	snop  }
0x29: {  	[tilespmem:s20], [sflag:$0x3] =	stream.indirect.gather [hbm4b:s4+s15], $0x80, s19, s15, $0xb8;
	[tilespmem:$0x1E000] =	vst v63  }
0x2a: {  	_ = 	snop  }
0x2b: {  	[tilespmem:s22], [sflag:$0x4] =	stream.indirect.gather [hbm4b:s4+s15], $0x80, s21, s15, $0xb8;
	[tilespmem:$0x1E000] =	vst v63  }
0x2c: {  	_ =	swait.ge [sflag:s23], $0x2000  }
0x2d: {  	[sflag:s23] =	ssyncset.done $0x0  }
0x2e: {  	s10 =	simm.s32 $0x1000;
	[sflag:s23] =	ssyncadd.s32 $0xFFFFE000  }
0x2f: {  	[spmem:s2] =	stream.indirect.scatter.add.f32 [tilespmem:s16], [sflag:$0x5], $0x80, s10, s15, $0xb8;
	[tilespmem:$0x1E000] =	vst v63  }
0x30: {  	_ =	swait.ge [sflag:s13], $0x2000  }
0x31: {  	[sflag:s13] =	ssyncset.done $0x0  }
0x32: {  	s7 =	simm.s32 $0x200;
	[sflag:s13] =	ssyncadd.s32 $0xFFFFE000  }
0x33: {  	[tilespmem:s16], [sflag:$0x1] =	stream.indirect.gather [hbm4b:s4+s15], $0x80, s7, s15, $0xb8;
	[tilespmem:$0x1E000] =	vst v63  }
0x34: {  	_ =	swait.ge [sflag:s24], $0x2000  }
0x35: {  	[sflag:s24] =	ssyncset.done $0x0  }
0x36: {  	s10 =	simm.s32 $0x1080;
	[sflag:s24] =	ssyncadd.s32 $0xFFFFE000  }
0x37: {  	[spmem:s2] =	stream.indirect.scatter.add.f32 [tilespmem:s18], [sflag:$0x5], $0x80, s10, s15, $0xb8;
	[tilespmem:$0x1E000] =	vst v63  }
0x38: {  	_ =	swait.ge [sflag:s13], $0x2000  }
0x39: {  	[sflag:s13] =	ssyncset.done $0x0  }
0x3a: {  	s7 =	simm.s32 $0x280;
	[sflag:s13] =	ssyncadd.s32 $0xFFFFE000  }
0x3b: {  	[tilespmem:s18], [sflag:$0x2] =	stream.indirect.gather [hbm4b:s4+s15], $0x80, s7, s15, $0xb8;
	[tilespmem:$0x1E000] =	vst v63  }
0x3c: {  	_ =	swait.ge [sflag:s25], $0x2000  }
0x3d: {  	[sflag:s25] =	ssyncset.done $0x0  }
0x3e: {  	s10 =	simm.s32 $0x1100;
	[sflag:s25] =	ssyncadd.s32 $0xFFFFE000  }
0x3f: {  	[spmem:s2] =	stream.indirect.scatter.add.f32 [tilespmem:s20], [sflag:$0x5], $0x80, s10, s15, $0xb8;
	[tilespmem:$0x1E000] =	vst v63  }
0x40: {  	_ =	swait.ge [sflag:s13], $0x2000  }
0x41: {  	[sflag:s13] =	ssyncset.done $0x0  }
0x42: {  	s7 =	simm.s32 $0x300;
	[sflag:s13] =	ssyncadd.s32 $0xFFFFE000  }
0x43: {  	[tilespmem:s20], [sflag:$0x3] =	stream.indirect.gather [hbm4b:s4+s15], $0x80, s7, s15, $0xb8;
	[tilespmem:$0x1E000] =	vst v63  }
0x44: {  	_ =	swait.ge [sflag:s26], $0x2000  }
0x45: {  	[sflag:s26] =	ssyncset.done $0x0  }
0x46: {  	s10 =	simm.s32 $0x1180;
	[sflag:s26] =	ssyncadd.s32 $0xFFFFE000  }
0x47: {  	[spmem:s2] =	stream.indirect.scatter.add.f32 [tilespmem:s22], [sflag:$0x5], $0x80, s10, s15, $0xb8;
	[tilespmem:$0x1E000] =	vst v63  }
0x48: {  	_ =	swait.ge [sflag:s13], $0x2000  }
0x49: {  	[sflag:s13] =	ssyncset.done $0x0  }
0x4a: {  	s1 =	simm.s32 $0x800;
	s7 =	simm.s32 $0x380;
	[sflag:s13] =	ssyncadd.s32 $0xFFFFE000  }
.LBB2_3:
0x4b: {  	[tilespmem:s22], [sflag:$0x4] =	stream.indirect.gather [hbm4b:s4+s15], $0x80, s7, s15, $0xb8;
	[tilespmem:$0x1E000] =	vst v63  }
0x4c: {  	s7 =	smov.u32 s1  }
0x4d: {  	p0 =	sne.s32 s1, $0x3000;
	s1 =	sadd.s32 $0x800, s1;
	_ =	swait.ge [sflag:s23], $0x2000  }
0x4e: {  	s7 =	sshra.s32 s7, $0x2;
	[sflag:s23] =	ssyncset.done $0x0  }
0x4f: {  	s10 =	sadd.s32 $0x1000, s7;
	[sflag:s23] =	ssyncadd.s32 $0xFFFFE000  }
0x50: {  	[spmem:s2] =	stream.indirect.scatter.add.f32 [tilespmem:s16], [sflag:$0x5], $0x80, s10, s15, $0xb8;
	[tilespmem:$0x1E000] =	vst v63  }
0x51: {  	_ =	swait.ge [sflag:s13], $0x2000  }
0x52: {  	[sflag:s13] =	ssyncset.done $0x0  }
0x53: {  	s10 =	sadd.s32 $0x200, s7;
	[sflag:s13] =	ssyncadd.s32 $0xFFFFE000  }
0x54: {  	[tilespmem:s16], [sflag:$0x1] =	stream.indirect.gather [hbm4b:s4+s15], $0x80, s10, s15, $0xb8;
	[tilespmem:$0x1E000] =	vst v63  }
0x55: {  	_ =	swait.ge [sflag:s24], $0x2000  }
0x56: {  	[sflag:s24] =	ssyncset.done $0x0  }
0x57: {  	s10 =	sadd.s32 $0x1080, s7;
	[sflag:s24] =	ssyncadd.s32 $0xFFFFE000  }
0x58: {  	[spmem:s2] =	stream.indirect.scatter.add.f32 [tilespmem:s18], [sflag:$0x5], $0x80, s10, s15, $0xb8;
	[tilespmem:$0x1E000] =	vst v63  }
0x59: {  	_ =	swait.ge [sflag:s13], $0x2000  }
0x5a: {  	[sflag:s13] =	ssyncset.done $0x0  }
0x5b: {  	s10 =	sadd.s32 $0x280, s7;
	[sflag:s13] =	ssyncadd.s32 $0xFFFFE000  }
0x5c: {  	[tilespmem:s18], [sflag:$0x2] =	stream.indirect.gather [hbm4b:s4+s15], $0x80, s10, s15, $0xb8;
	[tilespmem:$0x1E000] =	vst v63  }
0x5d: {  	_ =	swait.ge [sflag:s25], $0x2000  }
0x5e: {  	[sflag:s25] =	ssyncset.done $0x0  }
0x5f: {  	s10 =	sadd.s32 $0x1100, s7;
	[sflag:s25] =	ssyncadd.s32 $0xFFFFE000  }
0x60: {  	[spmem:s2] =	stream.indirect.scatter.add.f32 [tilespmem:s20], [sflag:$0x5], $0x80, s10, s15, $0xb8;
	[tilespmem:$0x1E000] =	vst v63  }
0x61: {  	_ =	swait.ge [sflag:s13], $0x2000  }
0x62: {  	[sflag:s13] =	ssyncset.done $0x0  }
0x63: {  	s10 =	sadd.s32 $0x300, s7;
	[sflag:s13] =	ssyncadd.s32 $0xFFFFE000  }
0x64: {  	[tilespmem:s20], [sflag:$0x3] =	stream.indirect.gather [hbm4b:s4+s15], $0x80, s10, s15, $0xb8;
	[tilespmem:$0x1E000] =	vst v63  }
0x65: {  	_ =	swait.ge [sflag:s26], $0x2000  }
0x66: {  	[sflag:s26] =	ssyncset.done $0x0  }
.Ltmp0:
0x67: {  	s10 =	sadd.s32 $0x1180, s7;
	[sflag:s26] =	ssyncadd.s32 $0xFFFFE000;
	(pc) =	sbr.rel @p0 .LBB2_3-.Ltmp0, $4  }
0x68: {  	[spmem:s2] =	stream.indirect.scatter.add.f32 [tilespmem:s22], [sflag:$0x5], $0x80, s10, s15, $0xb8;
	[tilespmem:$0x1E000] =	vst v63  }
0x69: {  	_ =	swait.ge [sflag:s13], $0x2000  }
0x6a: {  	[sflag:s13] =	ssyncset.done $0x0  }
0x6b: {  	s7 =	sadd.s32 $0x380, s7;
	[sflag:s13] =	ssyncadd.s32 $0xFFFFE000  }
0x6c: {  	[tilespmem:s22], [sflag:$0x4] =	stream.indirect.gather [hbm4b:s4+s15], $0x80, s7, s15, $0xb8;
	[tilespmem:$0x1E000] =	vst v63  }
0x6d: {  	_ =	swait.ge [sflag:s23], $0x2000  }
0x6e: {  	[sflag:s23] =	ssyncset.done $0x0  }
0x6f: {  	[sflag:s23] =	ssyncadd.s32 $0xFFFFE000  }
0x70: {  	[spmem:s2] =	stream.indirect.scatter.add.f32 [tilespmem:s16], [sflag:$0x5], $0x80, s28, s15, $0xb8;
	[tilespmem:$0x1E000] =	vst v63  }
0x71: {  	_ =	swait.ge [sflag:s13], $0x2000  }
0x72: {  	[sflag:s13] =	ssyncset.done $0x0  }
0x73: {  	[sflag:s13] =	ssyncadd.s32 $0xFFFFE000  }
0x74: {  	_ =	swait.ge [sflag:s24], $0x2000  }
0x75: {  	[sflag:s24] =	ssyncset.done $0x0  }
0x76: {  	[sflag:s24] =	ssyncadd.s32 $0xFFFFE000  }
0x77: {  	[spmem:s2] =	stream.indirect.scatter.add.f32 [tilespmem:s18], [sflag:$0x5], $0x80, s29, s15, $0xb8;
	[tilespmem:$0x1E000] =	vst v63  }
0x78: {  	_ =	swait.ge [sflag:s13], $0x2000  }
0x79: {  	[sflag:s13] =	ssyncset.done $0x0  }
0x7a: {  	[sflag:s13] =	ssyncadd.s32 $0xFFFFE000  }
0x7b: {  	_ =	swait.ge [sflag:s25], $0x2000  }
0x7c: {  	[sflag:s25] =	ssyncset.done $0x0  }
0x7d: {  	[sflag:s25] =	ssyncadd.s32 $0xFFFFE000  }
0x7e: {  	[spmem:s2] =	stream.indirect.scatter.add.f32 [tilespmem:s20], [sflag:$0x5], $0x80, s30, s15, $0xb8;
	[tilespmem:$0x1E000] =	vst v63  }
0x7f: {  	_ =	swait.ge [sflag:s13], $0x2000  }
0x80: {  	[sflag:s13] =	ssyncset.done $0x0  }
0x81: {  	[sflag:s13] =	ssyncadd.s32 $0xFFFFE000  }
0x82: {  	s0 =	sadd.s32 $0x1, s0;
	_ =	swait.ge [sflag:s26], $0x2000  }
0x83: {  	p0 =	sne.s32 s0, $0x5;
	[sflag:s26] =	ssyncset.done $0x0  }
.Ltmp1:
0x84: {  	[sflag:s26] =	ssyncadd.s32 $0xFFFFE000;
	(pc) =	sbr.rel @p0 .LBB2_2-.Ltmp1, $4  }
0x85: {  	[spmem:s2] =	stream.indirect.scatter.add.f32 [tilespmem:s22], [sflag:$0x5], $0x80, s31, s15, $0xb8;
	[tilespmem:$0x1E000] =	vst v63  }
0x86: {  	_ =	swait.ge [sflag:s13], $0x2000  }
0x87: {  	[sflag:s13] =	ssyncset.done $0x0  }
0x88: {  	[sflag:s13] =	ssyncadd.s32 $0xFFFFE000  }
0x89: {  	s3 =	sadd.s32 $0x1, s3  }
0x8a: {  	[bflag:$0x0] =	sbarrier.arrive $0xFFFF;
	p0 =	sne.s32 s3, s11  }
.Ltmp2:
0x8b: {  	s0 =	rddreg [dreg:$0x4];
	(pc) =	sbr.rel @p0 .LBB2_1-.Ltmp2, $4  }
0x8c: {  	[hbm:s0], [sflag:s8] =	dma.local [spmem:s12], $0x2800  }
0x8d: {  	_ =	swait.ge [sflag:s13], $0x2800  }
0x8e: {  	[sflag:s13] =	ssyncset.done $0x0  }
0x8f: {  	[sflag:s13] =	ssyncadd.s32 $0xFFFFD800  }
0x90: {  	_ =	sfence.sel $0x180000  }
0x91: {  	[bflag:$0x0] =	sbarrier.arrive $0xFFFF  }
0x92: {  	_ =	strace $0x9000004A  }
0x93: {  	s0 =	stileid.u32;
	[bflag:$0x2] =	sbarrier.arrive $0xFFFF  }
0x94: {  	p0 =	sne.s32 s0, $0x0;
	s0 =	rddreg [dreg:$0x2]  }
0x95: {  	s0 =	sadd.s32 @!p0 $0x100000, s0  }
0x96: {  	[sflag:s0] =	ssyncadd.tile.s32 @!p0 $0x1;
	_ =	shalt  }
.Lfunc_end2:
_tile_overlayer_lowered:
.L_overlay_start_2:
0x97: {  	(tag) =	ssettag $0x2  }
0x98: {  	s0 =	rddreg [dreg:$0x0];
	s2 =	stileid.u32  }
0x99: {  	s1 =	rddreg [dreg:$0x1];
	p0 =	sne.s32 s2, $0x0  }
0x9a: {  	s3 =	rddreg [dreg:$0x2];
	[bflag:$0x3] =	sbarrier.arrive $0xFFFF;
	s2 =	simm.s32 @!p0 $0x1C05  }
0x9b: {  	[timem:s3], [sflag:s2] =	dma.local @!p0 [hbm:s0], s1  }
0x9c: {  	s0 =	simm.s32 @!p0 $0x5  }
0x9d: {  	_ =	swait.ge @!p0 [sflag:s0], s1  }
0x9e: {  	s1 =	ssub.s32 @!p0 $0x0, s1;
	[sflag:s0] =	ssyncset.done @!p0 $0x0  }
0x9f: {  	[sflag:s0] =	ssyncadd.s32 @!p0 s1  }
0xa0: {  	[bflag:$0x3] =	sbarrier.arrive $0xFFFF  }
0xa1: {  	_ =	shalt  }

// kernel: kernel.21.cloned.1.call-start
scs
__scs_entry_jumppad:
0x0: {  	(pc) =	sbr.rel $0x88, $3  }
0x1: {  	(tag) =	ssettag $0x0;
	lr =	simm.s32 $0x1  }
0x2: {  	[smem:$0x3F80] =	sst lr;
	_ =	strace $0xD0000000  }
0x3: {  	_ = 	snop  }
0x4: {  	_ = 	snop  }
0x5: {  	_ = 	snop  }
0x6: {  	_ = 	snop  }
0x7: {  	_ = 	snop  }
__scs_overlays_trampoline_lowered:
0x8: {  	[smem:$0x3F8F] =	sst s0  }
0x9: {  	[smem:$0x3F90] =	sst s1  }
0xa: {  	[smem:$0x3F91] =	sst s2  }
0xb: {  	[smem:$0x3F92] =	sst s3  }
0xc: {  	[smem:$0x3F93] =	sst s4  }
0xd: {  	[smem:$0x3F94] =	sst s5  }
0xe: {  	[smem:$0x3F95] =	sst s6  }
0xf: {  	[smem:$0x3F96] =	sst s7  }
0x10: {  	[smem:$0x3F97] =	sst s8  }
0x11: {  	[smem:$0x3F98] =	sst s9;
	s0 =	simm.s32 @!p0 $0x0  }
0x12: {  	s1 =	sld [smem:$0x3F7E];
	s0 =	simm.s32 @p0 $0x1  }
0x13: {  	[smem:$0x3F99] =	sst s0;
	s0 =	simm.s32 @!p1 $0x0  }
0x14: {  	s2 =	sld [smem:$0x3F7D];
	s0 =	simm.s32 @p1 $0x1  }
0x15: {  	[smem:$0x3F9A] =	sst s0;
	s0 =	simm.s32 @!p2 $0x0  }
0x16: {  	s3 =	sld [smem:$0x3FDB];
	s0 =	simm.s32 @p2 $0x1  }
0x17: {  	s4 =	simm.s32 $0x1BF5;
	[smem:$0x3F9C] =	sst s0  }
0x18: {  	s0 =	sld [smem:$0x3F7F];
	_ =	swait.ge [sflag:s4], $0x0  }
0x19: {  	s7 =	sld [smem:$0x3F80]  }
0x1a: {  	s8 =	sadd.s32 $0xFFFFE003, lr  }
0x1b: {  	s9 =	sadd.s32 $0xFFFFFEF7, lr;
	s5 =	simm.s32 $0xFFFFFFFF;
	p2 =	slt.u32 s8, $0xFFFFF086  }
0x1c: {  	p1 =	slt.u32 s9, $0xF7A;
	s5 =	simm.s32 @!p2 $0x0  }
0x1d: {  	s5 =	simm.s32 @p1 $0x1;
	p0 =	seq.s32 s7, s2  }
0x1e: {  	s7 =	smul.u32 @!p0 $0xF7A, s2;
	p2 =	seq.s32 @!p0 s5, $0x0  }
0x1f: {  	s9 =	smul.u32 $0xF7A, s1;
	s8 =	simm.s32 @!p0 $0x1BF5;
	p2 =	por !p2, p0  }
0x20: {  	[sflag:s8] =	ssyncset.s32 @!p0 $0xFFFFF086;
	s6 =	sadd.s32 @!p0 s3, s7;
	s7 =	simm.s32 @!p0 $0x108  }
0x21: {  	s3 =	sadd.s32 s3, s9;
	s6 =	sadd.s32 @!p0 $0x88, s6;
	s7 =	simm.s32 @p2 $0x1082  }
0x22: {  	[simem:s7], [sflag:s8] =	dma.local @!p0 [hbm:s6], $0xF7A  }
0x23: {  	s9 =	sor.u32 $0xD0000000, s2;
	s6 =	simm.s32 $0x108;
	_ =	swait.ge @!p0 [sflag:s8], $0x0  }
0x24: {  	s3 =	sadd.s32 $0x88, s3;
	s6 =	simm.s32 @!p1 $0x1082;
	[sflag:s4] =	ssyncset.s32 $0xFFFFF086  }
0x25: {  	[simem:s6], [sflag:s4] =	dma.local [hbm:s3], $0xF7A  }
0x26: {  	[smem:$0x3F80] =	sst s1;
	(tag) =	ssettag s2;
	_ =	strace s9  }
0x27: {  	s1 =	sld [smem:$0x3F90]  }
0x28: {  	s2 =	sld [smem:$0x3F91]  }
0x29: {  	s4 =	sld [smem:$0x3F93]  }
0x2a: {  	p0 =	seq.s32 s5, $0x0;
	s5 =	sld [smem:$0x3F94]  }
0x2b: {  	s6 =	sld [smem:$0x3F95]  }
0x2c: {  	s7 =	sld [smem:$0x3F96]  }
0x2d: {  	s3 =	simm.s32 $0x108;
	s8 =	sld [smem:$0x3F97]  }
0x2e: {  	s3 =	simm.s32 @!p0 $0x1082;
	s9 =	sld [smem:$0x3F98]  }
0x2f: {  	lr =	sadd.s32 s0, s3;
	s0 =	sld [smem:$0x3F8F]  }
0x30: {  	s3 =	sld [smem:$0x3F92]  }
0x31: {  	[smem:$0x3F9B] =	sst s10  }
0x32: {  	s10 =	sld [smem:$0x3F99];
	_ =	sdelay $0x3  }
0x33: {  	p0 =	seq.s32 s10, $0x1;
	s10 =	sld [smem:$0x3F9B];
	_ =	sdelay $0x3  }
0x34: {  	[smem:$0x3F9B] =	sst s10  }
0x35: {  	s10 =	sld [smem:$0x3F9A];
	_ =	sdelay $0x3  }
0x36: {  	p1 =	seq.s32 s10, $0x1;
	s10 =	sld [smem:$0x3F9B];
	_ =	sdelay $0x3  }
0x37: {  	[smem:$0x3F9B] =	sst s10  }
0x38: {  	s10 =	sld [smem:$0x3F9C]  }
0x39: {  	_ = 	snop;
	(pc) =	sbr.ind lr, $3  }
0x3a: {  	_ = 	snop  }
0x3b: {  	_ = 	snop  }
0x3c: {  	p2 =	seq.s32 s10, $0x1;
	s10 =	sld [smem:$0x3F9B]  }
0x3d: {  	_ =	shalt  }
0x3e: {  	_ =	shalt  }
0x3f: {  	_ =	shalt  }
0x40: {  	_ =	shalt  }
0x41: {  	_ =	shalt  }
0x42: {  	_ =	shalt  }
0x43: {  	_ =	shalt  }
0x44: {  	_ =	shalt  }
0x45: {  	_ =	shalt  }
0x46: {  	_ =	shalt  }
0x47: {  	_ =	shalt  }
0x48: {  	_ =	shalt  }
0x49: {  	_ =	shalt  }
0x4a: {  	_ =	shalt  }
0x4b: {  	_ =	shalt  }
0x4c: {  	_ =	shalt  }
0x4d: {  	_ =	shalt  }
0x4e: {  	_ =	shalt  }
0x4f: {  	_ =	shalt  }
0x50: {  	_ =	shalt  }
0x51: {  	_ =	shalt  }
0x52: {  	_ =	shalt  }
0x53: {  	_ =	shalt  }
0x54: {  	_ =	shalt  }
0x55: {  	_ =	shalt  }
0x56: {  	_ =	shalt  }
0x57: {  	_ =	shalt  }
0x58: {  	_ =	shalt  }
0x59: {  	_ =	shalt  }
0x5a: {  	_ =	shalt  }
0x5b: {  	_ =	shalt  }
0x5c: {  	_ =	shalt  }
0x5d: {  	_ =	shalt  }
0x5e: {  	_ =	shalt  }
0x5f: {  	_ =	shalt  }
0x60: {  	_ =	shalt  }
0x61: {  	_ =	shalt  }
0x62: {  	_ =	shalt  }
0x63: {  	_ =	shalt  }
0x64: {  	_ =	shalt  }
0x65: {  	_ =	shalt  }
0x66: {  	_ =	shalt  }
0x67: {  	_ =	shalt  }
0x68: {  	_ =	shalt  }
0x69: {  	_ =	shalt  }
0x6a: {  	_ =	shalt  }
0x6b: {  	_ =	shalt  }
0x6c: {  	_ =	shalt  }
0x6d: {  	_ =	shalt  }
0x6e: {  	_ =	shalt  }
0x6f: {  	_ =	shalt  }
0x70: {  	_ =	shalt  }
0x71: {  	_ =	shalt  }
0x72: {  	_ =	shalt  }
0x73: {  	_ =	shalt  }
0x74: {  	_ =	shalt  }
0x75: {  	_ =	shalt  }
0x76: {  	_ =	shalt  }
0x77: {  	_ =	shalt  }
0x78: {  	_ =	shalt  }
0x79: {  	_ =	shalt  }
0x7a: {  	_ =	shalt  }
0x7b: {  	_ =	shalt  }
0x7c: {  	_ =	shalt  }
0x7d: {  	_ =	shalt  }
0x7e: {  	_ =	shalt  }
0x7f: {  	_ =	shalt  }
0x80: {  	_ =	shalt  }
0x81: {  	_ =	shalt  }
0x82: {  	_ =	shalt  }
0x83: {  	_ =	shalt  }
0x84: {  	_ =	shalt  }
0x85: {  	_ =	shalt  }
0x86: {  	_ =	shalt  }
0x87: {  	_ =	shalt  }
.Lfunc_end0:
.L_simem_size_0:
called_computation.2_lowered:
.L_overlay_start_0:
0x88: {  	s2 =	sld [smem:$0x3FD9]  }
0x89: {  	s3 =	sld [smem:$0x3FFE];
	_ =	sdelay $0x1  }
0x8a: {  	s1 =	srdreg.scid  }
0x8b: {  	s0 =	sand.u32 $0x1, s1  }
0x8c: {  	s16 =	sshll.u32 s0, $0xA;
	s2 =	sadd.s32 s3, s2  }
0x8d: {  	s2 =	sadd.s32 s2, s16  }
0x8e: {  	[smem:$0x3FA7] =	sst s2  }
0x8f: {  	_ = 	snop  }
0x90: {  	(tm) =	ssettm $0x1  }
0x91: {  	s17 =	sld [smem:$0x3FFB];
	_ =	sdelay $0x3  }
0x92: {  	_ =	strace s17  }
0x93: {  	s2 =	sld [smem:$0x3FFC];
	_ =	sdelay $0x3  }
0x94: {  	_ =	strace s2  }
0x95: {  	s2 =	sld [smem:$0x3FFD];
	_ =	sdelay $0x3  }
0x96: {  	_ =	strace s2  }
0x97: {  	_ =	strace $0x8FFFFFFF  }
0x98: {  	s18 =	sld [smem:$0x3FDB];
	_ =	sdelay $0x1  }
0x99: {  	s19 =	simm.s32 $_scs_section_size  }
0x9a: {  	s4 =	simm.s32 $_size__tile_overlayer_lowered;
	s5 =	simm.s32 $_tile_overlayer_lowered  }
0x9b: {  	s22 =	simm.s32 $0x1BFF;
	s21 =	sshll.u32 s5, $0x1;
	s2 =	sadd.s32 s19, s18  }
0x9c: {  	s6 =	simm.s32 $0x0;
	s20 =	sshll.u32 s4, $0x1;
	s4 =	sadd.s32 s21, s2  }
0x9d: {  	[timem:s6], [sflag:s22] =	dma.local [hbm:s4], s20  }
0x9e: {  	_ =	swait.ge [sflag:s22], s20  }
0x9f: {  	s3 =	ssub.s32 $0x0, s20;
	[sflag:s22] =	ssyncset.done $0x0  }
0xa0: {  	[sflag:s22] =	ssyncadd.s32 s3;
	_ =	sdelay $0x1  }
0xa1: {  	s23 =	simm.s32 $0x1B8B  }
0xa2: {  	_ =	swait.ge [sflag:s23], $0x1  }
0xa3: {  	[sflag:s23] =	ssyncset.done $0x0  }
0xa4: {  	s25 =	simm.s32 $0x1B8E;
	s24 =	sld [smem:$0x3FFE];
	[sflag:s23] =	ssyncadd.s32 $0xFFFFFFFF  }
0xa5: {  	s26 =	simm.s32 $execute0_lowered;
	[smem:$0x3FD2] =	sst s25  }
0xa6: {  	s4 =	sshll.u32 s26, $0x1;
	_ =	strace $0x8000004C;
	[dreg:$0x1] =	wrdreg $0xFFFFFFFF  }
0xa7: {  	s28 =	simm.s32 $_size_execute0_lowered;
	s2 =	sadd.s32 s2, s4;
	[dreg:$0x0] =	wrdreg $0x0  }
0xa8: {  	s4 =	sshll.u32 s28, $0x1;
	[dreg:$0x2] =	wrdreg s2  }
0xa9: {  	[dreg:$0x3] =	wrdreg s4  }
0xaa: {  	[dreg:$0x4] =	wrdreg $0xC0  }
0xab: {  	_ =	task [dreg:s6], $0x5FFFF  }
0xac: {  	[dreg:$0x1] =	wrdreg $0xFFFFFFFF  }
0xad: {  	[dreg:$0x0] =	wrdreg $0x60  }
0xae: {  	[dreg:$0x2] =	wrdreg s24  }
0xaf: {  	[dreg:$0x3] =	wrdreg $0xA0000  }
0xb0: {  	[dreg:$0x4] =	wrdreg $0x9  }
0xb1: {  	_ =	task.clear_ibuf [dreg:s6], $0x5FFFF;
	_ =	strace $0x9000004C  }
0xb2: {  	s29 =	simm.s32 $0x9;
	_ =	strace $0x8000004E  }
0xb3: {  	_ =	swait.ge [sflag:s29], $0x1  }
0xb4: {  	[sflag:s29] =	ssyncadd.s32 $0xFFFFFFFF  }
0xb5: {  	_ =	strace $0x9000004E  }
0xb6: {  	_ =	sfence  }
0xb7: {  	s30 =	sld [smem:$0x0];
	_ =	sdelay $0x2  }
0xb8: {  	s31 =	sshll.u32 s1, $0xD;
	s1 =	sshrl.u32 s1, $0x2  }
0xb9: {  	s3 =	sand.u32 $0x4000, s31;
	s1 =	sadd.s32 s1, s30  }
0xba: {  	s0 =	sor.u32 s3, s0;
	s1 =	sshll.u32 s1, $0x11  }
0xbb: {  	s0 =	sor.u32 s1, s0  }
0xbc: {  	s0 =	sadd.s32 $0x8F2B, s0  }
0xbd: {  	[sflag:s0] =	ssyncadd.remote.s32 $0x1  }
0xbe: {  	_ =	sfence.sel $0xFFFF  }
0xbf: {  	[dreg:$0x0] =	wrdreg $0xFFFFFFFF;
	(pc) =	sbr.abs _section_cstart, $3  }
0xc0: {  	[dreg:$0x1] =	wrdreg $0xFFFFFFFF  }
0xc1: {  	_ =	task.clear_ibuf [dreg:s6], $0x2FFFF;
	_ =	strace $0x9FFFFFFF  }
0xc2: {  	(tm) =	ssettm $0x7FFFFFFF  }
0xc3: {  	_ =	shalt  }
tec
execute0_lowered:
.L_overlay_start_1:
0x0: {  	(tag) =	ssettag $0x1  }
0x1: {  	s0 =	rddreg [dreg:$0x0]  }
0x2: {  	s2 =	rddreg [dreg:$0x1];
	s3 =	simm.s32 $0x0  }
0x3: {  	s13 =	stileid.u32;
	s1 =	srdreg.scid;
	s14 =	simm.s32 $0x1000  }
0x4: {  	s15 =	simm.s32 $0x40;
	s16 =	simm.s32 $0x2000;
	s17 =	simm.s32 $0x80  }
0x5: {  	s18 =	simm.s32 $0x4000;
	s19 =	simm.s32 $0x100;
	s20 =	simm.s32 $0x6000  }
0x6: {  	s21 =	simm.s32 $0x180;
	s22 =	simm.s32 $0x8000;
	s23 =	simm.s32 $0x1  }
0x7: {  	s28 =	simm.s32 $0x1E00;
	s29 =	simm.s32 $0x1E80;
	s30 =	simm.s32 $0x1F00  }
0x8: {  	s31 =	simm.s32 $0x1F80;
	[smem:$0x7FF] =	sst s3;
	s7 =	smul.u32 $0x2800, s13  }
0x9: {  	s1 =	sand.u32 $0x1, s1;
	s4 =	sadd.s32 $0x2E600, s0;
	s5 =	sadd.s32 $0x6600, s0  }
0xa: {  	s6 =	sadd.s32 $0x1A600, s0;
	s10 =	smul.u32 $0x50000, s13;
	s26 =	sshll.u32 s13, $0x6  }
0xb: {  	_ =	strace $0x8000004D;
	s8 =	smul.u32 $0x28000, s1;
	s9 =	ssub.s32 $0x2, s1  }
0xc: {  	s1 =	sshll.u32 s1, $0x4;
	s24 =	sshrl.u32 s9, $0x1;
	s25 =	sshrl.u32 s10, $0x2  }
0xd: {  	s1 =	sor.u32 s13, s1;
	s13 =	simm.s32 $0x5;
	s8 =	sadd.s32 s7, s8  }
0xe: {  	s7 =	sadd.s32 s7, s0;
	s11 =	ssub.s32 s9, s24;
	s12 =	sadd.s32 s25, s2  }
0xf: {  	s9 =	smul.u32 $0x5000, s1;
	s24 =	simm.s32 $0x2;
	s25 =	simm.s32 $0x3  }
0x10: {  	s0 =	sadd.s32 s8, s0;
	s7 =	sadd.s32 $0x56600, s7;
	s8 =	sor.u32 $0x1C05, s26  }
0x11: {  	s11 =	smax.u32 s11, $0x1;
	[dreg:$0x3] =	wrdreg s7;
	s0 =	sadd.s32 $0x7E600, s0  }
0x12: {  	s12 =	sshrl.u32 s12, $0x3;
	s26 =	simm.s32 $0x4;
	[dreg:$0x4] =	wrdreg s0  }
.LBB2_1:
0x13: {  	s0 =	rddreg [dreg:$0x3]  }
0x14: {  	[spmem:s12], [sflag:s8] =	dma.local [hbm:s0], $0x2800  }
0x15: {  	_ =	swait.ge [sflag:s13], $0x2800  }
0x16: {  	[sflag:s13] =	ssyncset.done $0x0  }
0x17: {  	[sflag:s13] =	ssyncadd.s32 $0xFFFFD800  }
0x18: {  	s0 =	simm.s32 $0x0;
	[bflag:$0x0] =	sbarrier.arrive $0xFFFF  }
.LBB2_2:
0x19: {  	s1 =	sshll.u32 s0, $0xC  }
0x1a: {  	s1 =	sadd.s32 s9, s1  }
0x1b: {  	s1 =	sshrl.u32 s1, $0x3  }
0x1c: {  	s10 =	simm.s32 $0x0;
	s7 =	sadd.s32 s5, s1  }
0x1d: {  	[tilespmem:s10], [sflag:$0x5] =	stream.linear.gather [hbm4b:s7+s10], $0x1000, $0x38;
	[tilespmem:$0x1E000] =	vst v63  }
0x1e: {  	_ =	swait.ge [sflag:s13], $0x1000  }
0x1f: {  	[sflag:s13] =	ssyncset.done $0x0  }
0x20: {  	s1 =	sadd.s32 s6, s1;
	[sflag:s13] =	ssyncadd.s32 $0xFFFFF000  }
0x21: {  	[tilespmem:s14], [sflag:$0x5] =	stream.linear.gather [hbm4b:s1+s10], $0x1000, $0x38;
	[tilespmem:$0x1E000] =	vst v63  }
0x22: {  	_ =	swait.ge [sflag:s13], $0x1000  }
0x23: {  	[sflag:s13] =	ssyncset.done $0x0  }
0x24: {  	[sflag:s13] =	ssyncadd.s32 $0xFFFFF000  }
0x25: {  	[tilespmem:s16], [sflag:$0x1] =	stream.indirect.gather [hbm4b:s4+s15], $0x80, s10, s15, $0xb8;
	[tilespmem:$0x1E000] =	vst v63  }
0x26: {  	_ = 	snop  }
0x27: {  	[tilespmem:s18], [sflag:$0x2] =	stream.indirect.gather [hbm4b:s4+s15], $0x80, s17, s15, $0xb8;
	[tilespmem:$0x1E000] =	vst v63  }
0x28: {  	_ = 	snop  }
0x29: {  	[tilespmem:s20], [sflag:$0x3] =	stream.indirect.gather [hbm4b:s4+s15], $0x80, s19, s15, $0xb8;
	[tilespmem:$0x1E000] =	vst v63  }
0x2a: {  	_ = 	snop  }
0x2b: {  	[tilespmem:s22], [sflag:$0x4] =	stream.indirect.gather [hbm4b:s4+s15], $0x80, s21, s15, $0xb8;
	[tilespmem:$0x1E000] =	vst v63  }
0x2c: {  	_ =	swait.ge [sflag:s23], $0x2000  }
0x2d: {  	[sflag:s23] =	ssyncset.done $0x0  }
0x2e: {  	s10 =	simm.s32 $0x1000;
	[sflag:s23] =	ssyncadd.s32 $0xFFFFE000  }
0x2f: {  	[spmem:s2] =	stream.indirect.scatter.add.f32 [tilespmem:s16], [sflag:$0x5], $0x80, s10, s15, $0xb8;
	[tilespmem:$0x1E000] =	vst v63  }
0x30: {  	_ =	swait.ge [sflag:s13], $0x2000  }
0x31: {  	[sflag:s13] =	ssyncset.done $0x0  }
0x32: {  	s7 =	simm.s32 $0x200;
	[sflag:s13] =	ssyncadd.s32 $0xFFFFE000  }
0x33: {  	[tilespmem:s16], [sflag:$0x1] =	stream.indirect.gather [hbm4b:s4+s15], $0x80, s7, s15, $0xb8;
	[tilespmem:$0x1E000] =	vst v63  }
0x34: {  	_ =	swait.ge [sflag:s24], $0x2000  }
0x35: {  	[sflag:s24] =	ssyncset.done $0x0  }
0x36: {  	s10 =	simm.s32 $0x1080;
	[sflag:s24] =	ssyncadd.s32 $0xFFFFE000  }
0x37: {  	[spmem:s2] =	stream.indirect.scatter.add.f32 [tilespmem:s18], [sflag:$0x5], $0x80, s10, s15, $0xb8;
	[tilespmem:$0x1E000] =	vst v63  }
0x38: {  	_ =	swait.ge [sflag:s13], $0x2000  }
0x39: {  	[sflag:s13] =	ssyncset.done $0x0  }
0x3a: {  	s7 =	simm.s32 $0x280;
	[sflag:s13] =	ssyncadd.s32 $0xFFFFE000  }
0x3b: {  	[tilespmem:s18], [sflag:$0x2] =	stream.indirect.gather [hbm4b:s4+s15], $0x80, s7, s15, $0xb8;
	[tilespmem:$0x1E000] =	vst v63  }
0x3c: {  	_ =	swait.ge [sflag:s25], $0x2000  }
0x3d: {  	[sflag:s25] =	ssyncset.done $0x0  }
0x3e: {  	s10 =	simm.s32 $0x1100;
	[sflag:s25] =	ssyncadd.s32 $0xFFFFE000  }
0x3f: {  	[spmem:s2] =	stream.indirect.scatter.add.f32 [tilespmem:s20], [sflag:$0x5], $0x80, s10, s15, $0xb8;
	[tilespmem:$0x1E000] =	vst v63  }
0x40: {  	_ =	swait.ge [sflag:s13], $0x2000  }
0x41: {  	[sflag:s13] =	ssyncset.done $0x0  }
0x42: {  	s7 =	simm.s32 $0x300;
	[sflag:s13] =	ssyncadd.s32 $0xFFFFE000  }
0x43: {  	[tilespmem:s20], [sflag:$0x3] =	stream.indirect.gather [hbm4b:s4+s15], $0x80, s7, s15, $0xb8;
	[tilespmem:$0x1E000] =	vst v63  }
0x44: {  	_ =	swait.ge [sflag:s26], $0x2000  }
0x45: {  	[sflag:s26] =	ssyncset.done $0x0  }
0x46: {  	s10 =	simm.s32 $0x1180;
	[sflag:s26] =	ssyncadd.s32 $0xFFFFE000  }
0x47: {  	[spmem:s2] =	stream.indirect.scatter.add.f32 [tilespmem:s22], [sflag:$0x5], $0x80, s10, s15, $0xb8;
	[tilespmem:$0x1E000] =	vst v63  }
0x48: {  	_ =	swait.ge [sflag:s13], $0x2000  }
0x49: {  	[sflag:s13] =	ssyncset.done $0x0  }
0x4a: {  	s1 =	simm.s32 $0x800;
	s7 =	simm.s32 $0x380;
	[sflag:s13] =	ssyncadd.s32 $0xFFFFE000  }
.LBB2_3:
0x4b: {  	[tilespmem:s22], [sflag:$0x4] =	stream.indirect.gather [hbm4b:s4+s15], $0x80, s7, s15, $0xb8;
	[tilespmem:$0x1E000] =	vst v63  }
0x4c: {  	s7 =	smov.u32 s1  }
0x4d: {  	p0 =	sne.s32 s1, $0x3000;
	s1 =	sadd.s32 $0x800, s1;
	_ =	swait.ge [sflag:s23], $0x2000  }
0x4e: {  	s7 =	sshra.s32 s7, $0x2;
	[sflag:s23] =	ssyncset.done $0x0  }
0x4f: {  	s10 =	sadd.s32 $0x1000, s7;
	[sflag:s23] =	ssyncadd.s32 $0xFFFFE000  }
0x50: {  	[spmem:s2] =	stream.indirect.scatter.add.f32 [tilespmem:s16], [sflag:$0x5], $0x80, s10, s15, $0xb8;
	[tilespmem:$0x1E000] =	vst v63  }
0x51: {  	_ =	swait.ge [sflag:s13], $0x2000  }
0x52: {  	[sflag:s13] =	ssyncset.done $0x0  }
0x53: {  	s10 =	sadd.s32 $0x200, s7;
	[sflag:s13] =	ssyncadd.s32 $0xFFFFE000  }
0x54: {  	[tilespmem:s16], [sflag:$0x1] =	stream.indirect.gather [hbm4b:s4+s15], $0x80, s10, s15, $0xb8;
	[tilespmem:$0x1E000] =	vst v63  }
0x55: {  	_ =	swait.ge [sflag:s24], $0x2000  }
0x56: {  	[sflag:s24] =	ssyncset.done $0x0  }
0x57: {  	s10 =	sadd.s32 $0x1080, s7;
	[sflag:s24] =	ssyncadd.s32 $0xFFFFE000  }
0x58: {  	[spmem:s2] =	stream.indirect.scatter.add.f32 [tilespmem:s18], [sflag:$0x5], $0x80, s10, s15, $0xb8;
	[tilespmem:$0x1E000] =	vst v63  }
0x59: {  	_ =	swait.ge [sflag:s13], $0x2000  }
0x5a: {  	[sflag:s13] =	ssyncset.done $0x0  }
0x5b: {  	s10 =	sadd.s32 $0x280, s7;
	[sflag:s13] =	ssyncadd.s32 $0xFFFFE000  }
0x5c: {  	[tilespmem:s18], [sflag:$0x2] =	stream.indirect.gather [hbm4b:s4+s15], $0x80, s10, s15, $0xb8;
	[tilespmem:$0x1E000] =	vst v63  }
0x5d: {  	_ =	swait.ge [sflag:s25], $0x2000  }
0x5e: {  	[sflag:s25] =	ssyncset.done $0x0  }
0x5f: {  	s10 =	sadd.s32 $0x1100, s7;
	[sflag:s25] =	ssyncadd.s32 $0xFFFFE000  }
0x60: {  	[spmem:s2] =	stream.indirect.scatter.add.f32 [tilespmem:s20], [sflag:$0x5], $0x80, s10, s15, $0xb8;
	[tilespmem:$0x1E000] =	vst v63  }
0x61: {  	_ =	swait.ge [sflag:s13], $0x2000  }
0x62: {  	[sflag:s13] =	ssyncset.done $0x0  }
0x63: {  	s10 =	sadd.s32 $0x300, s7;
	[sflag:s13] =	ssyncadd.s32 $0xFFFFE000  }
0x64: {  	[tilespmem:s20], [sflag:$0x3] =	stream.indirect.gather [hbm4b:s4+s15], $0x80, s10, s15, $0xb8;
	[tilespmem:$0x1E000] =	vst v63  }
0x65: {  	_ =	swait.ge [sflag:s26], $0x2000  }
0x66: {  	[sflag:s26] =	ssyncset.done $0x0  }
.Ltmp0:
0x67: {  	s10 =	sadd.s32 $0x1180, s7;
	[sflag:s26] =	ssyncadd.s32 $0xFFFFE000;
	(pc) =	sbr.rel @p0 .LBB2_3-.Ltmp0, $4  }
0x68: {  	[spmem:s2] =	stream.indirect.scatter.add.f32 [tilespmem:s22], [sflag:$0x5], $0x80, s10, s15, $0xb8;
	[tilespmem:$0x1E000] =	vst v63  }
0x69: {  	_ =	swait.ge [sflag:s13], $0x2000  }
0x6a: {  	[sflag:s13] =	ssyncset.done $0x0  }
0x6b: {  	s7 =	sadd.s32 $0x380, s7;
	[sflag:s13] =	ssyncadd.s32 $0xFFFFE000  }
0x6c: {  	[tilespmem:s22], [sflag:$0x4] =	stream.indirect.gather [hbm4b:s4+s15], $0x80, s7, s15, $0xb8;
	[tilespmem:$0x1E000] =	vst v63  }
0x6d: {  	_ =	swait.ge [sflag:s23], $0x2000  }
0x6e: {  	[sflag:s23] =	ssyncset.done $0x0  }
0x6f: {  	[sflag:s23] =	ssyncadd.s32 $0xFFFFE000  }
0x70: {  	[spmem:s2] =	stream.indirect.scatter.add.f32 [tilespmem:s16], [sflag:$0x5], $0x80, s28, s15, $0xb8;
	[tilespmem:$0x1E000] =	vst v63  }
0x71: {  	_ =	swait.ge [sflag:s13], $0x2000  }
0x72: {  	[sflag:s13] =	ssyncset.done $0x0  }
0x73: {  	[sflag:s13] =	ssyncadd.s32 $0xFFFFE000  }
0x74: {  	_ =	swait.ge [sflag:s24], $0x2000  }
0x75: {  	[sflag:s24] =	ssyncset.done $0x0  }
0x76: {  	[sflag:s24] =	ssyncadd.s32 $0xFFFFE000  }
0x77: {  	[spmem:s2] =	stream.indirect.scatter.add.f32 [tilespmem:s18], [sflag:$0x5], $0x80, s29, s15, $0xb8;
	[tilespmem:$0x1E000] =	vst v63  }
0x78: {  	_ =	swait.ge [sflag:s13], $0x2000  }
0x79: {  	[sflag:s13] =	ssyncset.done $0x0  }
0x7a: {  	[sflag:s13] =	ssyncadd.s32 $0xFFFFE000  }
0x7b: {  	_ =	swait.ge [sflag:s25], $0x2000  }
0x7c: {  	[sflag:s25] =	ssyncset.done $0x0  }
0x7d: {  	[sflag:s25] =	ssyncadd.s32 $0xFFFFE000  }
0x7e: {  	[spmem:s2] =	stream.indirect.scatter.add.f32 [tilespmem:s20], [sflag:$0x5], $0x80, s30, s15, $0xb8;
	[tilespmem:$0x1E000] =	vst v63  }
0x7f: {  	_ =	swait.ge [sflag:s13], $0x2000  }
0x80: {  	[sflag:s13] =	ssyncset.done $0x0  }
0x81: {  	[sflag:s13] =	ssyncadd.s32 $0xFFFFE000  }
0x82: {  	s0 =	sadd.s32 $0x1, s0;
	_ =	swait.ge [sflag:s26], $0x2000  }
0x83: {  	p0 =	sne.s32 s0, $0x5;
	[sflag:s26] =	ssyncset.done $0x0  }
.Ltmp1:
0x84: {  	[sflag:s26] =	ssyncadd.s32 $0xFFFFE000;
	(pc) =	sbr.rel @p0 .LBB2_2-.Ltmp1, $4  }
0x85: {  	[spmem:s2] =	stream.indirect.scatter.add.f32 [tilespmem:s22], [sflag:$0x5], $0x80, s31, s15, $0xb8;
	[tilespmem:$0x1E000] =	vst v63  }
0x86: {  	_ =	swait.ge [sflag:s13], $0x2000  }
0x87: {  	[sflag:s13] =	ssyncset.done $0x0  }
0x88: {  	[sflag:s13] =	ssyncadd.s32 $0xFFFFE000  }
0x89: {  	s3 =	sadd.s32 $0x1, s3  }
0x8a: {  	[bflag:$0x0] =	sbarrier.arrive $0xFFFF;
	p0 =	sne.s32 s3, s11  }
.Ltmp2:
0x8b: {  	s0 =	rddreg [dreg:$0x4];
	(pc) =	sbr.rel @p0 .LBB2_1-.Ltmp2, $4  }
0x8c: {  	[hbm:s0], [sflag:s8] =	dma.local [spmem:s12], $0x2800  }
0x8d: {  	_ =	swait.ge [sflag:s13], $0x2800  }
0x8e: {  	[sflag:s13] =	ssyncset.done $0x0  }
0x8f: {  	[sflag:s13] =	ssyncadd.s32 $0xFFFFD800  }
0x90: {  	_ =	sfence.sel $0x180000  }
0x91: {  	[bflag:$0x0] =	sbarrier.arrive $0xFFFF  }
0x92: {  	_ =	strace $0x9000004D  }
0x93: {  	s0 =	stileid.u32;
	[bflag:$0x2] =	sbarrier.arrive $0xFFFF  }
0x94: {  	p0 =	sne.s32 s0, $0x0;
	s0 =	rddreg [dreg:$0x2]  }
0x95: {  	s0 =	sadd.s32 @!p0 $0x100000, s0  }
0x96: {  	[sflag:s0] =	ssyncadd.tile.s32 @!p0 $0x1;
	_ =	shalt  }
.Lfunc_end2:
_tile_overlayer_lowered:
.L_overlay_start_2:
0x97: {  	(tag) =	ssettag $0x2  }
0x98: {  	s0 =	rddreg [dreg:$0x0];
	s2 =	stileid.u32  }
0x99: {  	s1 =	rddreg [dreg:$0x1];
	p0 =	sne.s32 s2, $0x0  }
0x9a: {  	s3 =	rddreg [dreg:$0x2];
	[bflag:$0x3] =	sbarrier.arrive $0xFFFF;
	s2 =	simm.s32 @!p0 $0x1C05  }
0x9b: {  	[timem:s3], [sflag:s2] =	dma.local @!p0 [hbm:s0], s1  }
0x9c: {  	s0 =	simm.s32 @!p0 $0x5  }
0x9d: {  	_ =	swait.ge @!p0 [sflag:s0], s1  }
0x9e: {  	s1 =	ssub.s32 @!p0 $0x0, s1;
	[sflag:s0] =	ssyncset.done @!p0 $0x0  }
0x9f: {  	[sflag:s0] =	ssyncadd.s32 @!p0 s1  }
0xa0: {  	[bflag:$0x3] =	sbarrier.arrive $0xFFFF  }
0xa1: {  	_ =	shalt  }

</sc_bundles>
